<compile_context>
chip_gen: v7x
topology: tpu7x:2x2x1
jax: 0.10.2.dev20260603
libtpu: 0.0.44.dev20260713+nightly
codegen_flags: <defaults>
</compile_context>

<pallas_src>
import functools

import jax
import jax.numpy as jnp
from jax import lax
from jax.experimental import pallas as pl
from jax.experimental.pallas import tpu as pltpu
from jax.experimental.pallas import tpu_sc as plsc

N = 4096
B = 4
S = 1024
DF = 64
ND = 4
NP = 64
NF = 128
K = 40
KR = 41
KP = 48
RT = 1024
NPROG = N // RT
IDX_MASK = 1023


def _k1_body(xseg_ref, xtseg_ref, ws_ref, wst_ref, bs_row_ref, bs_col_ref,
             wf_ref, bf_row_ref, nidx_ref, wv_ref, feats_ref):
    i = pl.program_id(0)
    rt = i % (S // RT)
    row0 = pl.multiple_of(rt * RT, RT)
    xrows = xseg_ref[pl.ds(row0, RT), :]
    crows = jnp.dot(xrows, ws_ref[...],
                    preferred_element_type=jnp.float32) + bs_row_ref[...]
    feats_ref[...] = jnp.dot(xrows, wf_ref[...],
                             preferred_element_type=jnp.float32) + bf_row_ref[...]
    coords_t = jnp.dot(wst_ref[...], xtseg_ref[...],
                       preferred_element_type=jnp.float32) + bs_col_ref[...]
    d2 = None
    for d in range(ND):
        diff = crows[:, d:d + 1] - coords_t[d:d + 1, :]
        sq = diff * diff
        d2 = sq if d2 is None else d2 + sq
    bits = lax.bitcast_convert_type(d2, jnp.int32)
    jrow = lax.broadcasted_iota(jnp.int32, (RT, S), 0)
    keyi = jnp.bitwise_or(jnp.bitwise_and(bits, jnp.int32(~IDX_MASK)), jrow)
    key = lax.bitcast_convert_type(keyi, jnp.float32)
    sentinel = jnp.float32(3.4028235e38)

    rowsp = lax.broadcasted_iota(jnp.int32, (KP, S), 0)

    def round_body(k, carry):
        mprev, macc = carry
        cand = jnp.where(key > mprev, key, sentinel)
        m = jnp.min(cand, axis=0, keepdims=True)
        sel = rowsp == (k - 1)
        macc = jnp.where(sel, m, macc)
        return m, macc

    m0 = jnp.full((1, S), -1.0, jnp.float32)
    macc0 = jnp.full((KP, S), 3.0e38, jnp.float32)
    _, macc = lax.fori_loop(0, KR, round_body, (m0, macc0))
    mi = lax.bitcast_convert_type(macc, jnp.int32)
    nidx_ref[...] = jnp.transpose(jnp.bitwise_and(mi, jnp.int32(IDX_MASK)))
    nd2 = lax.bitcast_convert_type(
        jnp.bitwise_and(mi, jnp.int32(~IDX_MASK)), jnp.float32)
    wv_ref[...] = jnp.transpose(jnp.exp(-(nd2 * 10.0 + 1e-5)))


def _k1(x, xt, ws, wst, bs_row, bs_col, wf, bf_row):
    return pl.pallas_call(
        _k1_body,
        grid=(NPROG,),
        in_specs=[
            pl.BlockSpec((S, DF), lambda i: (i // (S // RT), 0)),
            pl.BlockSpec((DF, S), lambda i: (0, i // (S // RT))),
            pl.BlockSpec((DF, ND), lambda i: (0, 0)),
            pl.BlockSpec((ND, DF), lambda i: (0, 0)),
            pl.BlockSpec((1, ND), lambda i: (0, 0)),
            pl.BlockSpec((ND, 1), lambda i: (0, 0)),
            pl.BlockSpec((DF, NP), lambda i: (0, 0)),
            pl.BlockSpec((1, NP), lambda i: (0, 0)),
        ],
        out_specs=[
            pl.BlockSpec((S, KP), lambda i: (i, 0)),
            pl.BlockSpec((S, KP), lambda i: (i, 0)),
            pl.BlockSpec((RT, NP), lambda i: (i, 0)),
        ],
        out_shape=[
            jax.ShapeDtypeStruct((N, KP), jnp.int32),
            jax.ShapeDtypeStruct((N, KP), jnp.float32),
            jax.ShapeDtypeStruct((N, NP), jnp.float32),
        ],
    )(x, xt, ws, wst, bs_row, bs_col, wf, bf_row)



_PTS = N // 32
_FV = NP // 16


def _k2_body(feats_hbm, nidx_hbm, wv_hbm, out_hbm,
             feats_v, nidx_v, wv_v, out_v):
    cid = lax.axis_index("c")
    sid = lax.axis_index("s")
    wid = sid * 2 + cid
    base = wid * _PTS
    seg = wid // (S // _PTS)
    pltpu.sync_copy(feats_hbm.at[pl.ds(seg * (S * NP), S * NP)], feats_v)
    pltpu.sync_copy(nidx_hbm.at[pl.ds(base * KP, _PTS * KP)], nidx_v)
    pltpu.sync_copy(wv_hbm.at[pl.ds(base * KP, _PTS * KP)], wv_v)

    def point_body(p, carry):
        ivs = [nidx_v[pl.ds(p * KP + t * 16, 16)] for t in range(KP // 16)]
        wvs = [wv_v[pl.ds(p * KP + t * 16, 16)] for t in range(KP // 16)]
        mx = [jnp.full((16,), -jnp.inf, jnp.float32) for _ in range(_FV)]
        sm = [jnp.zeros((16,), jnp.float32) for _ in range(_FV)]
        for n in range(K):
            idx = ivs[n // 16][n % 16]
            w = wvs[n // 16][n % 16]
            for c in range(_FV):
                v = feats_v[pl.ds(idx * NP + c * 16, 16)] * w
                mx[c] = jnp.maximum(mx[c], v)
                sm[c] = sm[c] + v
        for c in range(_FV):
            out_v[pl.ds(p * (2 * NP) + c * 16, 16)] = mx[c]
            out_v[pl.ds(p * (2 * NP) + NP + c * 16, 16)] = sm[c] * (1.0 / K)
        return carry

    lax.fori_loop(0, _PTS, point_body, 0)
    pltpu.sync_copy(out_v, out_hbm.at[pl.ds(base * (2 * NP), _PTS * 2 * NP)])


def _k2(feats, nidx, wv):
    mesh = plsc.VectorSubcoreMesh(core_axis_name="c", subcore_axis_name="s")
    fn = pl.kernel(
        _k2_body,
        out_type=jax.ShapeDtypeStruct((N * 2 * NP,), jnp.float32),
        mesh=mesh,
        scratch_types=[
            pltpu.VMEM((S * NP,), jnp.float32),
            pltpu.VMEM((_PTS * KP,), jnp.int32),
            pltpu.VMEM((_PTS * KP,), jnp.float32),
            pltpu.VMEM((_PTS * 2 * NP,), jnp.float32),
        ],
    )
    return fn(feats.reshape(-1), nidx.reshape(-1),
              wv.reshape(-1)).reshape(N, 2 * NP)



_R3 = 512


def _k3_body(x_ref, coll_ref, w1x_ref, w1c_ref, b1_ref, out_ref):
    acc = jnp.dot(x_ref[...], w1x_ref[...], preferred_element_type=jnp.float32)
    acc = acc + jnp.dot(coll_ref[...], w1c_ref[...],
                        preferred_element_type=jnp.float32)
    out_ref[...] = jnp.tanh(acc + b1_ref[...])


def _k3(x, coll, w1x, w1c, b1_row):
    return pl.pallas_call(
        _k3_body,
        grid=(N // _R3,),
        in_specs=[
            pl.BlockSpec((_R3, DF), lambda i: (i, 0)),
            pl.BlockSpec((_R3, 2 * NP), lambda i: (i, 0)),
            pl.BlockSpec((DF, NF), lambda i: (0, 0)),
            pl.BlockSpec((2 * NP, NF), lambda i: (0, 0)),
            pl.BlockSpec((1, NF), lambda i: (0, 0)),
        ],
        out_specs=pl.BlockSpec((_R3, NF), lambda i: (i, 0)),
        out_shape=jax.ShapeDtypeStruct((N, NF), jnp.float32),
    )(x, coll, w1x, w1c, b1_row)


def kernel(x, row_splits, Ws, bs, Wf, bf, W1, b1):
    xt = x.T
    wst = Ws.T
    nidx, wv, feats = _k1(x, xt, Ws, wst, bs.reshape(1, ND),
                          bs.reshape(ND, 1), Wf, bf.reshape(1, NP))
    coll = _k2(feats, nidx, wv)
    return _k3(x, coll, W1[:DF], W1[DF:], b1.reshape(1, NF))

# --- scband reference (transcript-rebuilt; emitter-appended) ---
"""Pipeline reference for scband-ragged-grav-net-58325655880003 (READ-ONLY COPY).

The authoritative reference and input builder live on the scoring server;
editing this copy changes nothing except your own understanding.
"""

import jax, jax.numpy as jnp
import numpy as np

N = 4096
B = 4
S = N // B
D_FEAT = 64
N_NEIGH = 40
N_DIM = 4
N_PROP = 64
N_FILT = 128


def setup_inputs(seed: int = 0) -> dict:
    key = jax.random.key(seed)
    ks = jax.random.split(key, 8)
    x = jax.random.normal(ks[0], (N, D_FEAT), dtype=jnp.float32)
    # row_splits: equal segments [0, 1024, 2048, 3072, 4096]
    row_splits = jnp.arange(B + 1, dtype=jnp.int32) * S
    # learned params
    Ws = jax.random.normal(ks[1], (D_FEAT, N_DIM), dtype=jnp.float32) * (1.0 / np.sqrt(D_FEAT))
    bs = jnp.zeros((N_DIM,), dtype=jnp.float32)
    Wf = jax.random.normal(ks[2], (D_FEAT, N_PROP), dtype=jnp.float32) * (1.0 / np.sqrt(D_FEAT))
    bf = jnp.zeros((N_PROP,), dtype=jnp.float32)
    in_dim = D_FEAT + 2 * N_PROP
    W1 = jax.random.normal(ks[3], (in_dim, N_FILT), dtype=jnp.float32) * (1.0 / np.sqrt(in_dim))
    b1 = jnp.zeros((N_FILT,), dtype=jnp.float32)
    return {"x": x, "row_splits": row_splits, "Ws": Ws, "bs": bs, "Wf": Wf, "bf": bf, "W1": W1, "b1": b1}


def _ragged_knn(coords, k):
    # equal-sized segments: reshape to [B, S, D] and do per-segment brute-force KNN
    c = coords.reshape(B, S, -1)
    d2 = jnp.sum((c[:, :, None, :] - c[:, None, :, :]) ** 2, axis=-1)  # [B, S, S]
    _, idx = jax.lax.top_k(-d2, k + 1)  # [B, S, k+1]; self is nearest (dist 0)
    offsets = (jnp.arange(B, dtype=idx.dtype) * S)[:, None, None]
    gidx = (idx + offsets).reshape(N, k + 1)
    return gidx[:, 1:]  # drop self -> [N, k]


def gauss_of_lin(x):
    return jnp.exp(-jnp.abs(x))


def reference(x, row_splits, Ws, bs, Wf, bf, W1, b1):
    coordinates = x @ Ws + bs  # [N, n_dim]
    in_features = x @ Wf + bf  # [N, n_prop]
    nidx = _ragged_knn(coordinates, N_NEIGH)  # [N, K] global indices
    # distances & weights in learned space
    neigh_coords = jnp.take(coordinates, nidx, axis=0)  # [N, K, n_dim]
    simple_distance = coordinates[:, None, :] - neigh_coords
    rot_distance = jnp.sum(simple_distance ** 2, axis=-1)  # [N, K]
    weights = gauss_of_lin(rot_distance * 10.0 + 1e-05)[..., None]  # [N, K, 1]
    # single output_feature_transform layer
    features = in_features
    neighbour_features = jnp.take(features, nidx, axis=0)  # [N, K, n_prop]
    weighted = neighbour_features * weights
    neighbours_max = jnp.max(weighted, axis=1)
    neighbours_mean = jnp.mean(weighted, axis=1)
    collected = jnp.concatenate([neighbours_max, neighbours_mean], axis=-1)
    features = jnp.concatenate([x, collected], axis=-1)
    features = jnp.tanh(features @ W1 + b1)
    return features


if False:  # reference __main__ guard neutralized (emitter)
    out = reference(**setup_inputs())
    print(out.shape, out.dtype)

if __name__ == "__main__":
    import jax
    _d = setup_inputs()
    print(jax.jit(kernel)(*tuple(_d.values())))

</pallas_src>

<mosaic_0001>
#map = affine_map<(d0, d1) -> (0)>
module attributes {stable_mosaic.version = 14 : i64} {
  func.func @_k2_body(%arg0: i32, %arg1: i32, %arg2: memref<262144xf32, #tpu.memory_space<hbm>>, %arg3: memref<196608xi32, #tpu.memory_space<hbm>>, %arg4: memref<196608xf32, #tpu.memory_space<hbm>>, %arg5: memref<524288xf32, #tpu.memory_space<hbm>>, %arg6: memref<65536xf32, #tpu.memory_space<vmem>>, %arg7: memref<6144xi32, #tpu.memory_space<vmem>>, %arg8: memref<6144xf32, #tpu.memory_space<vmem>>, %arg9: memref<16384xf32, #tpu.memory_space<vmem>>) attributes {dimension_semantics = [#tpu.dimension_semantics<core_parallel>, #tpu.dimension_semantics<subcore_parallel>], iteration_bounds = array<i64: 2, 16>, scalar_prefetch = 0 : i64, scratch_operands = 4 : i64, tpu.core_type = #tpu.core_type<sc_vector_subcore>, window_params = [{transform_indices = #map}, {transform_indices = #map}, {transform_indices = #map}, {transform_indices = #map}]} {
    %mul3A = arith.constant 2 : i32
    %mul3A_0 = arith.muli %arg1, %mul3A : i32
    %add3A = arith.addi %mul3A_0, %arg0 : i32
    %mul3A_1 = arith.constant 128 : i32
    %mul3A_2 = arith.muli %add3A, %mul3A_1 : i32
    %jit3A = arith.constant 8 : i32
    %div3A = arith.divsi %add3A, %jit3A : i32
    %sign3A = arith.constant 0 : i32
    %sign3A_3 = arith.cmpi sgt, %add3A, %sign3A : i32
    %sign3A_4 = arith.extui %sign3A_3 : i1 to i32
    %sign3A_5 = arith.constant 0 : i32
    %sign3A_6 = arith.cmpi slt, %add3A, %sign3A_5 : i32
    %sign3A_7 = arith.extui %sign3A_6 : i1 to i32
    %sign3A_8 = arith.subi %sign3A_4, %sign3A_7 : i32
    %sign3A_9 = arith.constant 0 : i32
    %sign3A_10 = arith.cmpi sgt, %jit3A, %sign3A_9 : i32
    %sign3A_11 = arith.extui %sign3A_10 : i1 to i32
    %sign3A_12 = arith.constant 0 : i32
    %sign3A_13 = arith.cmpi slt, %jit3A, %sign3A_12 : i32
    %sign3A_14 = arith.extui %sign3A_13 : i1 to i32
    %sign3A_15 = arith.subi %sign3A_11, %sign3A_14 : i32
    %ne3A = arith.cmpi ne, %sign3A_8, %sign3A_15 : i32
    %rem3A = arith.remsi %add3A, %jit3A : i32
    %ne3A_16 = arith.constant 0 : i32
    %ne3A_17 = arith.cmpi ne, %rem3A, %ne3A_16 : i32
    %and3A = arith.andi %ne3A, %ne3A_17 : i1
    %sub3A = arith.constant 1 : i32
    %sub3A_18 = arith.subi %div3A, %sub3A : i32
    %select_n3A = arith.select %and3A, %sub3A_18, %div3A : i32
    %mul3A_19 = arith.constant 65536 : i32
    %mul3A_20 = arith.muli %select_n3A, %mul3A_19 : i32
    "tpu.region"() ({
      %run_scoped3A = tpu.sem_alloc : memref<!tpu.dma_semaphore, #tpu.memory_space<semaphore_mem>>
      %dma_start3A = tpu.memref_slice %arg2[%mul3A_20] : memref<262144xf32, #tpu.memory_space<hbm>> -> memref<65536xf32, #tpu.memory_space<hbm>>
      %dma_start3A_32 = tpu.memref_slice %arg2[%mul3A_20] : memref<262144xf32, #tpu.memory_space<hbm>> -> memref<65536xf32, #tpu.memory_space<hbm>>
      tpu.enqueue_dma source(%dma_start3A_32 : memref<65536xf32, #tpu.memory_space<hbm>>) target(%arg6 : memref<65536xf32, #tpu.memory_space<vmem>>) target_semaphore(%run_scoped3A : memref<!tpu.dma_semaphore, #tpu.memory_space<semaphore_mem>>)
      %dma_wait3A = tpu.memref_slice %arg2[%mul3A_20] : memref<262144xf32, #tpu.memory_space<hbm>> -> memref<65536xf32, #tpu.memory_space<hbm>>
      %dma_wait3A_33 = tpu.memref_slice %arg2[%mul3A_20] : memref<262144xf32, #tpu.memory_space<hbm>> -> memref<65536xf32, #tpu.memory_space<hbm>>
      tpu.wait_dma2 semaphore(%run_scoped3A : memref<!tpu.dma_semaphore, #tpu.memory_space<semaphore_mem>>) src(%dma_wait3A_33 : memref<65536xf32, #tpu.memory_space<hbm>>) dst(%arg6 : memref<65536xf32, #tpu.memory_space<vmem>>)
      tpu.yield
    }) : () -> ()
    %mul3A_21 = arith.constant 48 : i32
    %mul3A_22 = arith.muli %mul3A_2, %mul3A_21 : i32
    "tpu.region"() ({
      %run_scoped3A = tpu.sem_alloc : memref<!tpu.dma_semaphore, #tpu.memory_space<semaphore_mem>>
      %dma_start3A = tpu.memref_slice %arg3[%mul3A_22] : memref<196608xi32, #tpu.memory_space<hbm>> -> memref<6144xi32, #tpu.memory_space<hbm>>
      %dma_start3A_32 = tpu.memref_slice %arg3[%mul3A_22] : memref<196608xi32, #tpu.memory_space<hbm>> -> memref<6144xi32, #tpu.memory_space<hbm>>
      tpu.enqueue_dma source(%dma_start3A_32 : memref<6144xi32, #tpu.memory_space<hbm>>) target(%arg7 : memref<6144xi32, #tpu.memory_space<vmem>>) target_semaphore(%run_scoped3A : memref<!tpu.dma_semaphore, #tpu.memory_space<semaphore_mem>>)
      %dma_wait3A = tpu.memref_slice %arg3[%mul3A_22] : memref<196608xi32, #tpu.memory_space<hbm>> -> memref<6144xi32, #tpu.memory_space<hbm>>
      %dma_wait3A_33 = tpu.memref_slice %arg3[%mul3A_22] : memref<196608xi32, #tpu.memory_space<hbm>> -> memref<6144xi32, #tpu.memory_space<hbm>>
      tpu.wait_dma2 semaphore(%run_scoped3A : memref<!tpu.dma_semaphore, #tpu.memory_space<semaphore_mem>>) src(%dma_wait3A_33 : memref<6144xi32, #tpu.memory_space<hbm>>) dst(%arg7 : memref<6144xi32, #tpu.memory_space<vmem>>)
      tpu.yield
    }) : () -> ()
    %mul3A_23 = arith.constant 48 : i32
    %mul3A_24 = arith.muli %mul3A_2, %mul3A_23 : i32
    "tpu.region"() ({
      %run_scoped3A = tpu.sem_alloc : memref<!tpu.dma_semaphore, #tpu.memory_space<semaphore_mem>>
      %dma_start3A = tpu.memref_slice %arg4[%mul3A_24] : memref<196608xf32, #tpu.memory_space<hbm>> -> memref<6144xf32, #tpu.memory_space<hbm>>
      %dma_start3A_32 = tpu.memref_slice %arg4[%mul3A_24] : memref<196608xf32, #tpu.memory_space<hbm>> -> memref<6144xf32, #tpu.memory_space<hbm>>
      tpu.enqueue_dma source(%dma_start3A_32 : memref<6144xf32, #tpu.memory_space<hbm>>) target(%arg8 : memref<6144xf32, #tpu.memory_space<vmem>>) target_semaphore(%run_scoped3A : memref<!tpu.dma_semaphore, #tpu.memory_space<semaphore_mem>>)
      %dma_wait3A = tpu.memref_slice %arg4[%mul3A_24] : memref<196608xf32, #tpu.memory_space<hbm>> -> memref<6144xf32, #tpu.memory_space<hbm>>
      %dma_wait3A_33 = tpu.memref_slice %arg4[%mul3A_24] : memref<196608xf32, #tpu.memory_space<hbm>> -> memref<6144xf32, #tpu.memory_space<hbm>>
      tpu.wait_dma2 semaphore(%run_scoped3A : memref<!tpu.dma_semaphore, #tpu.memory_space<semaphore_mem>>) src(%dma_wait3A_33 : memref<6144xf32, #tpu.memory_space<hbm>>) dst(%arg8 : memref<6144xf32, #tpu.memory_space<vmem>>)
      tpu.yield
    }) : () -> ()
    %scan3A = arith.constant 0 : i32
    %scan3A_25 = arith.constant 0 : i32
    %scan3A_26 = arith.constant 128 : i32
    %scan3A_27 = arith.addi %scan3A_25, %scan3A_26 : i32
    %scan3A_28 = arith.constant 1 : i32
    scf.for %scan3A_32 = %scan3A_25 to %scan3A_27 step %scan3A_28  : i32 {
      %mul3A_33 = arith.constant 48 : i32
      %mul3A_34 = arith.muli %scan3A_32, %mul3A_33 : i32
      %add3A_35 = arith.constant 0 : i32
      %add3A_36 = arith.addi %mul3A_34, %add3A_35 : i32
      %get3A = arith.index_cast %add3A_36 : i32 to index
      %get3A_37 = tpu.vector_load %arg7[%get3A] {strides = array<i32>} : memref<6144xi32, #tpu.memory_space<vmem>>, vector<16xi32>,
      %get3A_38 = vector.shape_cast %get3A_37 : vector<16xi32> to vector<16xi32>
      %mul3A_39 = arith.constant 48 : i32
      %mul3A_40 = arith.muli %scan3A_32, %mul3A_39 : i32
      %add3A_41 = arith.constant 16 : i32
      %add3A_42 = arith.addi %mul3A_40, %add3A_41 : i32
      %get3A_43 = arith.index_cast %add3A_42 : i32 to index
      %get3A_44 = tpu.vector_load %arg7[%get3A_43] {strides = array<i32>} : memref<6144xi32, #tpu.memory_space<vmem>>, vector<16xi32>,
      %get3A_45 = vector.shape_cast %get3A_44 : vector<16xi32> to vector<16xi32>
      %mul3A_46 = arith.constant 48 : i32
      %mul3A_47 = arith.muli %scan3A_32, %mul3A_46 : i32
      %add3A_48 = arith.constant 32 : i32
      %add3A_49 = arith.addi %mul3A_47, %add3A_48 : i32
      %get3A_50 = arith.index_cast %add3A_49 : i32 to index
      %get3A_51 = tpu.vector_load %arg7[%get3A_50] {strides = array<i32>} : memref<6144xi32, #tpu.memory_space<vmem>>, vector<16xi32>,
      %get3A_52 = vector.shape_cast %get3A_51 : vector<16xi32> to vector<16xi32>
      %mul3A_53 = arith.constant 48 : i32
      %mul3A_54 = arith.muli %scan3A_32, %mul3A_53 : i32
      %add3A_55 = arith.constant 0 : i32
      %add3A_56 = arith.addi %mul3A_54, %add3A_55 : i32
      %get3A_57 = arith.index_cast %add3A_56 : i32 to index
      %get3A_58 = tpu.vector_load %arg8[%get3A_57] {strides = array<i32>} : memref<6144xf32, #tpu.memory_space<vmem>>, vector<16xf32>,
      %get3A_59 = vector.shape_cast %get3A_58 : vector<16xf32> to vector<16xf32>
      %mul3A_60 = arith.constant 48 : i32
      %mul3A_61 = arith.muli %scan3A_32, %mul3A_60 : i32
      %add3A_62 = arith.constant 16 : i32
      %add3A_63 = arith.addi %mul3A_61, %add3A_62 : i32
      %get3A_64 = arith.index_cast %add3A_63 : i32 to index
      %get3A_65 = tpu.vector_load %arg8[%get3A_64] {strides = array<i32>} : memref<6144xf32, #tpu.memory_space<vmem>>, vector<16xf32>,
      %get3A_66 = vector.shape_cast %get3A_65 : vector<16xf32> to vector<16xf32>
      %mul3A_67 = arith.constant 48 : i32
      %mul3A_68 = arith.muli %scan3A_32, %mul3A_67 : i32
      %add3A_69 = arith.constant 32 : i32
      %add3A_70 = arith.addi %mul3A_68, %add3A_69 : i32
      %get3A_71 = arith.index_cast %add3A_70 : i32 to index
      %get3A_72 = tpu.vector_load %arg8[%get3A_71] {strides = array<i32>} : memref<6144xf32, #tpu.memory_space<vmem>>, vector<16xf32>,
      %get3A_73 = vector.shape_cast %get3A_72 : vector<16xf32> to vector<16xf32>
      %broadcast_in_dim3A = arith.constant 0xFF800000 : f32
      %broadcast_in_dim3A_74 = vector.broadcast %broadcast_in_dim3A : f32 to vector<16xf32>
      %broadcast_in_dim3A_75 = arith.constant 0xFF800000 : f32
      %broadcast_in_dim3A_76 = vector.broadcast %broadcast_in_dim3A_75 : f32 to vector<16xf32>
      %broadcast_in_dim3A_77 = arith.constant 0xFF800000 : f32
      %broadcast_in_dim3A_78 = vector.broadcast %broadcast_in_dim3A_77 : f32 to vector<16xf32>
      %broadcast_in_dim3A_79 = arith.constant 0xFF800000 : f32
      %broadcast_in_dim3A_80 = vector.broadcast %broadcast_in_dim3A_79 : f32 to vector<16xf32>
      %broadcast_in_dim3A_81 = arith.constant 0.000000e+00 : f32
      %broadcast_in_dim3A_82 = vector.broadcast %broadcast_in_dim3A_81 : f32 to vector<16xf32>
      %broadcast_in_dim3A_83 = arith.constant 0.000000e+00 : f32
      %broadcast_in_dim3A_84 = vector.broadcast %broadcast_in_dim3A_83 : f32 to vector<16xf32>
      %broadcast_in_dim3A_85 = arith.constant 0.000000e+00 : f32
      %broadcast_in_dim3A_86 = vector.broadcast %broadcast_in_dim3A_85 : f32 to vector<16xf32>
      %broadcast_in_dim3A_87 = arith.constant 0.000000e+00 : f32
      %broadcast_in_dim3A_88 = vector.broadcast %broadcast_in_dim3A_87 : f32 to vector<16xf32>
      %slice3A = vector.extract_strided_slice %get3A_38 {offsets = [0], sizes = [1], strides = [1]} : vector<16xi32> to vector<1xi32>
      %squeeze3A = vector.extract %slice3A[0] : i32 from vector<1xi32>
      %slice3A_89 = vector.extract_strided_slice %get3A_59 {offsets = [0], sizes = [1], strides = [1]} : vector<16xf32> to vector<1xf32>
      %squeeze3A_90 = vector.extract %slice3A_89[0] : f32 from vector<1xf32>
      %mul3A_91 = arith.constant 64 : i32
      %mul3A_92 = arith.muli %squeeze3A, %mul3A_91 : i32
      %add3A_93 = arith.constant 0 : i32
      %add3A_94 = arith.addi %mul3A_92, %add3A_93 : i32
      %get3A_95 = arith.index_cast %add3A_94 : i32 to index
      %get3A_96 = tpu.vector_load %arg6[%get3A_95] {strides = array<i32>} : memref<65536xf32, #tpu.memory_space<vmem>>, vector<16xf32>,
      %get3A_97 = vector.shape_cast %get3A_96 : vector<16xf32> to vector<16xf32>
      %mul3A_98 = vector.broadcast %squeeze3A_90 : f32 to vector<16xf32>
      %mul3A_99 = arith.mulf %get3A_97, %mul3A_98 : vector<16xf32>
      %max3A = arith.maximumf %broadcast_in_dim3A_74, %mul3A_99 : vector<16xf32>
      %add3A_100 = arith.addf %broadcast_in_dim3A_82, %mul3A_99 : vector<16xf32>
      %mul3A_101 = arith.constant 64 : i32
      %mul3A_102 = arith.muli %squeeze3A, %mul3A_101 : i32
      %add3A_103 = arith.constant 16 : i32
      %add3A_104 = arith.addi %mul3A_102, %add3A_103 : i32
      %get3A_105 = arith.index_cast %add3A_104 : i32 to index
      %get3A_106 = tpu.vector_load %arg6[%get3A_105] {strides = array<i32>} : memref<65536xf32, #tpu.memory_space<vmem>>, vector<16xf32>,
      %get3A_107 = vector.shape_cast %get3A_106 : vector<16xf32> to vector<16xf32>
      %mul3A_108 = vector.broadcast %squeeze3A_90 : f32 to vector<16xf32>
      %mul3A_109 = arith.mulf %get3A_107, %mul3A_108 : vector<16xf32>
      %max3A_110 = arith.maximumf %broadcast_in_dim3A_76, %mul3A_109 : vector<16xf32>
      %add3A_111 = arith.addf %broadcast_in_dim3A_84, %mul3A_109 : vector<16xf32>
      %mul3A_112 = arith.constant 64 : i32
      %mul3A_113 = arith.muli %squeeze3A, %mul3A_112 : i32
      %add3A_114 = arith.constant 32 : i32
      %add3A_115 = arith.addi %mul3A_113, %add3A_114 : i32
      %get3A_116 = arith.index_cast %add3A_115 : i32 to index
      %get3A_117 = tpu.vector_load %arg6[%get3A_116] {strides = array<i32>} : memref<65536xf32, #tpu.memory_space<vmem>>, vector<16xf32>,
      %get3A_118 = vector.shape_cast %get3A_117 : vector<16xf32> to vector<16xf32>
      %mul3A_119 = vector.broadcast %squeeze3A_90 : f32 to vector<16xf32>
      %mul3A_120 = arith.mulf %get3A_118, %mul3A_119 : vector<16xf32>
      %max3A_121 = arith.maximumf %broadcast_in_dim3A_78, %mul3A_120 : vector<16xf32>
      %add3A_122 = arith.addf %broadcast_in_dim3A_86, %mul3A_120 : vector<16xf32>
      %mul3A_123 = arith.constant 64 : i32
      %mul3A_124 = arith.muli %squeeze3A, %mul3A_123 : i32
      %add3A_125 = arith.constant 48 : i32
      %add3A_126 = arith.addi %mul3A_124, %add3A_125 : i32
      %get3A_127 = arith.index_cast %add3A_126 : i32 to index
      %get3A_128 = tpu.vector_load %arg6[%get3A_127] {strides = array<i32>} : memref<65536xf32, #tpu.memory_space<vmem>>, vector<16xf32>,
      %get3A_129 = vector.shape_cast %get3A_128 : vector<16xf32> to vector<16xf32>
      %mul3A_130 = vector.broadcast %squeeze3A_90 : f32 to vector<16xf32>
      %mul3A_131 = arith.mulf %get3A_129, %mul3A_130 : vector<16xf32>
      %max3A_132 = arith.maximumf %broadcast_in_dim3A_80, %mul3A_131 : vector<16xf32>
      %add3A_133 = arith.addf %broadcast_in_dim3A_88, %mul3A_131 : vector<16xf32>
      %slice3A_134 = vector.extract_strided_slice %get3A_38 {offsets = [1], sizes = [1], strides = [1]} : vector<16xi32> to vector<1xi32>
      %squeeze3A_135 = vector.extract %slice3A_134[0] : i32 from vector<1xi32>
      %slice3A_136 = vector.extract_strided_slice %get3A_59 {offsets = [1], sizes = [1], strides = [1]} : vector<16xf32> to vector<1xf32>
      %squeeze3A_137 = vector.extract %slice3A_136[0] : f32 from vector<1xf32>
      %mul3A_138 = arith.constant 64 : i32
      %mul3A_139 = arith.muli %squeeze3A_135, %mul3A_138 : i32
      %add3A_140 = arith.constant 0 : i32
      %add3A_141 = arith.addi %mul3A_139, %add3A_140 : i32
      %get3A_142 = arith.index_cast %add3A_141 : i32 to index
      %get3A_143 = tpu.vector_load %arg6[%get3A_142] {strides = array<i32>} : memref<65536xf32, #tpu.memory_space<vmem>>, vector<16xf32>,
      %get3A_144 = vector.shape_cast %get3A_143 : vector<16xf32> to vector<16xf32>
      %mul3A_145 = vector.broadcast %squeeze3A_137 : f32 to vector<16xf32>
      %mul3A_146 = arith.mulf %get3A_144, %mul3A_145 : vector<16xf32>
      %max3A_147 = arith.maximumf %max3A, %mul3A_146 : vector<16xf32>
      %add3A_148 = arith.addf %add3A_100, %mul3A_146 : vector<16xf32>
      %mul3A_149 = arith.constant 64 : i32
      %mul3A_150 = arith.muli %squeeze3A_135, %mul3A_149 : i32
      %add3A_151 = arith.constant 16 : i32
      %add3A_152 = arith.addi %mul3A_150, %add3A_151 : i32
      %get3A_153 = arith.index_cast %add3A_152 : i32 to index
      %get3A_154 = tpu.vector_load %arg6[%get3A_153] {strides = array<i32>} : memref<65536xf32, #tpu.memory_space<vmem>>, vector<16xf32>,
      %get3A_155 = vector.shape_cast %get3A_154 : vector<16xf32> to vector<16xf32>
      %mul3A_156 = vector.broadcast %squeeze3A_137 : f32 to vector<16xf32>
      %mul3A_157 = arith.mulf %get3A_155, %mul3A_156 : vector<16xf32>
      %max3A_158 = arith.maximumf %max3A_110, %mul3A_157 : vector<16xf32>
      %add3A_159 = arith.addf %add3A_111, %mul3A_157 : vector<16xf32>
      %mul3A_160 = arith.constant 64 : i32
      %mul3A_161 = arith.muli %squeeze3A_135, %mul3A_160 : i32
      %add3A_162 = arith.constant 32 : i32
      %add3A_163 = arith.addi %mul3A_161, %add3A_162 : i32
      %get3A_164 = arith.index_cast %add3A_163 : i32 to index
      %get3A_165 = tpu.vector_load %arg6[%get3A_164] {strides = array<i32>} : memref<65536xf32, #tpu.memory_space<vmem>>, vector<16xf32>,
      %get3A_166 = vector.shape_cast %get3A_165 : vector<16xf32> to vector<16xf32>
      %mul3A_167 = vector.broadcast %squeeze3A_137 : f32 to vector<16xf32>
      %mul3A_168 = arith.mulf %get3A_166, %mul3A_167 : vector<16xf32>
      %max3A_169 = arith.maximumf %max3A_121, %mul3A_168 : vector<16xf32>
      %add3A_170 = arith.addf %add3A_122, %mul3A_168 : vector<16xf32>
      %mul3A_171 = arith.constant 64 : i32
      %mul3A_172 = arith.muli %squeeze3A_135, %mul3A_171 : i32
      %add3A_173 = arith.constant 48 : i32
      %add3A_174 = arith.addi %mul3A_172, %add3A_173 : i32
      %get3A_175 = arith.index_cast %add3A_174 : i32 to index
      %get3A_176 = tpu.vector_load %arg6[%get3A_175] {strides = array<i32>} : memref<65536xf32, #tpu.memory_space<vmem>>, vector<16xf32>,
      %get3A_177 = vector.shape_cast %get3A_176 : vector<16xf32> to vector<16xf32>
      %mul3A_178 = vector.broadcast %squeeze3A_137 : f32 to vector<16xf32>
      %mul3A_179 = arith.mulf %get3A_177, %mul3A_178 : vector<16xf32>
      %max3A_180 = arith.maximumf %max3A_132, %mul3A_179 : vector<16xf32>
      %add3A_181 = arith.addf %add3A_133, %mul3A_179 : vector<16xf32>
      %slice3A_182 = vector.extract_strided_slice %get3A_38 {offsets = [2], sizes = [1], strides = [1]} : vector<16xi32> to vector<1xi32>
      %squeeze3A_183 = vector.extract %slice3A_182[0] : i32 from vector<1xi32>
      %slice3A_184 = vector.extract_strided_slice %get3A_59 {offsets = [2], sizes = [1], strides = [1]} : vector<16xf32> to vector<1xf32>
      %squeeze3A_185 = vector.extract %slice3A_184[0] : f32 from vector<1xf32>
      %mul3A_186 = arith.constant 64 : i32
      %mul3A_187 = arith.muli %squeeze3A_183, %mul3A_186 : i32
      %add3A_188 = arith.constant 0 : i32
      %add3A_189 = arith.addi %mul3A_187, %add3A_188 : i32
      %get3A_190 = arith.index_cast %add3A_189 : i32 to index
      %get3A_191 = tpu.vector_load %arg6[%get3A_190] {strides = array<i32>} : memref<65536xf32, #tpu.memory_space<vmem>>, vector<16xf32>,
      %get3A_192 = vector.shape_cast %get3A_191 : vector<16xf32> to vector<16xf32>
      %mul3A_193 = vector.broadcast %squeeze3A_185 : f32 to vector<16xf32>
      %mul3A_194 = arith.mulf %get3A_192, %mul3A_193 : vector<16xf32>
      %max3A_195 = arith.maximumf %max3A_147, %mul3A_194 : vector<16xf32>
      %add3A_196 = arith.addf %add3A_148, %mul3A_194 : vector<16xf32>
      %mul3A_197 = arith.constant 64 : i32
      %mul3A_198 = arith.muli %squeeze3A_183, %mul3A_197 : i32
      %add3A_199 = arith.constant 16 : i32
      %add3A_200 = arith.addi %mul3A_198, %add3A_199 : i32
      %get3A_201 = arith.index_cast %add3A_200 : i32 to index
      %get3A_202 = tpu.vector_load %arg6[%get3A_201] {strides = array<i32>} : memref<65536xf32, #tpu.memory_space<vmem>>, vector<16xf32>,
      %get3A_203 = vector.shape_cast %get3A_202 : vector<16xf32> to vector<16xf32>
      %mul3A_204 = vector.broadcast %squeeze3A_185 : f32 to vector<16xf32>
      %mul3A_205 = arith.mulf %get3A_203, %mul3A_204 : vector<16xf32>
      %max3A_206 = arith.maximumf %max3A_158, %mul3A_205 : vector<16xf32>
      %add3A_207 = arith.addf %add3A_159, %mul3A_205 : vector<16xf32>
      %mul3A_208 = arith.constant 64 : i32
      %mul3A_209 = arith.muli %squeeze3A_183, %mul3A_208 : i32
      %add3A_210 = arith.constant 32 : i32
      %add3A_211 = arith.addi %mul3A_209, %add3A_210 : i32
      %get3A_212 = arith.index_cast %add3A_211 : i32 to index
      %get3A_213 = tpu.vector_load %arg6[%get3A_212] {strides = array<i32>} : memref<65536xf32, #tpu.memory_space<vmem>>, vector<16xf32>,
      %get3A_214 = vector.shape_cast %get3A_213 : vector<16xf32> to vector<16xf32>
      %mul3A_215 = vector.broadcast %squeeze3A_185 : f32 to vector<16xf32>
      %mul3A_216 = arith.mulf %get3A_214, %mul3A_215 : vector<16xf32>
      %max3A_217 = arith.maximumf %max3A_169, %mul3A_216 : vector<16xf32>
      %add3A_218 = arith.addf %add3A_170, %mul3A_216 : vector<16xf32>
      %mul3A_219 = arith.constant 64 : i32
      %mul3A_220 = arith.muli %squeeze3A_183, %mul3A_219 : i32
      %add3A_221 = arith.constant 48 : i32
      %add3A_222 = arith.addi %mul3A_220, %add3A_221 : i32
      %get3A_223 = arith.index_cast %add3A_222 : i32 to index
      %get3A_224 = tpu.vector_load %arg6[%get3A_223] {strides = array<i32>} : memref<65536xf32, #tpu.memory_space<vmem>>, vector<16xf32>,
      %get3A_225 = vector.shape_cast %get3A_224 : vector<16xf32> to vector<16xf32>
      %mul3A_226 = vector.broadcast %squeeze3A_185 : f32 to vector<16xf32>
      %mul3A_227 = arith.mulf %get3A_225, %mul3A_226 : vector<16xf32>
      %max3A_228 = arith.maximumf %max3A_180, %mul3A_227 : vector<16xf32>
      %add3A_229 = arith.addf %add3A_181, %mul3A_227 : vector<16xf32>
      %slice3A_230 = vector.extract_strided_slice %get3A_38 {offsets = [3], sizes = [1], strides = [1]} : vector<16xi32> to vector<1xi32>
      %squeeze3A_231 = vector.extract %slice3A_230[0] : i32 from vector<1xi32>
      %slice3A_232 = vector.extract_strided_slice %get3A_59 {offsets = [3], sizes = [1], strides = [1]} : vector<16xf32> to vector<1xf32>
      %squeeze3A_233 = vector.extract %slice3A_232[0] : f32 from vector<1xf32>
      %mul3A_234 = arith.constant 64 : i32
      %mul3A_235 = arith.muli %squeeze3A_231, %mul3A_234 : i32
      %add3A_236 = arith.constant 0 : i32
      %add3A_237 = arith.addi %mul3A_235, %add3A_236 : i32
      %get3A_238 = arith.index_cast %add3A_237 : i32 to index
      %get3A_239 = tpu.vector_load %arg6[%get3A_238] {strides = array<i32>} : memref<65536xf32, #tpu.memory_space<vmem>>, vector<16xf32>,
      %get3A_240 = vector.shape_cast %get3A_239 : vector<16xf32> to vector<16xf32>
      %mul3A_241 = vector.broadcast %squeeze3A_233 : f32 to vector<16xf32>
      %mul3A_242 = arith.mulf %get3A_240, %mul3A_241 : vector<16xf32>
      %max3A_243 = arith.maximumf %max3A_195, %mul3A_242 : vector<16xf32>
      %add3A_244 = arith.addf %add3A_196, %mul3A_242 : vector<16xf32>
      %mul3A_245 = arith.constant 64 : i32
      %mul3A_246 = arith.muli %squeeze3A_231, %mul3A_245 : i32
      %add3A_247 = arith.constant 16 : i32
      %add3A_248 = arith.addi %mul3A_246, %add3A_247 : i32
      %get3A_249 = arith.index_cast %add3A_248 : i32 to index
      %get3A_250 = tpu.vector_load %arg6[%get3A_249] {strides = array<i32>} : memref<65536xf32, #tpu.memory_space<vmem>>, vector<16xf32>,
      %get3A_251 = vector.shape_cast %get3A_250 : vector<16xf32> to vector<16xf32>
      %mul3A_252 = vector.broadcast %squeeze3A_233 : f32 to vector<16xf32>
      %mul3A_253 = arith.mulf %get3A_251, %mul3A_252 : vector<16xf32>
      %max3A_254 = arith.maximumf %max3A_206, %mul3A_253 : vector<16xf32>
      %add3A_255 = arith.addf %add3A_207, %mul3A_253 : vector<16xf32>
      %mul3A_256 = arith.constant 64 : i32
      %mul3A_257 = arith.muli %squeeze3A_231, %mul3A_256 : i32
      %add3A_258 = arith.constant 32 : i32
      %add3A_259 = arith.addi %mul3A_257, %add3A_258 : i32
      %get3A_260 = arith.index_cast %add3A_259 : i32 to index
      %get3A_261 = tpu.vector_load %arg6[%get3A_260] {strides = array<i32>} : memref<65536xf32, #tpu.memory_space<vmem>>, vector<16xf32>,
      %get3A_262 = vector.shape_cast %get3A_261 : vector<16xf32> to vector<16xf32>
      %mul3A_263 = vector.broadcast %squeeze3A_233 : f32 to vector<16xf32>
      %mul3A_264 = arith.mulf %get3A_262, %mul3A_263 : vector<16xf32>
      %max3A_265 = arith.maximumf %max3A_217, %mul3A_264 : vector<16xf32>
      %add3A_266 = arith.addf %add3A_218, %mul3A_264 : vector<16xf32>
      %mul3A_267 = arith.constant 64 : i32
      %mul3A_268 = arith.muli %squeeze3A_231, %mul3A_267 : i32
      %add3A_269 = arith.constant 48 : i32
      %add3A_270 = arith.addi %mul3A_268, %add3A_269 : i32
      %get3A_271 = arith.index_cast %add3A_270 : i32 to index
      %get3A_272 = tpu.vector_load %arg6[%get3A_271] {strides = array<i32>} : memref<65536xf32, #tpu.memory_space<vmem>>, vector<16xf32>,
      %get3A_273 = vector.shape_cast %get3A_272 : vector<16xf32> to vector<16xf32>
      %mul3A_274 = vector.broadcast %squeeze3A_233 : f32 to vector<16xf32>
      %mul3A_275 = arith.mulf %get3A_273, %mul3A_274 : vector<16xf32>
      %max3A_276 = arith.maximumf %max3A_228, %mul3A_275 : vector<16xf32>
      %add3A_277 = arith.addf %add3A_229, %mul3A_275 : vector<16xf32>
      %slice3A_278 = vector.extract_strided_slice %get3A_38 {offsets = [4], sizes = [1], strides = [1]} : vector<16xi32> to vector<1xi32>
      %squeeze3A_279 = vector.extract %slice3A_278[0] : i32 from vector<1xi32>
      %slice3A_280 = vector.extract_strided_slice %get3A_59 {offsets = [4], sizes = [1], strides = [1]} : vector<16xf32> to vector<1xf32>
      %squeeze3A_281 = vector.extract %slice3A_280[0] : f32 from vector<1xf32>
      %mul3A_282 = arith.constant 64 : i32
      %mul3A_283 = arith.muli %squeeze3A_279, %mul3A_282 : i32
      %add3A_284 = arith.constant 0 : i32
      %add3A_285 = arith.addi %mul3A_283, %add3A_284 : i32
      %get3A_286 = arith.index_cast %add3A_285 : i32 to index
      %get3A_287 = tpu.vector_load %arg6[%get3A_286] {strides = array<i32>} : memref<65536xf32, #tpu.memory_space<vmem>>, vector<16xf32>,
      %get3A_288 = vector.shape_cast %get3A_287 : vector<16xf32> to vector<16xf32>
      %mul3A_289 = vector.broadcast %squeeze3A_281 : f32 to vector<16xf32>
      %mul3A_290 = arith.mulf %get3A_288, %mul3A_289 : vector<16xf32>
      %max3A_291 = arith.maximumf %max3A_243, %mul3A_290 : vector<16xf32>
      %add3A_292 = arith.addf %add3A_244, %mul3A_290 : vector<16xf32>
      %mul3A_293 = arith.constant 64 : i32
      %mul3A_294 = arith.muli %squeeze3A_279, %mul3A_293 : i32
      %add3A_295 = arith.constant 16 : i32
      %add3A_296 = arith.addi %mul3A_294, %add3A_295 : i32
      %get3A_297 = arith.index_cast %add3A_296 : i32 to index
      %get3A_298 = tpu.vector_load %arg6[%get3A_297] {strides = array<i32>} : memref<65536xf32, #tpu.memory_space<vmem>>, vector<16xf32>,
      %get3A_299 = vector.shape_cast %get3A_298 : vector<16xf32> to vector<16xf32>
      %mul3A_300 = vector.broadcast %squeeze3A_281 : f32 to vector<16xf32>
      %mul3A_301 = arith.mulf %get3A_299, %mul3A_300 : vector<16xf32>
      %max3A_302 = arith.maximumf %max3A_254, %mul3A_301 : vector<16xf32>
      %add3A_303 = arith.addf %add3A_255, %mul3A_301 : vector<16xf32>
      %mul3A_304 = arith.constant 64 : i32
      %mul3A_305 = arith.muli %squeeze3A_279, %mul3A_304 : i32
      %add3A_306 = arith.constant 32 : i32
      %add3A_307 = arith.addi %mul3A_305, %add3A_306 : i32
      %get3A_308 = arith.index_cast %add3A_307 : i32 to index
      %get3A_309 = tpu.vector_load %arg6[%get3A_308] {strides = array<i32>} : memref<65536xf32, #tpu.memory_space<vmem>>, vector<16xf32>,
      %get3A_310 = vector.shape_cast %get3A_309 : vector<16xf32> to vector<16xf32>
      %mul3A_311 = vector.broadcast %squeeze3A_281 : f32 to vector<16xf32>
      %mul3A_312 = arith.mulf %get3A_310, %mul3A_311 : vector<16xf32>
      %max3A_313 = arith.maximumf %max3A_265, %mul3A_312 : vector<16xf32>
      %add3A_314 = arith.addf %add3A_266, %mul3A_312 : vector<16xf32>
      %mul3A_315 = arith.constant 64 : i32
      %mul3A_316 = arith.muli %squeeze3A_279, %mul3A_315 : i32
      %add3A_317 = arith.constant 48 : i32
      %add3A_318 = arith.addi %mul3A_316, %add3A_317 : i32
      %get3A_319 = arith.index_cast %add3A_318 : i32 to index
      %get3A_320 = tpu.vector_load %arg6[%get3A_319] {strides = array<i32>} : memref<65536xf32, #tpu.memory_space<vmem>>, vector<16xf32>,
      %get3A_321 = vector.shape_cast %get3A_320 : vector<16xf32> to vector<16xf32>
      %mul3A_322 = vector.broadcast %squeeze3A_281 : f32 to vector<16xf32>
      %mul3A_323 = arith.mulf %get3A_321, %mul3A_322 : vector<16xf32>
      %max3A_324 = arith.maximumf %max3A_276, %mul3A_323 : vector<16xf32>
      %add3A_325 = arith.addf %add3A_277, %mul3A_323 : vector<16xf32>
      %slice3A_326 = vector.extract_strided_slice %get3A_38 {offsets = [5], sizes = [1], strides = [1]} : vector<16xi32> to vector<1xi32>
      %squeeze3A_327 = vector.extract %slice3A_326[0] : i32 from vector<1xi32>
      %slice3A_328 = vector.extract_strided_slice %get3A_59 {offsets = [5], sizes = [1], strides = [1]} : vector<16xf32> to vector<1xf32>
      %squeeze3A_329 = vector.extract %slice3A_328[0] : f32 from vector<1xf32>
      %mul3A_330 = arith.constant 64 : i32
      %mul3A_331 = arith.muli %squeeze3A_327, %mul3A_330 : i32
      %add3A_332 = arith.constant 0 : i32
      %add3A_333 = arith.addi %mul3A_331, %add3A_332 : i32
      %get3A_334 = arith.index_cast %add3A_333 : i32 to index
      %get3A_335 = tpu.vector_load %arg6[%get3A_334] {strides = array<i32>} : memref<65536xf32, #tpu.memory_space<vmem>>, vector<16xf32>,
      %get3A_336 = vector.shape_cast %get3A_335 : vector<16xf32> to vector<16xf32>
      %mul3A_337 = vector.broadcast %squeeze3A_329 : f32 to vector<16xf32>
      %mul3A_338 = arith.mulf %get3A_336, %mul3A_337 : vector<16xf32>
      %max3A_339 = arith.maximumf %max3A_291, %mul3A_338 : vector<16xf32>
      %add3A_340 = arith.addf %add3A_292, %mul3A_338 : vector<16xf32>
      %mul3A_341 = arith.constant 64 : i32
      %mul3A_342 = arith.muli %squeeze3A_327, %mul3A_341 : i32
      %add3A_343 = arith.constant 16 : i32
      %add3A_344 = arith.addi %mul3A_342, %add3A_343 : i32
      %get3A_345 = arith.index_cast %add3A_344 : i32 to index
      %get3A_346 = tpu.vector_load %arg6[%get3A_345] {strides = array<i32>} : memref<65536xf32, #tpu.memory_space<vmem>>, vector<16xf32>,
      %get3A_347 = vector.shape_cast %get3A_346 : vector<16xf32> to vector<16xf32>
      %mul3A_348 = vector.broadcast %squeeze3A_329 : f32 to vector<16xf32>
      %mul3A_349 = arith.mulf %get3A_347, %mul3A_348 : vector<16xf32>
      %max3A_350 = arith.maximumf %max3A_302, %mul3A_349 : vector<16xf32>
      %add3A_351 = arith.addf %add3A_303, %mul3A_349 : vector<16xf32>
      %mul3A_352 = arith.constant 64 : i32
      %mul3A_353 = arith.muli %squeeze3A_327, %mul3A_352 : i32
      %add3A_354 = arith.constant 32 : i32
      %add3A_355 = arith.addi %mul3A_353, %add3A_354 : i32
      %get3A_356 = arith.index_cast %add3A_355 : i32 to index
      %get3A_357 = tpu.vector_load %arg6[%get3A_356] {strides = array<i32>} : memref<65536xf32, #tpu.memory_space<vmem>>, vector<16xf32>,
      %get3A_358 = vector.shape_cast %get3A_357 : vector<16xf32> to vector<16xf32>
      %mul3A_359 = vector.broadcast %squeeze3A_329 : f32 to vector<16xf32>
      %mul3A_360 = arith.mulf %get3A_358, %mul3A_359 : vector<16xf32>
      %max3A_361 = arith.maximumf %max3A_313, %mul3A_360 : vector<16xf32>
      %add3A_362 = arith.addf %add3A_314, %mul3A_360 : vector<16xf32>
      %mul3A_363 = arith.constant 64 : i32
      %mul3A_364 = arith.muli %squeeze3A_327, %mul3A_363 : i32
      %add3A_365 = arith.constant 48 : i32
      %add3A_366 = arith.addi %mul3A_364, %add3A_365 : i32
      %get3A_367 = arith.index_cast %add3A_366 : i32 to index
      %get3A_368 = tpu.vector_load %arg6[%get3A_367] {strides = array<i32>} : memref<65536xf32, #tpu.memory_space<vmem>>, vector<16xf32>,
      %get3A_369 = vector.shape_cast %get3A_368 : vector<16xf32> to vector<16xf32>
      %mul3A_370 = vector.broadcast %squeeze3A_329 : f32 to vector<16xf32>
      %mul3A_371 = arith.mulf %get3A_369, %mul3A_370 : vector<16xf32>
      %max3A_372 = arith.maximumf %max3A_324, %mul3A_371 : vector<16xf32>
      %add3A_373 = arith.addf %add3A_325, %mul3A_371 : vector<16xf32>
      %slice3A_374 = vector.extract_strided_slice %get3A_38 {offsets = [6], sizes = [1], strides = [1]} : vector<16xi32> to vector<1xi32>
      %squeeze3A_375 = vector.extract %slice3A_374[0] : i32 from vector<1xi32>
      %slice3A_376 = vector.extract_strided_slice %get3A_59 {offsets = [6], sizes = [1], strides = [1]} : vector<16xf32> to vector<1xf32>
      %squeeze3A_377 = vector.extract %slice3A_376[0] : f32 from vector<1xf32>
      %mul3A_378 = arith.constant 64 : i32
      %mul3A_379 = arith.muli %squeeze3A_375, %mul3A_378 : i32
      %add3A_380 = arith.constant 0 : i32
      %add3A_381 = arith.addi %mul3A_379, %add3A_380 : i32
      %get3A_382 = arith.index_cast %add3A_381 : i32 to index
      %get3A_383 = tpu.vector_load %arg6[%get3A_382] {strides = array<i32>} : memref<65536xf32, #tpu.memory_space<vmem>>, vector<16xf32>,
      %get3A_384 = vector.shape_cast %get3A_383 : vector<16xf32> to vector<16xf32>
      %mul3A_385 = vector.broadcast %squeeze3A_377 : f32 to vector<16xf32>
      %mul3A_386 = arith.mulf %get3A_384, %mul3A_385 : vector<16xf32>
      %max3A_387 = arith.maximumf %max3A_339, %mul3A_386 : vector<16xf32>
      %add3A_388 = arith.addf %add3A_340, %mul3A_386 : vector<16xf32>
      %mul3A_389 = arith.constant 64 : i32
      %mul3A_390 = arith.muli %squeeze3A_375, %mul3A_389 : i32
      %add3A_391 = arith.constant 16 : i32
      %add3A_392 = arith.addi %mul3A_390, %add3A_391 : i32
      %get3A_393 = arith.index_cast %add3A_392 : i32 to index
      %get3A_394 = tpu.vector_load %arg6[%get3A_393] {strides = array<i32>} : memref<65536xf32, #tpu.memory_space<vmem>>, vector<16xf32>,
      %get3A_395 = vector.shape_cast %get3A_394 : vector<16xf32> to vector<16xf32>
      %mul3A_396 = vector.broadcast %squeeze3A_377 : f32 to vector<16xf32>
      %mul3A_397 = arith.mulf %get3A_395, %mul3A_396 : vector<16xf32>
      %max3A_398 = arith.maximumf %max3A_350, %mul3A_397 : vector<16xf32>
      %add3A_399 = arith.addf %add3A_351, %mul3A_397 : vector<16xf32>
      %mul3A_400 = arith.constant 64 : i32
      %mul3A_401 = arith.muli %squeeze3A_375, %mul3A_400 : i32
      %add3A_402 = arith.constant 32 : i32
      %add3A_403 = arith.addi %mul3A_401, %add3A_402 : i32
      %get3A_404 = arith.index_cast %add3A_403 : i32 to index
      %get3A_405 = tpu.vector_load %arg6[%get3A_404] {strides = array<i32>} : memref<65536xf32, #tpu.memory_space<vmem>>, vector<16xf32>,
      %get3A_406 = vector.shape_cast %get3A_405 : vector<16xf32> to vector<16xf32>
      %mul3A_407 = vector.broadcast %squeeze3A_377 : f32 to vector<16xf32>
      %mul3A_408 = arith.mulf %get3A_406, %mul3A_407 : vector<16xf32>
      %max3A_409 = arith.maximumf %max3A_361, %mul3A_408 : vector<16xf32>
      %add3A_410 = arith.addf %add3A_362, %mul3A_408 : vector<16xf32>
      %mul3A_411 = arith.constant 64 : i32
      %mul3A_412 = arith.muli %squeeze3A_375, %mul3A_411 : i32
      %add3A_413 = arith.constant 48 : i32
      %add3A_414 = arith.addi %mul3A_412, %add3A_413 : i32
      %get3A_415 = arith.index_cast %add3A_414 : i32 to index
      %get3A_416 = tpu.vector_load %arg6[%get3A_415] {strides = array<i32>} : memref<65536xf32, #tpu.memory_space<vmem>>, vector<16xf32>,
      %get3A_417 = vector.shape_cast %get3A_416 : vector<16xf32> to vector<16xf32>
      %mul3A_418 = vector.broadcast %squeeze3A_377 : f32 to vector<16xf32>
      %mul3A_419 = arith.mulf %get3A_417, %mul3A_418 : vector<16xf32>
      %max3A_420 = arith.maximumf %max3A_372, %mul3A_419 : vector<16xf32>
      %add3A_421 = arith.addf %add3A_373, %mul3A_419 : vector<16xf32>
      %slice3A_422 = vector.extract_strided_slice %get3A_38 {offsets = [7], sizes = [1], strides = [1]} : vector<16xi32> to vector<1xi32>
      %squeeze3A_423 = vector.extract %slice3A_422[0] : i32 from vector<1xi32>
      %slice3A_424 = vector.extract_strided_slice %get3A_59 {offsets = [7], sizes = [1], strides = [1]} : vector<16xf32> to vector<1xf32>
      %squeeze3A_425 = vector.extract %slice3A_424[0] : f32 from vector<1xf32>
      %mul3A_426 = arith.constant 64 : i32
      %mul3A_427 = arith.muli %squeeze3A_423, %mul3A_426 : i32
      %add3A_428 = arith.constant 0 : i32
      %add3A_429 = arith.addi %mul3A_427, %add3A_428 : i32
      %get3A_430 = arith.index_cast %add3A_429 : i32 to index
      %get3A_431 = tpu.vector_load %arg6[%get3A_430] {strides = array<i32>} : memref<65536xf32, #tpu.memory_space<vmem>>, vector<16xf32>,
      %get3A_432 = vector.shape_cast %get3A_431 : vector<16xf32> to vector<16xf32>
      %mul3A_433 = vector.broadcast %squeeze3A_425 : f32 to vector<16xf32>
      %mul3A_434 = arith.mulf %get3A_432, %mul3A_433 : vector<16xf32>
      %max3A_435 = arith.maximumf %max3A_387, %mul3A_434 : vector<16xf32>
      %add3A_436 = arith.addf %add3A_388, %mul3A_434 : vector<16xf32>
      %mul3A_437 = arith.constant 64 : i32
      %mul3A_438 = arith.muli %squeeze3A_423, %mul3A_437 : i32
      %add3A_439 = arith.constant 16 : i32
      %add3A_440 = arith.addi %mul3A_438, %add3A_439 : i32
      %get3A_441 = arith.index_cast %add3A_440 : i32 to index
      %get3A_442 = tpu.vector_load %arg6[%get3A_441] {strides = array<i32>} : memref<65536xf32, #tpu.memory_space<vmem>>, vector<16xf32>,
      %get3A_443 = vector.shape_cast %get3A_442 : vector<16xf32> to vector<16xf32>
      %mul3A_444 = vector.broadcast %squeeze3A_425 : f32 to vector<16xf32>
      %mul3A_445 = arith.mulf %get3A_443, %mul3A_444 : vector<16xf32>
      %max3A_446 = arith.maximumf %max3A_398, %mul3A_445 : vector<16xf32>
      %add3A_447 = arith.addf %add3A_399, %mul3A_445 : vector<16xf32>
      %mul3A_448 = arith.constant 64 : i32
      %mul3A_449 = arith.muli %squeeze3A_423, %mul3A_448 : i32
      %add3A_450 = arith.constant 32 : i32
      %add3A_451 = arith.addi %mul3A_449, %add3A_450 : i32
      %get3A_452 = arith.index_cast %add3A_451 : i32 to index
      %get3A_453 = tpu.vector_load %arg6[%get3A_452] {strides = array<i32>} : memref<65536xf32, #tpu.memory_space<vmem>>, vector<16xf32>,
      %get3A_454 = vector.shape_cast %get3A_453 : vector<16xf32> to vector<16xf32>
      %mul3A_455 = vector.broadcast %squeeze3A_425 : f32 to vector<16xf32>
      %mul3A_456 = arith.mulf %get3A_454, %mul3A_455 : vector<16xf32>
      %max3A_457 = arith.maximumf %max3A_409, %mul3A_456 : vector<16xf32>
      %add3A_458 = arith.addf %add3A_410, %mul3A_456 : vector<16xf32>
      %mul3A_459 = arith.constant 64 : i32
      %mul3A_460 = arith.muli %squeeze3A_423, %mul3A_459 : i32
      %add3A_461 = arith.constant 48 : i32
      %add3A_462 = arith.addi %mul3A_460, %add3A_461 : i32
      %get3A_463 = arith.index_cast %add3A_462 : i32 to index
      %get3A_464 = tpu.vector_load %arg6[%get3A_463] {strides = array<i32>} : memref<65536xf32, #tpu.memory_space<vmem>>, vector<16xf32>,
      %get3A_465 = vector.shape_cast %get3A_464 : vector<16xf32> to vector<16xf32>
      %mul3A_466 = vector.broadcast %squeeze3A_425 : f32 to vector<16xf32>
      %mul3A_467 = arith.mulf %get3A_465, %mul3A_466 : vector<16xf32>
      %max3A_468 = arith.maximumf %max3A_420, %mul3A_467 : vector<16xf32>
      %add3A_469 = arith.addf %add3A_421, %mul3A_467 : vector<16xf32>
      %slice3A_470 = vector.extract_strided_slice %get3A_38 {offsets = [8], sizes = [1], strides = [1]} : vector<16xi32> to vector<1xi32>
      %squeeze3A_471 = vector.extract %slice3A_470[0] : i32 from vector<1xi32>
      %slice3A_472 = vector.extract_strided_slice %get3A_59 {offsets = [8], sizes = [1], strides = [1]} : vector<16xf32> to vector<1xf32>
      %squeeze3A_473 = vector.extract %slice3A_472[0] : f32 from vector<1xf32>
      %mul3A_474 = arith.constant 64 : i32
      %mul3A_475 = arith.muli %squeeze3A_471, %mul3A_474 : i32
      %add3A_476 = arith.constant 0 : i32
      %add3A_477 = arith.addi %mul3A_475, %add3A_476 : i32
      %get3A_478 = arith.index_cast %add3A_477 : i32 to index
      %get3A_479 = tpu.vector_load %arg6[%get3A_478] {strides = array<i32>} : memref<65536xf32, #tpu.memory_space<vmem>>, vector<16xf32>,
      %get3A_480 = vector.shape_cast %get3A_479 : vector<16xf32> to vector<16xf32>
      %mul3A_481 = vector.broadcast %squeeze3A_473 : f32 to vector<16xf32>
      %mul3A_482 = arith.mulf %get3A_480, %mul3A_481 : vector<16xf32>
      %max3A_483 = arith.maximumf %max3A_435, %mul3A_482 : vector<16xf32>
      %add3A_484 = arith.addf %add3A_436, %mul3A_482 : vector<16xf32>
      %mul3A_485 = arith.constant 64 : i32
      %mul3A_486 = arith.muli %squeeze3A_471, %mul3A_485 : i32
      %add3A_487 = arith.constant 16 : i32
      %add3A_488 = arith.addi %mul3A_486, %add3A_487 : i32
      %get3A_489 = arith.index_cast %add3A_488 : i32 to index
      %get3A_490 = tpu.vector_load %arg6[%get3A_489] {strides = array<i32>} : memref<65536xf32, #tpu.memory_space<vmem>>, vector<16xf32>,
      %get3A_491 = vector.shape_cast %get3A_490 : vector<16xf32> to vector<16xf32>
      %mul3A_492 = vector.broadcast %squeeze3A_473 : f32 to vector<16xf32>
      %mul3A_493 = arith.mulf %get3A_491, %mul3A_492 : vector<16xf32>
      %max3A_494 = arith.maximumf %max3A_446, %mul3A_493 : vector<16xf32>
      %add3A_495 = arith.addf %add3A_447, %mul3A_493 : vector<16xf32>
      %mul3A_496 = arith.constant 64 : i32
      %mul3A_497 = arith.muli %squeeze3A_471, %mul3A_496 : i32
      %add3A_498 = arith.constant 32 : i32
      %add3A_499 = arith.addi %mul3A_497, %add3A_498 : i32
      %get3A_500 = arith.index_cast %add3A_499 : i32 to index
      %get3A_501 = tpu.vector_load %arg6[%get3A_500] {strides = array<i32>} : memref<65536xf32, #tpu.memory_space<vmem>>, vector<16xf32>,
      %get3A_502 = vector.shape_cast %get3A_501 : vector<16xf32> to vector<16xf32>
      %mul3A_503 = vector.broadcast %squeeze3A_473 : f32 to vector<16xf32>
      %mul3A_504 = arith.mulf %get3A_502, %mul3A_503 : vector<16xf32>
      %max3A_505 = arith.maximumf %max3A_457, %mul3A_504 : vector<16xf32>
      %add3A_506 = arith.addf %add3A_458, %mul3A_504 : vector<16xf32>
      %mul3A_507 = arith.constant 64 : i32
      %mul3A_508 = arith.muli %squeeze3A_471, %mul3A_507 : i32
      %add3A_509 = arith.constant 48 : i32
      %add3A_510 = arith.addi %mul3A_508, %add3A_509 : i32
      %get3A_511 = arith.index_cast %add3A_510 : i32 to index
      %get3A_512 = tpu.vector_load %arg6[%get3A_511] {strides = array<i32>} : memref<65536xf32, #tpu.memory_space<vmem>>, vector<16xf32>,
      %get3A_513 = vector.shape_cast %get3A_512 : vector<16xf32> to vector<16xf32>
      %mul3A_514 = vector.broadcast %squeeze3A_473 : f32 to vector<16xf32>
      %mul3A_515 = arith.mulf %get3A_513, %mul3A_514 : vector<16xf32>
      %max3A_516 = arith.maximumf %max3A_468, %mul3A_515 : vector<16xf32>
      %add3A_517 = arith.addf %add3A_469, %mul3A_515 : vector<16xf32>
      %slice3A_518 = vector.extract_strided_slice %get3A_38 {offsets = [9], sizes = [1], strides = [1]} : vector<16xi32> to vector<1xi32>
      %squeeze3A_519 = vector.extract %slice3A_518[0] : i32 from vector<1xi32>
      %slice3A_520 = vector.extract_strided_slice %get3A_59 {offsets = [9], sizes = [1], strides = [1]} : vector<16xf32> to vector<1xf32>
      %squeeze3A_521 = vector.extract %slice3A_520[0] : f32 from vector<1xf32>
      %mul3A_522 = arith.constant 64 : i32
      %mul3A_523 = arith.muli %squeeze3A_519, %mul3A_522 : i32
      %add3A_524 = arith.constant 0 : i32
      %add3A_525 = arith.addi %mul3A_523, %add3A_524 : i32
      %get3A_526 = arith.index_cast %add3A_525 : i32 to index
      %get3A_527 = tpu.vector_load %arg6[%get3A_526] {strides = array<i32>} : memref<65536xf32, #tpu.memory_space<vmem>>, vector<16xf32>,
      %get3A_528 = vector.shape_cast %get3A_527 : vector<16xf32> to vector<16xf32>
      %mul3A_529 = vector.broadcast %squeeze3A_521 : f32 to vector<16xf32>
      %mul3A_530 = arith.mulf %get3A_528, %mul3A_529 : vector<16xf32>
      %max3A_531 = arith.maximumf %max3A_483, %mul3A_530 : vector<16xf32>
      %add3A_532 = arith.addf %add3A_484, %mul3A_530 : vector<16xf32>
      %mul3A_533 = arith.constant 64 : i32
      %mul3A_534 = arith.muli %squeeze3A_519, %mul3A_533 : i32
      %add3A_535 = arith.constant 16 : i32
      %add3A_536 = arith.addi %mul3A_534, %add3A_535 : i32
      %get3A_537 = arith.index_cast %add3A_536 : i32 to index
      %get3A_538 = tpu.vector_load %arg6[%get3A_537] {strides = array<i32>} : memref<65536xf32, #tpu.memory_space<vmem>>, vector<16xf32>,
      %get3A_539 = vector.shape_cast %get3A_538 : vector<16xf32> to vector<16xf32>
      %mul3A_540 = vector.broadcast %squeeze3A_521 : f32 to vector<16xf32>
      %mul3A_541 = arith.mulf %get3A_539, %mul3A_540 : vector<16xf32>
      %max3A_542 = arith.maximumf %max3A_494, %mul3A_541 : vector<16xf32>
      %add3A_543 = arith.addf %add3A_495, %mul3A_541 : vector<16xf32>
      %mul3A_544 = arith.constant 64 : i32
      %mul3A_545 = arith.muli %squeeze3A_519, %mul3A_544 : i32
      %add3A_546 = arith.constant 32 : i32
      %add3A_547 = arith.addi %mul3A_545, %add3A_546 : i32
      %get3A_548 = arith.index_cast %add3A_547 : i32 to index
      %get3A_549 = tpu.vector_load %arg6[%get3A_548] {strides = array<i32>} : memref<65536xf32, #tpu.memory_space<vmem>>, vector<16xf32>,
      %get3A_550 = vector.shape_cast %get3A_549 : vector<16xf32> to vector<16xf32>
      %mul3A_551 = vector.broadcast %squeeze3A_521 : f32 to vector<16xf32>
      %mul3A_552 = arith.mulf %get3A_550, %mul3A_551 : vector<16xf32>
      %max3A_553 = arith.maximumf %max3A_505, %mul3A_552 : vector<16xf32>
      %add3A_554 = arith.addf %add3A_506, %mul3A_552 : vector<16xf32>
      %mul3A_555 = arith.constant 64 : i32
      %mul3A_556 = arith.muli %squeeze3A_519, %mul3A_555 : i32
      %add3A_557 = arith.constant 48 : i32
      %add3A_558 = arith.addi %mul3A_556, %add3A_557 : i32
      %get3A_559 = arith.index_cast %add3A_558 : i32 to index
      %get3A_560 = tpu.vector_load %arg6[%get3A_559] {strides = array<i32>} : memref<65536xf32, #tpu.memory_space<vmem>>, vector<16xf32>,
      %get3A_561 = vector.shape_cast %get3A_560 : vector<16xf32> to vector<16xf32>
      %mul3A_562 = vector.broadcast %squeeze3A_521 : f32 to vector<16xf32>
      %mul3A_563 = arith.mulf %get3A_561, %mul3A_562 : vector<16xf32>
      %max3A_564 = arith.maximumf %max3A_516, %mul3A_563 : vector<16xf32>
      %add3A_565 = arith.addf %add3A_517, %mul3A_563 : vector<16xf32>
      %slice3A_566 = vector.extract_strided_slice %get3A_38 {offsets = [10], sizes = [1], strides = [1]} : vector<16xi32> to vector<1xi32>
      %squeeze3A_567 = vector.extract %slice3A_566[0] : i32 from vector<1xi32>
      %slice3A_568 = vector.extract_strided_slice %get3A_59 {offsets = [10], sizes = [1], strides = [1]} : vector<16xf32> to vector<1xf32>
      %squeeze3A_569 = vector.extract %slice3A_568[0] : f32 from vector<1xf32>
      %mul3A_570 = arith.constant 64 : i32
      %mul3A_571 = arith.muli %squeeze3A_567, %mul3A_570 : i32
      %add3A_572 = arith.constant 0 : i32
      %add3A_573 = arith.addi %mul3A_571, %add3A_572 : i32
      %get3A_574 = arith.index_cast %add3A_573 : i32 to index
      %get3A_575 = tpu.vector_load %arg6[%get3A_574] {strides = array<i32>} : memref<65536xf32, #tpu.memory_space<vmem>>, vector<16xf32>,
      %get3A_576 = vector.shape_cast %get3A_575 : vector<16xf32> to vector<16xf32>
      %mul3A_577 = vector.broadcast %squeeze3A_569 : f32 to vector<16xf32>
      %mul3A_578 = arith.mulf %get3A_576, %mul3A_577 : vector<16xf32>
      %max3A_579 = arith.maximumf %max3A_531, %mul3A_578 : vector<16xf32>
      %add3A_580 = arith.addf %add3A_532, %mul3A_578 : vector<16xf32>
      %mul3A_581 = arith.constant 64 : i32
      %mul3A_582 = arith.muli %squeeze3A_567, %mul3A_581 : i32
      %add3A_583 = arith.constant 16 : i32
      %add3A_584 = arith.addi %mul3A_582, %add3A_583 : i32
      %get3A_585 = arith.index_cast %add3A_584 : i32 to index
      %get3A_586 = tpu.vector_load %arg6[%get3A_585] {strides = array<i32>} : memref<65536xf32, #tpu.memory_space<vmem>>, vector<16xf32>,
      %get3A_587 = vector.shape_cast %get3A_586 : vector<16xf32> to vector<16xf32>
      %mul3A_588 = vector.broadcast %squeeze3A_569 : f32 to vector<16xf32>
      %mul3A_589 = arith.mulf %get3A_587, %mul3A_588 : vector<16xf32>
      %max3A_590 = arith.maximumf %max3A_542, %mul3A_589 : vector<16xf32>
      %add3A_591 = arith.addf %add3A_543, %mul3A_589 : vector<16xf32>
      %mul3A_592 = arith.constant 64 : i32
      %mul3A_593 = arith.muli %squeeze3A_567, %mul3A_592 : i32
      %add3A_594 = arith.constant 32 : i32
      %add3A_595 = arith.addi %mul3A_593, %add3A_594 : i32
      %get3A_596 = arith.index_cast %add3A_595 : i32 to index
      %get3A_597 = tpu.vector_load %arg6[%get3A_596] {strides = array<i32>} : memref<65536xf32, #tpu.memory_space<vmem>>, vector<16xf32>,
      %get3A_598 = vector.shape_cast %get3A_597 : vector<16xf32> to vector<16xf32>
      %mul3A_599 = vector.broadcast %squeeze3A_569 : f32 to vector<16xf32>
      %mul3A_600 = arith.mulf %get3A_598, %mul3A_599 : vector<16xf32>
      %max3A_601 = arith.maximumf %max3A_553, %mul3A_600 : vector<16xf32>
      %add3A_602 = arith.addf %add3A_554, %mul3A_600 : vector<16xf32>
      %mul3A_603 = arith.constant 64 : i32
      %mul3A_604 = arith.muli %squeeze3A_567, %mul3A_603 : i32
      %add3A_605 = arith.constant 48 : i32
      %add3A_606 = arith.addi %mul3A_604, %add3A_605 : i32
      %get3A_607 = arith.index_cast %add3A_606 : i32 to index
      %get3A_608 = tpu.vector_load %arg6[%get3A_607] {strides = array<i32>} : memref<65536xf32, #tpu.memory_space<vmem>>, vector<16xf32>,
      %get3A_609 = vector.shape_cast %get3A_608 : vector<16xf32> to vector<16xf32>
      %mul3A_610 = vector.broadcast %squeeze3A_569 : f32 to vector<16xf32>
      %mul3A_611 = arith.mulf %get3A_609, %mul3A_610 : vector<16xf32>
      %max3A_612 = arith.maximumf %max3A_564, %mul3A_611 : vector<16xf32>
      %add3A_613 = arith.addf %add3A_565, %mul3A_611 : vector<16xf32>
      %slice3A_614 = vector.extract_strided_slice %get3A_38 {offsets = [11], sizes = [1], strides = [1]} : vector<16xi32> to vector<1xi32>
      %squeeze3A_615 = vector.extract %slice3A_614[0] : i32 from vector<1xi32>
      %slice3A_616 = vector.extract_strided_slice %get3A_59 {offsets = [11], sizes = [1], strides = [1]} : vector<16xf32> to vector<1xf32>
      %squeeze3A_617 = vector.extract %slice3A_616[0] : f32 from vector<1xf32>
      %mul3A_618 = arith.constant 64 : i32
      %mul3A_619 = arith.muli %squeeze3A_615, %mul3A_618 : i32
      %add3A_620 = arith.constant 0 : i32
      %add3A_621 = arith.addi %mul3A_619, %add3A_620 : i32
      %get3A_622 = arith.index_cast %add3A_621 : i32 to index
      %get3A_623 = tpu.vector_load %arg6[%get3A_622] {strides = array<i32>} : memref<65536xf32, #tpu.memory_space<vmem>>, vector<16xf32>,
      %get3A_624 = vector.shape_cast %get3A_623 : vector<16xf32> to vector<16xf32>
      %mul3A_625 = vector.broadcast %squeeze3A_617 : f32 to vector<16xf32>
      %mul3A_626 = arith.mulf %get3A_624, %mul3A_625 : vector<16xf32>
      %max3A_627 = arith.maximumf %max3A_579, %mul3A_626 : vector<16xf32>
      %add3A_628 = arith.addf %add3A_580, %mul3A_626 : vector<16xf32>
      %mul3A_629 = arith.constant 64 : i32
      %mul3A_630 = arith.muli %squeeze3A_615, %mul3A_629 : i32
      %add3A_631 = arith.constant 16 : i32
      %add3A_632 = arith.addi %mul3A_630, %add3A_631 : i32
      %get3A_633 = arith.index_cast %add3A_632 : i32 to index
      %get3A_634 = tpu.vector_load %arg6[%get3A_633] {strides = array<i32>} : memref<65536xf32, #tpu.memory_space<vmem>>, vector<16xf32>,
      %get3A_635 = vector.shape_cast %get3A_634 : vector<16xf32> to vector<16xf32>
      %mul3A_636 = vector.broadcast %squeeze3A_617 : f32 to vector<16xf32>
      %mul3A_637 = arith.mulf %get3A_635, %mul3A_636 : vector<16xf32>
      %max3A_638 = arith.maximumf %max3A_590, %mul3A_637 : vector<16xf32>
      %add3A_639 = arith.addf %add3A_591, %mul3A_637 : vector<16xf32>
      %mul3A_640 = arith.constant 64 : i32
      %mul3A_641 = arith.muli %squeeze3A_615, %mul3A_640 : i32
      %add3A_642 = arith.constant 32 : i32
      %add3A_643 = arith.addi %mul3A_641, %add3A_642 : i32
      %get3A_644 = arith.index_cast %add3A_643 : i32 to index
      %get3A_645 = tpu.vector_load %arg6[%get3A_644] {strides = array<i32>} : memref<65536xf32, #tpu.memory_space<vmem>>, vector<16xf32>,
      %get3A_646 = vector.shape_cast %get3A_645 : vector<16xf32> to vector<16xf32>
      %mul3A_647 = vector.broadcast %squeeze3A_617 : f32 to vector<16xf32>
      %mul3A_648 = arith.mulf %get3A_646, %mul3A_647 : vector<16xf32>
      %max3A_649 = arith.maximumf %max3A_601, %mul3A_648 : vector<16xf32>
      %add3A_650 = arith.addf %add3A_602, %mul3A_648 : vector<16xf32>
      %mul3A_651 = arith.constant 64 : i32
      %mul3A_652 = arith.muli %squeeze3A_615, %mul3A_651 : i32
      %add3A_653 = arith.constant 48 : i32
      %add3A_654 = arith.addi %mul3A_652, %add3A_653 : i32
      %get3A_655 = arith.index_cast %add3A_654 : i32 to index
      %get3A_656 = tpu.vector_load %arg6[%get3A_655] {strides = array<i32>} : memref<65536xf32, #tpu.memory_space<vmem>>, vector<16xf32>,
      %get3A_657 = vector.shape_cast %get3A_656 : vector<16xf32> to vector<16xf32>
      %mul3A_658 = vector.broadcast %squeeze3A_617 : f32 to vector<16xf32>
      %mul3A_659 = arith.mulf %get3A_657, %mul3A_658 : vector<16xf32>
      %max3A_660 = arith.maximumf %max3A_612, %mul3A_659 : vector<16xf32>
      %add3A_661 = arith.addf %add3A_613, %mul3A_659 : vector<16xf32>
      %slice3A_662 = vector.extract_strided_slice %get3A_38 {offsets = [12], sizes = [1], strides = [1]} : vector<16xi32> to vector<1xi32>
      %squeeze3A_663 = vector.extract %slice3A_662[0] : i32 from vector<1xi32>
      %slice3A_664 = vector.extract_strided_slice %get3A_59 {offsets = [12], sizes = [1], strides = [1]} : vector<16xf32> to vector<1xf32>
      %squeeze3A_665 = vector.extract %slice3A_664[0] : f32 from vector<1xf32>
      %mul3A_666 = arith.constant 64 : i32
      %mul3A_667 = arith.muli %squeeze3A_663, %mul3A_666 : i32
      %add3A_668 = arith.constant 0 : i32
      %add3A_669 = arith.addi %mul3A_667, %add3A_668 : i32
      %get3A_670 = arith.index_cast %add3A_669 : i32 to index
      %get3A_671 = tpu.vector_load %arg6[%get3A_670] {strides = array<i32>} : memref<65536xf32, #tpu.memory_space<vmem>>, vector<16xf32>,
      %get3A_672 = vector.shape_cast %get3A_671 : vector<16xf32> to vector<16xf32>
      %mul3A_673 = vector.broadcast %squeeze3A_665 : f32 to vector<16xf32>
      %mul3A_674 = arith.mulf %get3A_672, %mul3A_673 : vector<16xf32>
      %max3A_675 = arith.maximumf %max3A_627, %mul3A_674 : vector<16xf32>
      %add3A_676 = arith.addf %add3A_628, %mul3A_674 : vector<16xf32>
      %mul3A_677 = arith.constant 64 : i32
      %mul3A_678 = arith.muli %squeeze3A_663, %mul3A_677 : i32
      %add3A_679 = arith.constant 16 : i32
      %add3A_680 = arith.addi %mul3A_678, %add3A_679 : i32
      %get3A_681 = arith.index_cast %add3A_680 : i32 to index
      %get3A_682 = tpu.vector_load %arg6[%get3A_681] {strides = array<i32>} : memref<65536xf32, #tpu.memory_space<vmem>>, vector<16xf32>,
      %get3A_683 = vector.shape_cast %get3A_682 : vector<16xf32> to vector<16xf32>
      %mul3A_684 = vector.broadcast %squeeze3A_665 : f32 to vector<16xf32>
      %mul3A_685 = arith.mulf %get3A_683, %mul3A_684 : vector<16xf32>
      %max3A_686 = arith.maximumf %max3A_638, %mul3A_685 : vector<16xf32>
      %add3A_687 = arith.addf %add3A_639, %mul3A_685 : vector<16xf32>
      %mul3A_688 = arith.constant 64 : i32
      %mul3A_689 = arith.muli %squeeze3A_663, %mul3A_688 : i32
      %add3A_690 = arith.constant 32 : i32
      %add3A_691 = arith.addi %mul3A_689, %add3A_690 : i32
      %get3A_692 = arith.index_cast %add3A_691 : i32 to index
      %get3A_693 = tpu.vector_load %arg6[%get3A_692] {strides = array<i32>} : memref<65536xf32, #tpu.memory_space<vmem>>, vector<16xf32>,
      %get3A_694 = vector.shape_cast %get3A_693 : vector<16xf32> to vector<16xf32>
      %mul3A_695 = vector.broadcast %squeeze3A_665 : f32 to vector<16xf32>
      %mul3A_696 = arith.mulf %get3A_694, %mul3A_695 : vector<16xf32>
      %max3A_697 = arith.maximumf %max3A_649, %mul3A_696 : vector<16xf32>
      %add3A_698 = arith.addf %add3A_650, %mul3A_696 : vector<16xf32>
      %mul3A_699 = arith.constant 64 : i32
      %mul3A_700 = arith.muli %squeeze3A_663, %mul3A_699 : i32
      %add3A_701 = arith.constant 48 : i32
      %add3A_702 = arith.addi %mul3A_700, %add3A_701 : i32
      %get3A_703 = arith.index_cast %add3A_702 : i32 to index
      %get3A_704 = tpu.vector_load %arg6[%get3A_703] {strides = array<i32>} : memref<65536xf32, #tpu.memory_space<vmem>>, vector<16xf32>,
      %get3A_705 = vector.shape_cast %get3A_704 : vector<16xf32> to vector<16xf32>
      %mul3A_706 = vector.broadcast %squeeze3A_665 : f32 to vector<16xf32>
      %mul3A_707 = arith.mulf %get3A_705, %mul3A_706 : vector<16xf32>
      %max3A_708 = arith.maximumf %max3A_660, %mul3A_707 : vector<16xf32>
      %add3A_709 = arith.addf %add3A_661, %mul3A_707 : vector<16xf32>
      %slice3A_710 = vector.extract_strided_slice %get3A_38 {offsets = [13], sizes = [1], strides = [1]} : vector<16xi32> to vector<1xi32>
      %squeeze3A_711 = vector.extract %slice3A_710[0] : i32 from vector<1xi32>
      %slice3A_712 = vector.extract_strided_slice %get3A_59 {offsets = [13], sizes = [1], strides = [1]} : vector<16xf32> to vector<1xf32>
      %squeeze3A_713 = vector.extract %slice3A_712[0] : f32 from vector<1xf32>
      %mul3A_714 = arith.constant 64 : i32
      %mul3A_715 = arith.muli %squeeze3A_711, %mul3A_714 : i32
      %add3A_716 = arith.constant 0 : i32
      %add3A_717 = arith.addi %mul3A_715, %add3A_716 : i32
      %get3A_718 = arith.index_cast %add3A_717 : i32 to index
      %get3A_719 = tpu.vector_load %arg6[%get3A_718] {strides = array<i32>} : memref<65536xf32, #tpu.memory_space<vmem>>, vector<16xf32>,
      %get3A_720 = vector.shape_cast %get3A_719 : vector<16xf32> to vector<16xf32>
      %mul3A_721 = vector.broadcast %squeeze3A_713 : f32 to vector<16xf32>
      %mul3A_722 = arith.mulf %get3A_720, %mul3A_721 : vector<16xf32>
      %max3A_723 = arith.maximumf %max3A_675, %mul3A_722 : vector<16xf32>
      %add3A_724 = arith.addf %add3A_676, %mul3A_722 : vector<16xf32>
      %mul3A_725 = arith.constant 64 : i32
      %mul3A_726 = arith.muli %squeeze3A_711, %mul3A_725 : i32
      %add3A_727 = arith.constant 16 : i32
      %add3A_728 = arith.addi %mul3A_726, %add3A_727 : i32
      %get3A_729 = arith.index_cast %add3A_728 : i32 to index
      %get3A_730 = tpu.vector_load %arg6[%get3A_729] {strides = array<i32>} : memref<65536xf32, #tpu.memory_space<vmem>>, vector<16xf32>,
      %get3A_731 = vector.shape_cast %get3A_730 : vector<16xf32> to vector<16xf32>
      %mul3A_732 = vector.broadcast %squeeze3A_713 : f32 to vector<16xf32>
      %mul3A_733 = arith.mulf %get3A_731, %mul3A_732 : vector<16xf32>
      %max3A_734 = arith.maximumf %max3A_686, %mul3A_733 : vector<16xf32>
      %add3A_735 = arith.addf %add3A_687, %mul3A_733 : vector<16xf32>
      %mul3A_736 = arith.constant 64 : i32
      %mul3A_737 = arith.muli %squeeze3A_711, %mul3A_736 : i32
      %add3A_738 = arith.constant 32 : i32
      %add3A_739 = arith.addi %mul3A_737, %add3A_738 : i32
      %get3A_740 = arith.index_cast %add3A_739 : i32 to index
      %get3A_741 = tpu.vector_load %arg6[%get3A_740] {strides = array<i32>} : memref<65536xf32, #tpu.memory_space<vmem>>, vector<16xf32>,
      %get3A_742 = vector.shape_cast %get3A_741 : vector<16xf32> to vector<16xf32>
      %mul3A_743 = vector.broadcast %squeeze3A_713 : f32 to vector<16xf32>
      %mul3A_744 = arith.mulf %get3A_742, %mul3A_743 : vector<16xf32>
      %max3A_745 = arith.maximumf %max3A_697, %mul3A_744 : vector<16xf32>
      %add3A_746 = arith.addf %add3A_698, %mul3A_744 : vector<16xf32>
      %mul3A_747 = arith.constant 64 : i32
      %mul3A_748 = arith.muli %squeeze3A_711, %mul3A_747 : i32
      %add3A_749 = arith.constant 48 : i32
      %add3A_750 = arith.addi %mul3A_748, %add3A_749 : i32
      %get3A_751 = arith.index_cast %add3A_750 : i32 to index
      %get3A_752 = tpu.vector_load %arg6[%get3A_751] {strides = array<i32>} : memref<65536xf32, #tpu.memory_space<vmem>>, vector<16xf32>,
      %get3A_753 = vector.shape_cast %get3A_752 : vector<16xf32> to vector<16xf32>
      %mul3A_754 = vector.broadcast %squeeze3A_713 : f32 to vector<16xf32>
      %mul3A_755 = arith.mulf %get3A_753, %mul3A_754 : vector<16xf32>
      %max3A_756 = arith.maximumf %max3A_708, %mul3A_755 : vector<16xf32>
      %add3A_757 = arith.addf %add3A_709, %mul3A_755 : vector<16xf32>
      %slice3A_758 = vector.extract_strided_slice %get3A_38 {offsets = [14], sizes = [1], strides = [1]} : vector<16xi32> to vector<1xi32>
      %squeeze3A_759 = vector.extract %slice3A_758[0] : i32 from vector<1xi32>
      %slice3A_760 = vector.extract_strided_slice %get3A_59 {offsets = [14], sizes = [1], strides = [1]} : vector<16xf32> to vector<1xf32>
      %squeeze3A_761 = vector.extract %slice3A_760[0] : f32 from vector<1xf32>
      %mul3A_762 = arith.constant 64 : i32
      %mul3A_763 = arith.muli %squeeze3A_759, %mul3A_762 : i32
      %add3A_764 = arith.constant 0 : i32
      %add3A_765 = arith.addi %mul3A_763, %add3A_764 : i32
      %get3A_766 = arith.index_cast %add3A_765 : i32 to index
      %get3A_767 = tpu.vector_load %arg6[%get3A_766] {strides = array<i32>} : memref<65536xf32, #tpu.memory_space<vmem>>, vector<16xf32>,
      %get3A_768 = vector.shape_cast %get3A_767 : vector<16xf32> to vector<16xf32>
      %mul3A_769 = vector.broadcast %squeeze3A_761 : f32 to vector<16xf32>
      %mul3A_770 = arith.mulf %get3A_768, %mul3A_769 : vector<16xf32>
      %max3A_771 = arith.maximumf %max3A_723, %mul3A_770 : vector<16xf32>
      %add3A_772 = arith.addf %add3A_724, %mul3A_770 : vector<16xf32>
      %mul3A_773 = arith.constant 64 : i32
      %mul3A_774 = arith.muli %squeeze3A_759, %mul3A_773 : i32
      %add3A_775 = arith.constant 16 : i32
      %add3A_776 = arith.addi %mul3A_774, %add3A_775 : i32
      %get3A_777 = arith.index_cast %add3A_776 : i32 to index
      %get3A_778 = tpu.vector_load %arg6[%get3A_777] {strides = array<i32>} : memref<65536xf32, #tpu.memory_space<vmem>>, vector<16xf32>,
      %get3A_779 = vector.shape_cast %get3A_778 : vector<16xf32> to vector<16xf32>
      %mul3A_780 = vector.broadcast %squeeze3A_761 : f32 to vector<16xf32>
      %mul3A_781 = arith.mulf %get3A_779, %mul3A_780 : vector<16xf32>
      %max3A_782 = arith.maximumf %max3A_734, %mul3A_781 : vector<16xf32>
      %add3A_783 = arith.addf %add3A_735, %mul3A_781 : vector<16xf32>
      %mul3A_784 = arith.constant 64 : i32
      %mul3A_785 = arith.muli %squeeze3A_759, %mul3A_784 : i32
      %add3A_786 = arith.constant 32 : i32
      %add3A_787 = arith.addi %mul3A_785, %add3A_786 : i32
      %get3A_788 = arith.index_cast %add3A_787 : i32 to index
      %get3A_789 = tpu.vector_load %arg6[%get3A_788] {strides = array<i32>} : memref<65536xf32, #tpu.memory_space<vmem>>, vector<16xf32>,
      %get3A_790 = vector.shape_cast %get3A_789 : vector<16xf32> to vector<16xf32>
      %mul3A_791 = vector.broadcast %squeeze3A_761 : f32 to vector<16xf32>
      %mul3A_792 = arith.mulf %get3A_790, %mul3A_791 : vector<16xf32>
      %max3A_793 = arith.maximumf %max3A_745, %mul3A_792 : vector<16xf32>
      %add3A_794 = arith.addf %add3A_746, %mul3A_792 : vector<16xf32>
      %mul3A_795 = arith.constant 64 : i32
      %mul3A_796 = arith.muli %squeeze3A_759, %mul3A_795 : i32
      %add3A_797 = arith.constant 48 : i32
      %add3A_798 = arith.addi %mul3A_796, %add3A_797 : i32
      %get3A_799 = arith.index_cast %add3A_798 : i32 to index
      %get3A_800 = tpu.vector_load %arg6[%get3A_799] {strides = array<i32>} : memref<65536xf32, #tpu.memory_space<vmem>>, vector<16xf32>,
      %get3A_801 = vector.shape_cast %get3A_800 : vector<16xf32> to vector<16xf32>
      %mul3A_802 = vector.broadcast %squeeze3A_761 : f32 to vector<16xf32>
      %mul3A_803 = arith.mulf %get3A_801, %mul3A_802 : vector<16xf32>
      %max3A_804 = arith.maximumf %max3A_756, %mul3A_803 : vector<16xf32>
      %add3A_805 = arith.addf %add3A_757, %mul3A_803 : vector<16xf32>
      %slice3A_806 = vector.extract_strided_slice %get3A_38 {offsets = [15], sizes = [1], strides = [1]} : vector<16xi32> to vector<1xi32>
      %squeeze3A_807 = vector.extract %slice3A_806[0] : i32 from vector<1xi32>
      %slice3A_808 = vector.extract_strided_slice %get3A_59 {offsets = [15], sizes = [1], strides = [1]} : vector<16xf32> to vector<1xf32>
      %squeeze3A_809 = vector.extract %slice3A_808[0] : f32 from vector<1xf32>
      %mul3A_810 = arith.constant 64 : i32
      %mul3A_811 = arith.muli %squeeze3A_807, %mul3A_810 : i32
      %add3A_812 = arith.constant 0 : i32
      %add3A_813 = arith.addi %mul3A_811, %add3A_812 : i32
      %get3A_814 = arith.index_cast %add3A_813 : i32 to index
      %get3A_815 = tpu.vector_load %arg6[%get3A_814] {strides = array<i32>} : memref<65536xf32, #tpu.memory_space<vmem>>, vector<16xf32>,
      %get3A_816 = vector.shape_cast %get3A_815 : vector<16xf32> to vector<16xf32>
      %mul3A_817 = vector.broadcast %squeeze3A_809 : f32 to vector<16xf32>
      %mul3A_818 = arith.mulf %get3A_816, %mul3A_817 : vector<16xf32>
      %max3A_819 = arith.maximumf %max3A_771, %mul3A_818 : vector<16xf32>
      %add3A_820 = arith.addf %add3A_772, %mul3A_818 : vector<16xf32>
      %mul3A_821 = arith.constant 64 : i32
      %mul3A_822 = arith.muli %squeeze3A_807, %mul3A_821 : i32
      %add3A_823 = arith.constant 16 : i32
      %add3A_824 = arith.addi %mul3A_822, %add3A_823 : i32
      %get3A_825 = arith.index_cast %add3A_824 : i32 to index
      %get3A_826 = tpu.vector_load %arg6[%get3A_825] {strides = array<i32>} : memref<65536xf32, #tpu.memory_space<vmem>>, vector<16xf32>,
      %get3A_827 = vector.shape_cast %get3A_826 : vector<16xf32> to vector<16xf32>
      %mul3A_828 = vector.broadcast %squeeze3A_809 : f32 to vector<16xf32>
      %mul3A_829 = arith.mulf %get3A_827, %mul3A_828 : vector<16xf32>
      %max3A_830 = arith.maximumf %max3A_782, %mul3A_829 : vector<16xf32>
      %add3A_831 = arith.addf %add3A_783, %mul3A_829 : vector<16xf32>
      %mul3A_832 = arith.constant 64 : i32
      %mul3A_833 = arith.muli %squeeze3A_807, %mul3A_832 : i32
      %add3A_834 = arith.constant 32 : i32
      %add3A_835 = arith.addi %mul3A_833, %add3A_834 : i32
      %get3A_836 = arith.index_cast %add3A_835 : i32 to index
      %get3A_837 = tpu.vector_load %arg6[%get3A_836] {strides = array<i32>} : memref<65536xf32, #tpu.memory_space<vmem>>, vector<16xf32>,
      %get3A_838 = vector.shape_cast %get3A_837 : vector<16xf32> to vector<16xf32>
      %mul3A_839 = vector.broadcast %squeeze3A_809 : f32 to vector<16xf32>
      %mul3A_840 = arith.mulf %get3A_838, %mul3A_839 : vector<16xf32>
      %max3A_841 = arith.maximumf %max3A_793, %mul3A_840 : vector<16xf32>
      %add3A_842 = arith.addf %add3A_794, %mul3A_840 : vector<16xf32>
      %mul3A_843 = arith.constant 64 : i32
      %mul3A_844 = arith.muli %squeeze3A_807, %mul3A_843 : i32
      %add3A_845 = arith.constant 48 : i32
      %add3A_846 = arith.addi %mul3A_844, %add3A_845 : i32
      %get3A_847 = arith.index_cast %add3A_846 : i32 to index
      %get3A_848 = tpu.vector_load %arg6[%get3A_847] {strides = array<i32>} : memref<65536xf32, #tpu.memory_space<vmem>>, vector<16xf32>,
      %get3A_849 = vector.shape_cast %get3A_848 : vector<16xf32> to vector<16xf32>
      %mul3A_850 = vector.broadcast %squeeze3A_809 : f32 to vector<16xf32>
      %mul3A_851 = arith.mulf %get3A_849, %mul3A_850 : vector<16xf32>
      %max3A_852 = arith.maximumf %max3A_804, %mul3A_851 : vector<16xf32>
      %add3A_853 = arith.addf %add3A_805, %mul3A_851 : vector<16xf32>
      %slice3A_854 = vector.extract_strided_slice %get3A_45 {offsets = [0], sizes = [1], strides = [1]} : vector<16xi32> to vector<1xi32>
      %squeeze3A_855 = vector.extract %slice3A_854[0] : i32 from vector<1xi32>
      %slice3A_856 = vector.extract_strided_slice %get3A_66 {offsets = [0], sizes = [1], strides = [1]} : vector<16xf32> to vector<1xf32>
      %squeeze3A_857 = vector.extract %slice3A_856[0] : f32 from vector<1xf32>
      %mul3A_858 = arith.constant 64 : i32
      %mul3A_859 = arith.muli %squeeze3A_855, %mul3A_858 : i32
      %add3A_860 = arith.constant 0 : i32
      %add3A_861 = arith.addi %mul3A_859, %add3A_860 : i32
      %get3A_862 = arith.index_cast %add3A_861 : i32 to index
      %get3A_863 = tpu.vector_load %arg6[%get3A_862] {strides = array<i32>} : memref<65536xf32, #tpu.memory_space<vmem>>, vector<16xf32>,
      %get3A_864 = vector.shape_cast %get3A_863 : vector<16xf32> to vector<16xf32>
      %mul3A_865 = vector.broadcast %squeeze3A_857 : f32 to vector<16xf32>
      %mul3A_866 = arith.mulf %get3A_864, %mul3A_865 : vector<16xf32>
      %max3A_867 = arith.maximumf %max3A_819, %mul3A_866 : vector<16xf32>
      %add3A_868 = arith.addf %add3A_820, %mul3A_866 : vector<16xf32>
      %mul3A_869 = arith.constant 64 : i32
      %mul3A_870 = arith.muli %squeeze3A_855, %mul3A_869 : i32
      %add3A_871 = arith.constant 16 : i32
      %add3A_872 = arith.addi %mul3A_870, %add3A_871 : i32
      %get3A_873 = arith.index_cast %add3A_872 : i32 to index
      %get3A_874 = tpu.vector_load %arg6[%get3A_873] {strides = array<i32>} : memref<65536xf32, #tpu.memory_space<vmem>>, vector<16xf32>,
      %get3A_875 = vector.shape_cast %get3A_874 : vector<16xf32> to vector<16xf32>
      %mul3A_876 = vector.broadcast %squeeze3A_857 : f32 to vector<16xf32>
      %mul3A_877 = arith.mulf %get3A_875, %mul3A_876 : vector<16xf32>
      %max3A_878 = arith.maximumf %max3A_830, %mul3A_877 : vector<16xf32>
      %add3A_879 = arith.addf %add3A_831, %mul3A_877 : vector<16xf32>
      %mul3A_880 = arith.constant 64 : i32
      %mul3A_881 = arith.muli %squeeze3A_855, %mul3A_880 : i32
      %add3A_882 = arith.constant 32 : i32
      %add3A_883 = arith.addi %mul3A_881, %add3A_882 : i32
      %get3A_884 = arith.index_cast %add3A_883 : i32 to index
      %get3A_885 = tpu.vector_load %arg6[%get3A_884] {strides = array<i32>} : memref<65536xf32, #tpu.memory_space<vmem>>, vector<16xf32>,
      %get3A_886 = vector.shape_cast %get3A_885 : vector<16xf32> to vector<16xf32>
      %mul3A_887 = vector.broadcast %squeeze3A_857 : f32 to vector<16xf32>
      %mul3A_888 = arith.mulf %get3A_886, %mul3A_887 : vector<16xf32>
      %max3A_889 = arith.maximumf %max3A_841, %mul3A_888 : vector<16xf32>
      %add3A_890 = arith.addf %add3A_842, %mul3A_888 : vector<16xf32>
      %mul3A_891 = arith.constant 64 : i32
      %mul3A_892 = arith.muli %squeeze3A_855, %mul3A_891 : i32
      %add3A_893 = arith.constant 48 : i32
      %add3A_894 = arith.addi %mul3A_892, %add3A_893 : i32
      %get3A_895 = arith.index_cast %add3A_894 : i32 to index
      %get3A_896 = tpu.vector_load %arg6[%get3A_895] {strides = array<i32>} : memref<65536xf32, #tpu.memory_space<vmem>>, vector<16xf32>,
      %get3A_897 = vector.shape_cast %get3A_896 : vector<16xf32> to vector<16xf32>
      %mul3A_898 = vector.broadcast %squeeze3A_857 : f32 to vector<16xf32>
      %mul3A_899 = arith.mulf %get3A_897, %mul3A_898 : vector<16xf32>
      %max3A_900 = arith.maximumf %max3A_852, %mul3A_899 : vector<16xf32>
      %add3A_901 = arith.addf %add3A_853, %mul3A_899 : vector<16xf32>
      %slice3A_902 = vector.extract_strided_slice %get3A_45 {offsets = [1], sizes = [1], strides = [1]} : vector<16xi32> to vector<1xi32>
      %squeeze3A_903 = vector.extract %slice3A_902[0] : i32 from vector<1xi32>
      %slice3A_904 = vector.extract_strided_slice %get3A_66 {offsets = [1], sizes = [1], strides = [1]} : vector<16xf32> to vector<1xf32>
      %squeeze3A_905 = vector.extract %slice3A_904[0] : f32 from vector<1xf32>
      %mul3A_906 = arith.constant 64 : i32
      %mul3A_907 = arith.muli %squeeze3A_903, %mul3A_906 : i32
      %add3A_908 = arith.constant 0 : i32
      %add3A_909 = arith.addi %mul3A_907, %add3A_908 : i32
      %get3A_910 = arith.index_cast %add3A_909 : i32 to index
      %get3A_911 = tpu.vector_load %arg6[%get3A_910] {strides = array<i32>} : memref<65536xf32, #tpu.memory_space<vmem>>, vector<16xf32>,
      %get3A_912 = vector.shape_cast %get3A_911 : vector<16xf32> to vector<16xf32>
      %mul3A_913 = vector.broadcast %squeeze3A_905 : f32 to vector<16xf32>
      %mul3A_914 = arith.mulf %get3A_912, %mul3A_913 : vector<16xf32>
      %max3A_915 = arith.maximumf %max3A_867, %mul3A_914 : vector<16xf32>
      %add3A_916 = arith.addf %add3A_868, %mul3A_914 : vector<16xf32>
      %mul3A_917 = arith.constant 64 : i32
      %mul3A_918 = arith.muli %squeeze3A_903, %mul3A_917 : i32
      %add3A_919 = arith.constant 16 : i32
      %add3A_920 = arith.addi %mul3A_918, %add3A_919 : i32
      %get3A_921 = arith.index_cast %add3A_920 : i32 to index
      %get3A_922 = tpu.vector_load %arg6[%get3A_921] {strides = array<i32>} : memref<65536xf32, #tpu.memory_space<vmem>>, vector<16xf32>,
      %get3A_923 = vector.shape_cast %get3A_922 : vector<16xf32> to vector<16xf32>
      %mul3A_924 = vector.broadcast %squeeze3A_905 : f32 to vector<16xf32>
      %mul3A_925 = arith.mulf %get3A_923, %mul3A_924 : vector<16xf32>
      %max3A_926 = arith.maximumf %max3A_878, %mul3A_925 : vector<16xf32>
      %add3A_927 = arith.addf %add3A_879, %mul3A_925 : vector<16xf32>
      %mul3A_928 = arith.constant 64 : i32
      %mul3A_929 = arith.muli %squeeze3A_903, %mul3A_928 : i32
      %add3A_930 = arith.constant 32 : i32
      %add3A_931 = arith.addi %mul3A_929, %add3A_930 : i32
      %get3A_932 = arith.index_cast %add3A_931 : i32 to index
      %get3A_933 = tpu.vector_load %arg6[%get3A_932] {strides = array<i32>} : memref<65536xf32, #tpu.memory_space<vmem>>, vector<16xf32>,
      %get3A_934 = vector.shape_cast %get3A_933 : vector<16xf32> to vector<16xf32>
      %mul3A_935 = vector.broadcast %squeeze3A_905 : f32 to vector<16xf32>
      %mul3A_936 = arith.mulf %get3A_934, %mul3A_935 : vector<16xf32>
      %max3A_937 = arith.maximumf %max3A_889, %mul3A_936 : vector<16xf32>
      %add3A_938 = arith.addf %add3A_890, %mul3A_936 : vector<16xf32>
      %mul3A_939 = arith.constant 64 : i32
      %mul3A_940 = arith.muli %squeeze3A_903, %mul3A_939 : i32
      %add3A_941 = arith.constant 48 : i32
      %add3A_942 = arith.addi %mul3A_940, %add3A_941 : i32
      %get3A_943 = arith.index_cast %add3A_942 : i32 to index
      %get3A_944 = tpu.vector_load %arg6[%get3A_943] {strides = array<i32>} : memref<65536xf32, #tpu.memory_space<vmem>>, vector<16xf32>,
      %get3A_945 = vector.shape_cast %get3A_944 : vector<16xf32> to vector<16xf32>
      %mul3A_946 = vector.broadcast %squeeze3A_905 : f32 to vector<16xf32>
      %mul3A_947 = arith.mulf %get3A_945, %mul3A_946 : vector<16xf32>
      %max3A_948 = arith.maximumf %max3A_900, %mul3A_947 : vector<16xf32>
      %add3A_949 = arith.addf %add3A_901, %mul3A_947 : vector<16xf32>
      %slice3A_950 = vector.extract_strided_slice %get3A_45 {offsets = [2], sizes = [1], strides = [1]} : vector<16xi32> to vector<1xi32>
      %squeeze3A_951 = vector.extract %slice3A_950[0] : i32 from vector<1xi32>
      %slice3A_952 = vector.extract_strided_slice %get3A_66 {offsets = [2], sizes = [1], strides = [1]} : vector<16xf32> to vector<1xf32>
      %squeeze3A_953 = vector.extract %slice3A_952[0] : f32 from vector<1xf32>
      %mul3A_954 = arith.constant 64 : i32
      %mul3A_955 = arith.muli %squeeze3A_951, %mul3A_954 : i32
      %add3A_956 = arith.constant 0 : i32
      %add3A_957 = arith.addi %mul3A_955, %add3A_956 : i32
      %get3A_958 = arith.index_cast %add3A_957 : i32 to index
      %get3A_959 = tpu.vector_load %arg6[%get3A_958] {strides = array<i32>} : memref<65536xf32, #tpu.memory_space<vmem>>, vector<16xf32>,
      %get3A_960 = vector.shape_cast %get3A_959 : vector<16xf32> to vector<16xf32>
      %mul3A_961 = vector.broadcast %squeeze3A_953 : f32 to vector<16xf32>
      %mul3A_962 = arith.mulf %get3A_960, %mul3A_961 : vector<16xf32>
      %max3A_963 = arith.maximumf %max3A_915, %mul3A_962 : vector<16xf32>
      %add3A_964 = arith.addf %add3A_916, %mul3A_962 : vector<16xf32>
      %mul3A_965 = arith.constant 64 : i32
      %mul3A_966 = arith.muli %squeeze3A_951, %mul3A_965 : i32
      %add3A_967 = arith.constant 16 : i32
      %add3A_968 = arith.addi %mul3A_966, %add3A_967 : i32
      %get3A_969 = arith.index_cast %add3A_968 : i32 to index
      %get3A_970 = tpu.vector_load %arg6[%get3A_969] {strides = array<i32>} : memref<65536xf32, #tpu.memory_space<vmem>>, vector<16xf32>,
      %get3A_971 = vector.shape_cast %get3A_970 : vector<16xf32> to vector<16xf32>
      %mul3A_972 = vector.broadcast %squeeze3A_953 : f32 to vector<16xf32>
      %mul3A_973 = arith.mulf %get3A_971, %mul3A_972 : vector<16xf32>
      %max3A_974 = arith.maximumf %max3A_926, %mul3A_973 : vector<16xf32>
      %add3A_975 = arith.addf %add3A_927, %mul3A_973 : vector<16xf32>
      %mul3A_976 = arith.constant 64 : i32
      %mul3A_977 = arith.muli %squeeze3A_951, %mul3A_976 : i32
      %add3A_978 = arith.constant 32 : i32
      %add3A_979 = arith.addi %mul3A_977, %add3A_978 : i32
      %get3A_980 = arith.index_cast %add3A_979 : i32 to index
      %get3A_981 = tpu.vector_load %arg6[%get3A_980] {strides = array<i32>} : memref<65536xf32, #tpu.memory_space<vmem>>, vector<16xf32>,
      %get3A_982 = vector.shape_cast %get3A_981 : vector<16xf32> to vector<16xf32>
      %mul3A_983 = vector.broadcast %squeeze3A_953 : f32 to vector<16xf32>
      %mul3A_984 = arith.mulf %get3A_982, %mul3A_983 : vector<16xf32>
      %max3A_985 = arith.maximumf %max3A_937, %mul3A_984 : vector<16xf32>
      %add3A_986 = arith.addf %add3A_938, %mul3A_984 : vector<16xf32>
      %mul3A_987 = arith.constant 64 : i32
      %mul3A_988 = arith.muli %squeeze3A_951, %mul3A_987 : i32
      %add3A_989 = arith.constant 48 : i32
      %add3A_990 = arith.addi %mul3A_988, %add3A_989 : i32
      %get3A_991 = arith.index_cast %add3A_990 : i32 to index
      %get3A_992 = tpu.vector_load %arg6[%get3A_991] {strides = array<i32>} : memref<65536xf32, #tpu.memory_space<vmem>>, vector<16xf32>,
      %get3A_993 = vector.shape_cast %get3A_992 : vector<16xf32> to vector<16xf32>
      %mul3A_994 = vector.broadcast %squeeze3A_953 : f32 to vector<16xf32>
      %mul3A_995 = arith.mulf %get3A_993, %mul3A_994 : vector<16xf32>
      %max3A_996 = arith.maximumf %max3A_948, %mul3A_995 : vector<16xf32>
      %add3A_997 = arith.addf %add3A_949, %mul3A_995 : vector<16xf32>
      %slice3A_998 = vector.extract_strided_slice %get3A_45 {offsets = [3], sizes = [1], strides = [1]} : vector<16xi32> to vector<1xi32>
      %squeeze3A_999 = vector.extract %slice3A_998[0] : i32 from vector<1xi32>
      %slice3A_1000 = vector.extract_strided_slice %get3A_66 {offsets = [3], sizes = [1], strides = [1]} : vector<16xf32> to vector<1xf32>
      %squeeze3A_1001 = vector.extract %slice3A_1000[0] : f32 from vector<1xf32>
      %mul3A_1002 = arith.constant 64 : i32
      %mul3A_1003 = arith.muli %squeeze3A_999, %mul3A_1002 : i32
      %add3A_1004 = arith.constant 0 : i32
      %add3A_1005 = arith.addi %mul3A_1003, %add3A_1004 : i32
      %get3A_1006 = arith.index_cast %add3A_1005 : i32 to index
      %get3A_1007 = tpu.vector_load %arg6[%get3A_1006] {strides = array<i32>} : memref<65536xf32, #tpu.memory_space<vmem>>, vector<16xf32>,
      %get3A_1008 = vector.shape_cast %get3A_1007 : vector<16xf32> to vector<16xf32>
      %mul3A_1009 = vector.broadcast %squeeze3A_1001 : f32 to vector<16xf32>
      %mul3A_1010 = arith.mulf %get3A_1008, %mul3A_1009 : vector<16xf32>
      %max3A_1011 = arith.maximumf %max3A_963, %mul3A_1010 : vector<16xf32>
      %add3A_1012 = arith.addf %add3A_964, %mul3A_1010 : vector<16xf32>
      %mul3A_1013 = arith.constant 64 : i32
      %mul3A_1014 = arith.muli %squeeze3A_999, %mul3A_1013 : i32
      %add3A_1015 = arith.constant 16 : i32
      %add3A_1016 = arith.addi %mul3A_1014, %add3A_1015 : i32
      %get3A_1017 = arith.index_cast %add3A_1016 : i32 to index
      %get3A_1018 = tpu.vector_load %arg6[%get3A_1017] {strides = array<i32>} : memref<65536xf32, #tpu.memory_space<vmem>>, vector<16xf32>,
      %get3A_1019 = vector.shape_cast %get3A_1018 : vector<16xf32> to vector<16xf32>
      %mul3A_1020 = vector.broadcast %squeeze3A_1001 : f32 to vector<16xf32>
      %mul3A_1021 = arith.mulf %get3A_1019, %mul3A_1020 : vector<16xf32>
      %max3A_1022 = arith.maximumf %max3A_974, %mul3A_1021 : vector<16xf32>
      %add3A_1023 = arith.addf %add3A_975, %mul3A_1021 : vector<16xf32>
      %mul3A_1024 = arith.constant 64 : i32
      %mul3A_1025 = arith.muli %squeeze3A_999, %mul3A_1024 : i32
      %add3A_1026 = arith.constant 32 : i32
      %add3A_1027 = arith.addi %mul3A_1025, %add3A_1026 : i32
      %get3A_1028 = arith.index_cast %add3A_1027 : i32 to index
      %get3A_1029 = tpu.vector_load %arg6[%get3A_1028] {strides = array<i32>} : memref<65536xf32, #tpu.memory_space<vmem>>, vector<16xf32>,
      %get3A_1030 = vector.shape_cast %get3A_1029 : vector<16xf32> to vector<16xf32>
      %mul3A_1031 = vector.broadcast %squeeze3A_1001 : f32 to vector<16xf32>
      %mul3A_1032 = arith.mulf %get3A_1030, %mul3A_1031 : vector<16xf32>
      %max3A_1033 = arith.maximumf %max3A_985, %mul3A_1032 : vector<16xf32>
      %add3A_1034 = arith.addf %add3A_986, %mul3A_1032 : vector<16xf32>
      %mul3A_1035 = arith.constant 64 : i32
      %mul3A_1036 = arith.muli %squeeze3A_999, %mul3A_1035 : i32
      %add3A_1037 = arith.constant 48 : i32
      %add3A_1038 = arith.addi %mul3A_1036, %add3A_1037 : i32
      %get3A_1039 = arith.index_cast %add3A_1038 : i32 to index
      %get3A_1040 = tpu.vector_load %arg6[%get3A_1039] {strides = array<i32>} : memref<65536xf32, #tpu.memory_space<vmem>>, vector<16xf32>,
      %get3A_1041 = vector.shape_cast %get3A_1040 : vector<16xf32> to vector<16xf32>
      %mul3A_1042 = vector.broadcast %squeeze3A_1001 : f32 to vector<16xf32>
      %mul3A_1043 = arith.mulf %get3A_1041, %mul3A_1042 : vector<16xf32>
      %max3A_1044 = arith.maximumf %max3A_996, %mul3A_1043 : vector<16xf32>
      %add3A_1045 = arith.addf %add3A_997, %mul3A_1043 : vector<16xf32>
      %slice3A_1046 = vector.extract_strided_slice %get3A_45 {offsets = [4], sizes = [1], strides = [1]} : vector<16xi32> to vector<1xi32>
      %squeeze3A_1047 = vector.extract %slice3A_1046[0] : i32 from vector<1xi32>
      %slice3A_1048 = vector.extract_strided_slice %get3A_66 {offsets = [4], sizes = [1], strides = [1]} : vector<16xf32> to vector<1xf32>
      %squeeze3A_1049 = vector.extract %slice3A_1048[0] : f32 from vector<1xf32>
      %mul3A_1050 = arith.constant 64 : i32
      %mul3A_1051 = arith.muli %squeeze3A_1047, %mul3A_1050 : i32
      %add3A_1052 = arith.constant 0 : i32
      %add3A_1053 = arith.addi %mul3A_1051, %add3A_1052 : i32
      %get3A_1054 = arith.index_cast %add3A_1053 : i32 to index
      %get3A_1055 = tpu.vector_load %arg6[%get3A_1054] {strides = array<i32>} : memref<65536xf32, #tpu.memory_space<vmem>>, vector<16xf32>,
      %get3A_1056 = vector.shape_cast %get3A_1055 : vector<16xf32> to vector<16xf32>
      %mul3A_1057 = vector.broadcast %squeeze3A_1049 : f32 to vector<16xf32>
      %mul3A_1058 = arith.mulf %get3A_1056, %mul3A_1057 : vector<16xf32>
      %max3A_1059 = arith.maximumf %max3A_1011, %mul3A_1058 : vector<16xf32>
      %add3A_1060 = arith.addf %add3A_1012, %mul3A_1058 : vector<16xf32>
      %mul3A_1061 = arith.constant 64 : i32
      %mul3A_1062 = arith.muli %squeeze3A_1047, %mul3A_1061 : i32
      %add3A_1063 = arith.constant 16 : i32
      %add3A_1064 = arith.addi %mul3A_1062, %add3A_1063 : i32
      %get3A_1065 = arith.index_cast %add3A_1064 : i32 to index
      %get3A_1066 = tpu.vector_load %arg6[%get3A_1065] {strides = array<i32>} : memref<65536xf32, #tpu.memory_space<vmem>>, vector<16xf32>,
      %get3A_1067 = vector.shape_cast %get3A_1066 : vector<16xf32> to vector<16xf32>
      %mul3A_1068 = vector.broadcast %squeeze3A_1049 : f32 to vector<16xf32>
      %mul3A_1069 = arith.mulf %get3A_1067, %mul3A_1068 : vector<16xf32>
      %max3A_1070 = arith.maximumf %max3A_1022, %mul3A_1069 : vector<16xf32>
      %add3A_1071 = arith.addf %add3A_1023, %mul3A_1069 : vector<16xf32>
      %mul3A_1072 = arith.constant 64 : i32
      %mul3A_1073 = arith.muli %squeeze3A_1047, %mul3A_1072 : i32
      %add3A_1074 = arith.constant 32 : i32
      %add3A_1075 = arith.addi %mul3A_1073, %add3A_1074 : i32
      %get3A_1076 = arith.index_cast %add3A_1075 : i32 to index
      %get3A_1077 = tpu.vector_load %arg6[%get3A_1076] {strides = array<i32>} : memref<65536xf32, #tpu.memory_space<vmem>>, vector<16xf32>,
      %get3A_1078 = vector.shape_cast %get3A_1077 : vector<16xf32> to vector<16xf32>
      %mul3A_1079 = vector.broadcast %squeeze3A_1049 : f32 to vector<16xf32>
      %mul3A_1080 = arith.mulf %get3A_1078, %mul3A_1079 : vector<16xf32>
      %max3A_1081 = arith.maximumf %max3A_1033, %mul3A_1080 : vector<16xf32>
      %add3A_1082 = arith.addf %add3A_1034, %mul3A_1080 : vector<16xf32>
      %mul3A_1083 = arith.constant 64 : i32
      %mul3A_1084 = arith.muli %squeeze3A_1047, %mul3A_1083 : i32
      %add3A_1085 = arith.constant 48 : i32
      %add3A_1086 = arith.addi %mul3A_1084, %add3A_1085 : i32
      %get3A_1087 = arith.index_cast %add3A_1086 : i32 to index
      %get3A_1088 = tpu.vector_load %arg6[%get3A_1087] {strides = array<i32>} : memref<65536xf32, #tpu.memory_space<vmem>>, vector<16xf32>,
      %get3A_1089 = vector.shape_cast %get3A_1088 : vector<16xf32> to vector<16xf32>
      %mul3A_1090 = vector.broadcast %squeeze3A_1049 : f32 to vector<16xf32>
      %mul3A_1091 = arith.mulf %get3A_1089, %mul3A_1090 : vector<16xf32>
      %max3A_1092 = arith.maximumf %max3A_1044, %mul3A_1091 : vector<16xf32>
      %add3A_1093 = arith.addf %add3A_1045, %mul3A_1091 : vector<16xf32>
      %slice3A_1094 = vector.extract_strided_slice %get3A_45 {offsets = [5], sizes = [1], strides = [1]} : vector<16xi32> to vector<1xi32>
      %squeeze3A_1095 = vector.extract %slice3A_1094[0] : i32 from vector<1xi32>
      %slice3A_1096 = vector.extract_strided_slice %get3A_66 {offsets = [5], sizes = [1], strides = [1]} : vector<16xf32> to vector<1xf32>
      %squeeze3A_1097 = vector.extract %slice3A_1096[0] : f32 from vector<1xf32>
      %mul3A_1098 = arith.constant 64 : i32
      %mul3A_1099 = arith.muli %squeeze3A_1095, %mul3A_1098 : i32
      %add3A_1100 = arith.constant 0 : i32
      %add3A_1101 = arith.addi %mul3A_1099, %add3A_1100 : i32
      %get3A_1102 = arith.index_cast %add3A_1101 : i32 to index
      %get3A_1103 = tpu.vector_load %arg6[%get3A_1102] {strides = array<i32>} : memref<65536xf32, #tpu.memory_space<vmem>>, vector<16xf32>,
      %get3A_1104 = vector.shape_cast %get3A_1103 : vector<16xf32> to vector<16xf32>
      %mul3A_1105 = vector.broadcast %squeeze3A_1097 : f32 to vector<16xf32>
      %mul3A_1106 = arith.mulf %get3A_1104, %mul3A_1105 : vector<16xf32>
      %max3A_1107 = arith.maximumf %max3A_1059, %mul3A_1106 : vector<16xf32>
      %add3A_1108 = arith.addf %add3A_1060, %mul3A_1106 : vector<16xf32>
      %mul3A_1109 = arith.constant 64 : i32
      %mul3A_1110 = arith.muli %squeeze3A_1095, %mul3A_1109 : i32
      %add3A_1111 = arith.constant 16 : i32
      %add3A_1112 = arith.addi %mul3A_1110, %add3A_1111 : i32
      %get3A_1113 = arith.index_cast %add3A_1112 : i32 to index
      %get3A_1114 = tpu.vector_load %arg6[%get3A_1113] {strides = array<i32>} : memref<65536xf32, #tpu.memory_space<vmem>>, vector<16xf32>,
      %get3A_1115 = vector.shape_cast %get3A_1114 : vector<16xf32> to vector<16xf32>
      %mul3A_1116 = vector.broadcast %squeeze3A_1097 : f32 to vector<16xf32>
      %mul3A_1117 = arith.mulf %get3A_1115, %mul3A_1116 : vector<16xf32>
      %max3A_1118 = arith.maximumf %max3A_1070, %mul3A_1117 : vector<16xf32>
      %add3A_1119 = arith.addf %add3A_1071, %mul3A_1117 : vector<16xf32>
      %mul3A_1120 = arith.constant 64 : i32
      %mul3A_1121 = arith.muli %squeeze3A_1095, %mul3A_1120 : i32
      %add3A_1122 = arith.constant 32 : i32
      %add3A_1123 = arith.addi %mul3A_1121, %add3A_1122 : i32
      %get3A_1124 = arith.index_cast %add3A_1123 : i32 to index
      %get3A_1125 = tpu.vector_load %arg6[%get3A_1124] {strides = array<i32>} : memref<65536xf32, #tpu.memory_space<vmem>>, vector<16xf32>,
      %get3A_1126 = vector.shape_cast %get3A_1125 : vector<16xf32> to vector<16xf32>
      %mul3A_1127 = vector.broadcast %squeeze3A_1097 : f32 to vector<16xf32>
      %mul3A_1128 = arith.mulf %get3A_1126, %mul3A_1127 : vector<16xf32>
      %max3A_1129 = arith.maximumf %max3A_1081, %mul3A_1128 : vector<16xf32>
      %add3A_1130 = arith.addf %add3A_1082, %mul3A_1128 : vector<16xf32>
      %mul3A_1131 = arith.constant 64 : i32
      %mul3A_1132 = arith.muli %squeeze3A_1095, %mul3A_1131 : i32
      %add3A_1133 = arith.constant 48 : i32
      %add3A_1134 = arith.addi %mul3A_1132, %add3A_1133 : i32
      %get3A_1135 = arith.index_cast %add3A_1134 : i32 to index
      %get3A_1136 = tpu.vector_load %arg6[%get3A_1135] {strides = array<i32>} : memref<65536xf32, #tpu.memory_space<vmem>>, vector<16xf32>,
      %get3A_1137 = vector.shape_cast %get3A_1136 : vector<16xf32> to vector<16xf32>
      %mul3A_1138 = vector.broadcast %squeeze3A_1097 : f32 to vector<16xf32>
      %mul3A_1139 = arith.mulf %get3A_1137, %mul3A_1138 : vector<16xf32>
      %max3A_1140 = arith.maximumf %max3A_1092, %mul3A_1139 : vector<16xf32>
      %add3A_1141 = arith.addf %add3A_1093, %mul3A_1139 : vector<16xf32>
      %slice3A_1142 = vector.extract_strided_slice %get3A_45 {offsets = [6], sizes = [1], strides = [1]} : vector<16xi32> to vector<1xi32>
      %squeeze3A_1143 = vector.extract %slice3A_1142[0] : i32 from vector<1xi32>
      %slice3A_1144 = vector.extract_strided_slice %get3A_66 {offsets = [6], sizes = [1], strides = [1]} : vector<16xf32> to vector<1xf32>
      %squeeze3A_1145 = vector.extract %slice3A_1144[0] : f32 from vector<1xf32>
      %mul3A_1146 = arith.constant 64 : i32
      %mul3A_1147 = arith.muli %squeeze3A_1143, %mul3A_1146 : i32
      %add3A_1148 = arith.constant 0 : i32
      %add3A_1149 = arith.addi %mul3A_1147, %add3A_1148 : i32
      %get3A_1150 = arith.index_cast %add3A_1149 : i32 to index
      %get3A_1151 = tpu.vector_load %arg6[%get3A_1150] {strides = array<i32>} : memref<65536xf32, #tpu.memory_space<vmem>>, vector<16xf32>,
      %get3A_1152 = vector.shape_cast %get3A_1151 : vector<16xf32> to vector<16xf32>
      %mul3A_1153 = vector.broadcast %squeeze3A_1145 : f32 to vector<16xf32>
      %mul3A_1154 = arith.mulf %get3A_1152, %mul3A_1153 : vector<16xf32>
      %max3A_1155 = arith.maximumf %max3A_1107, %mul3A_1154 : vector<16xf32>
      %add3A_1156 = arith.addf %add3A_1108, %mul3A_1154 : vector<16xf32>
      %mul3A_1157 = arith.constant 64 : i32
      %mul3A_1158 = arith.muli %squeeze3A_1143, %mul3A_1157 : i32
      %add3A_1159 = arith.constant 16 : i32
      %add3A_1160 = arith.addi %mul3A_1158, %add3A_1159 : i32
      %get3A_1161 = arith.index_cast %add3A_1160 : i32 to index
      %get3A_1162 = tpu.vector_load %arg6[%get3A_1161] {strides = array<i32>} : memref<65536xf32, #tpu.memory_space<vmem>>, vector<16xf32>,
      %get3A_1163 = vector.shape_cast %get3A_1162 : vector<16xf32> to vector<16xf32>
      %mul3A_1164 = vector.broadcast %squeeze3A_1145 : f32 to vector<16xf32>
      %mul3A_1165 = arith.mulf %get3A_1163, %mul3A_1164 : vector<16xf32>
      %max3A_1166 = arith.maximumf %max3A_1118, %mul3A_1165 : vector<16xf32>
      %add3A_1167 = arith.addf %add3A_1119, %mul3A_1165 : vector<16xf32>
      %mul3A_1168 = arith.constant 64 : i32
      %mul3A_1169 = arith.muli %squeeze3A_1143, %mul3A_1168 : i32
      %add3A_1170 = arith.constant 32 : i32
      %add3A_1171 = arith.addi %mul3A_1169, %add3A_1170 : i32
      %get3A_1172 = arith.index_cast %add3A_1171 : i32 to index
      %get3A_1173 = tpu.vector_load %arg6[%get3A_1172] {strides = array<i32>} : memref<65536xf32, #tpu.memory_space<vmem>>, vector<16xf32>,
      %get3A_1174 = vector.shape_cast %get3A_1173 : vector<16xf32> to vector<16xf32>
      %mul3A_1175 = vector.broadcast %squeeze3A_1145 : f32 to vector<16xf32>
      %mul3A_1176 = arith.mulf %get3A_1174, %mul3A_1175 : vector<16xf32>
      %max3A_1177 = arith.maximumf %max3A_1129, %mul3A_1176 : vector<16xf32>
      %add3A_1178 = arith.addf %add3A_1130, %mul3A_1176 : vector<16xf32>
      %mul3A_1179 = arith.constant 64 : i32
      %mul3A_1180 = arith.muli %squeeze3A_1143, %mul3A_1179 : i32
      %add3A_1181 = arith.constant 48 : i32
      %add3A_1182 = arith.addi %mul3A_1180, %add3A_1181 : i32
      %get3A_1183 = arith.index_cast %add3A_1182 : i32 to index
      %get3A_1184 = tpu.vector_load %arg6[%get3A_1183] {strides = array<i32>} : memref<65536xf32, #tpu.memory_space<vmem>>, vector<16xf32>,
      %get3A_1185 = vector.shape_cast %get3A_1184 : vector<16xf32> to vector<16xf32>
      %mul3A_1186 = vector.broadcast %squeeze3A_1145 : f32 to vector<16xf32>
      %mul3A_1187 = arith.mulf %get3A_1185, %mul3A_1186 : vector<16xf32>
      %max3A_1188 = arith.maximumf %max3A_1140, %mul3A_1187 : vector<16xf32>
      %add3A_1189 = arith.addf %add3A_1141, %mul3A_1187 : vector<16xf32>
      %slice3A_1190 = vector.extract_strided_slice %get3A_45 {offsets = [7], sizes = [1], strides = [1]} : vector<16xi32> to vector<1xi32>
      %squeeze3A_1191 = vector.extract %slice3A_1190[0] : i32 from vector<1xi32>
      %slice3A_1192 = vector.extract_strided_slice %get3A_66 {offsets = [7], sizes = [1], strides = [1]} : vector<16xf32> to vector<1xf32>
      %squeeze3A_1193 = vector.extract %slice3A_1192[0] : f32 from vector<1xf32>
      %mul3A_1194 = arith.constant 64 : i32
      %mul3A_1195 = arith.muli %squeeze3A_1191, %mul3A_1194 : i32
      %add3A_1196 = arith.constant 0 : i32
      %add3A_1197 = arith.addi %mul3A_1195, %add3A_1196 : i32
      %get3A_1198 = arith.index_cast %add3A_1197 : i32 to index
      %get3A_1199 = tpu.vector_load %arg6[%get3A_1198] {strides = array<i32>} : memref<65536xf32, #tpu.memory_space<vmem>>, vector<16xf32>,
      %get3A_1200 = vector.shape_cast %get3A_1199 : vector<16xf32> to vector<16xf32>
      %mul3A_1201 = vector.broadcast %squeeze3A_1193 : f32 to vector<16xf32>
      %mul3A_1202 = arith.mulf %get3A_1200, %mul3A_1201 : vector<16xf32>
      %max3A_1203 = arith.maximumf %max3A_1155, %mul3A_1202 : vector<16xf32>
      %add3A_1204 = arith.addf %add3A_1156, %mul3A_1202 : vector<16xf32>
      %mul3A_1205 = arith.constant 64 : i32
      %mul3A_1206 = arith.muli %squeeze3A_1191, %mul3A_1205 : i32
      %add3A_1207 = arith.constant 16 : i32
      %add3A_1208 = arith.addi %mul3A_1206, %add3A_1207 : i32
      %get3A_1209 = arith.index_cast %add3A_1208 : i32 to index
      %get3A_1210 = tpu.vector_load %arg6[%get3A_1209] {strides = array<i32>} : memref<65536xf32, #tpu.memory_space<vmem>>, vector<16xf32>,
      %get3A_1211 = vector.shape_cast %get3A_1210 : vector<16xf32> to vector<16xf32>
      %mul3A_1212 = vector.broadcast %squeeze3A_1193 : f32 to vector<16xf32>
      %mul3A_1213 = arith.mulf %get3A_1211, %mul3A_1212 : vector<16xf32>
      %max3A_1214 = arith.maximumf %max3A_1166, %mul3A_1213 : vector<16xf32>
      %add3A_1215 = arith.addf %add3A_1167, %mul3A_1213 : vector<16xf32>
      %mul3A_1216 = arith.constant 64 : i32
      %mul3A_1217 = arith.muli %squeeze3A_1191, %mul3A_1216 : i32
      %add3A_1218 = arith.constant 32 : i32
      %add3A_1219 = arith.addi %mul3A_1217, %add3A_1218 : i32
      %get3A_1220 = arith.index_cast %add3A_1219 : i32 to index
      %get3A_1221 = tpu.vector_load %arg6[%get3A_1220] {strides = array<i32>} : memref<65536xf32, #tpu.memory_space<vmem>>, vector<16xf32>,
      %get3A_1222 = vector.shape_cast %get3A_1221 : vector<16xf32> to vector<16xf32>
      %mul3A_1223 = vector.broadcast %squeeze3A_1193 : f32 to vector<16xf32>
      %mul3A_1224 = arith.mulf %get3A_1222, %mul3A_1223 : vector<16xf32>
      %max3A_1225 = arith.maximumf %max3A_1177, %mul3A_1224 : vector<16xf32>
      %add3A_1226 = arith.addf %add3A_1178, %mul3A_1224 : vector<16xf32>
      %mul3A_1227 = arith.constant 64 : i32
      %mul3A_1228 = arith.muli %squeeze3A_1191, %mul3A_1227 : i32
      %add3A_1229 = arith.constant 48 : i32
      %add3A_1230 = arith.addi %mul3A_1228, %add3A_1229 : i32
      %get3A_1231 = arith.index_cast %add3A_1230 : i32 to index
      %get3A_1232 = tpu.vector_load %arg6[%get3A_1231] {strides = array<i32>} : memref<65536xf32, #tpu.memory_space<vmem>>, vector<16xf32>,
      %get3A_1233 = vector.shape_cast %get3A_1232 : vector<16xf32> to vector<16xf32>
      %mul3A_1234 = vector.broadcast %squeeze3A_1193 : f32 to vector<16xf32>
      %mul3A_1235 = arith.mulf %get3A_1233, %mul3A_1234 : vector<16xf32>
      %max3A_1236 = arith.maximumf %max3A_1188, %mul3A_1235 : vector<16xf32>
      %add3A_1237 = arith.addf %add3A_1189, %mul3A_1235 : vector<16xf32>
      %slice3A_1238 = vector.extract_strided_slice %get3A_45 {offsets = [8], sizes = [1], strides = [1]} : vector<16xi32> to vector<1xi32>
      %squeeze3A_1239 = vector.extract %slice3A_1238[0] : i32 from vector<1xi32>
      %slice3A_1240 = vector.extract_strided_slice %get3A_66 {offsets = [8], sizes = [1], strides = [1]} : vector<16xf32> to vector<1xf32>
      %squeeze3A_1241 = vector.extract %slice3A_1240[0] : f32 from vector<1xf32>
      %mul3A_1242 = arith.constant 64 : i32
      %mul3A_1243 = arith.muli %squeeze3A_1239, %mul3A_1242 : i32
      %add3A_1244 = arith.constant 0 : i32
      %add3A_1245 = arith.addi %mul3A_1243, %add3A_1244 : i32
      %get3A_1246 = arith.index_cast %add3A_1245 : i32 to index
      %get3A_1247 = tpu.vector_load %arg6[%get3A_1246] {strides = array<i32>} : memref<65536xf32, #tpu.memory_space<vmem>>, vector<16xf32>,
      %get3A_1248 = vector.shape_cast %get3A_1247 : vector<16xf32> to vector<16xf32>
      %mul3A_1249 = vector.broadcast %squeeze3A_1241 : f32 to vector<16xf32>
      %mul3A_1250 = arith.mulf %get3A_1248, %mul3A_1249 : vector<16xf32>
      %max3A_1251 = arith.maximumf %max3A_1203, %mul3A_1250 : vector<16xf32>
      %add3A_1252 = arith.addf %add3A_1204, %mul3A_1250 : vector<16xf32>
      %mul3A_1253 = arith.constant 64 : i32
      %mul3A_1254 = arith.muli %squeeze3A_1239, %mul3A_1253 : i32
      %add3A_1255 = arith.constant 16 : i32
      %add3A_1256 = arith.addi %mul3A_1254, %add3A_1255 : i32
      %get3A_1257 = arith.index_cast %add3A_1256 : i32 to index
      %get3A_1258 = tpu.vector_load %arg6[%get3A_1257] {strides = array<i32>} : memref<65536xf32, #tpu.memory_space<vmem>>, vector<16xf32>,
      %get3A_1259 = vector.shape_cast %get3A_1258 : vector<16xf32> to vector<16xf32>
      %mul3A_1260 = vector.broadcast %squeeze3A_1241 : f32 to vector<16xf32>
      %mul3A_1261 = arith.mulf %get3A_1259, %mul3A_1260 : vector<16xf32>
      %max3A_1262 = arith.maximumf %max3A_1214, %mul3A_1261 : vector<16xf32>
      %add3A_1263 = arith.addf %add3A_1215, %mul3A_1261 : vector<16xf32>
      %mul3A_1264 = arith.constant 64 : i32
      %mul3A_1265 = arith.muli %squeeze3A_1239, %mul3A_1264 : i32
      %add3A_1266 = arith.constant 32 : i32
      %add3A_1267 = arith.addi %mul3A_1265, %add3A_1266 : i32
      %get3A_1268 = arith.index_cast %add3A_1267 : i32 to index
      %get3A_1269 = tpu.vector_load %arg6[%get3A_1268] {strides = array<i32>} : memref<65536xf32, #tpu.memory_space<vmem>>, vector<16xf32>,
      %get3A_1270 = vector.shape_cast %get3A_1269 : vector<16xf32> to vector<16xf32>
      %mul3A_1271 = vector.broadcast %squeeze3A_1241 : f32 to vector<16xf32>
      %mul3A_1272 = arith.mulf %get3A_1270, %mul3A_1271 : vector<16xf32>
      %max3A_1273 = arith.maximumf %max3A_1225, %mul3A_1272 : vector<16xf32>
      %add3A_1274 = arith.addf %add3A_1226, %mul3A_1272 : vector<16xf32>
      %mul3A_1275 = arith.constant 64 : i32
      %mul3A_1276 = arith.muli %squeeze3A_1239, %mul3A_1275 : i32
      %add3A_1277 = arith.constant 48 : i32
      %add3A_1278 = arith.addi %mul3A_1276, %add3A_1277 : i32
      %get3A_1279 = arith.index_cast %add3A_1278 : i32 to index
      %get3A_1280 = tpu.vector_load %arg6[%get3A_1279] {strides = array<i32>} : memref<65536xf32, #tpu.memory_space<vmem>>, vector<16xf32>,
      %get3A_1281 = vector.shape_cast %get3A_1280 : vector<16xf32> to vector<16xf32>
      %mul3A_1282 = vector.broadcast %squeeze3A_1241 : f32 to vector<16xf32>
      %mul3A_1283 = arith.mulf %get3A_1281, %mul3A_1282 : vector<16xf32>
      %max3A_1284 = arith.maximumf %max3A_1236, %mul3A_1283 : vector<16xf32>
      %add3A_1285 = arith.addf %add3A_1237, %mul3A_1283 : vector<16xf32>
      %slice3A_1286 = vector.extract_strided_slice %get3A_45 {offsets = [9], sizes = [1], strides = [1]} : vector<16xi32> to vector<1xi32>
      %squeeze3A_1287 = vector.extract %slice3A_1286[0] : i32 from vector<1xi32>
      %slice3A_1288 = vector.extract_strided_slice %get3A_66 {offsets = [9], sizes = [1], strides = [1]} : vector<16xf32> to vector<1xf32>
      %squeeze3A_1289 = vector.extract %slice3A_1288[0] : f32 from vector<1xf32>
      %mul3A_1290 = arith.constant 64 : i32
      %mul3A_1291 = arith.muli %squeeze3A_1287, %mul3A_1290 : i32
      %add3A_1292 = arith.constant 0 : i32
      %add3A_1293 = arith.addi %mul3A_1291, %add3A_1292 : i32
      %get3A_1294 = arith.index_cast %add3A_1293 : i32 to index
      %get3A_1295 = tpu.vector_load %arg6[%get3A_1294] {strides = array<i32>} : memref<65536xf32, #tpu.memory_space<vmem>>, vector<16xf32>,
      %get3A_1296 = vector.shape_cast %get3A_1295 : vector<16xf32> to vector<16xf32>
      %mul3A_1297 = vector.broadcast %squeeze3A_1289 : f32 to vector<16xf32>
      %mul3A_1298 = arith.mulf %get3A_1296, %mul3A_1297 : vector<16xf32>
      %max3A_1299 = arith.maximumf %max3A_1251, %mul3A_1298 : vector<16xf32>
      %add3A_1300 = arith.addf %add3A_1252, %mul3A_1298 : vector<16xf32>
      %mul3A_1301 = arith.constant 64 : i32
      %mul3A_1302 = arith.muli %squeeze3A_1287, %mul3A_1301 : i32
      %add3A_1303 = arith.constant 16 : i32
      %add3A_1304 = arith.addi %mul3A_1302, %add3A_1303 : i32
      %get3A_1305 = arith.index_cast %add3A_1304 : i32 to index
      %get3A_1306 = tpu.vector_load %arg6[%get3A_1305] {strides = array<i32>} : memref<65536xf32, #tpu.memory_space<vmem>>, vector<16xf32>,
      %get3A_1307 = vector.shape_cast %get3A_1306 : vector<16xf32> to vector<16xf32>
      %mul3A_1308 = vector.broadcast %squeeze3A_1289 : f32 to vector<16xf32>
      %mul3A_1309 = arith.mulf %get3A_1307, %mul3A_1308 : vector<16xf32>
      %max3A_1310 = arith.maximumf %max3A_1262, %mul3A_1309 : vector<16xf32>
      %add3A_1311 = arith.addf %add3A_1263, %mul3A_1309 : vector<16xf32>
      %mul3A_1312 = arith.constant 64 : i32
      %mul3A_1313 = arith.muli %squeeze3A_1287, %mul3A_1312 : i32
      %add3A_1314 = arith.constant 32 : i32
      %add3A_1315 = arith.addi %mul3A_1313, %add3A_1314 : i32
      %get3A_1316 = arith.index_cast %add3A_1315 : i32 to index
      %get3A_1317 = tpu.vector_load %arg6[%get3A_1316] {strides = array<i32>} : memref<65536xf32, #tpu.memory_space<vmem>>, vector<16xf32>,
      %get3A_1318 = vector.shape_cast %get3A_1317 : vector<16xf32> to vector<16xf32>
      %mul3A_1319 = vector.broadcast %squeeze3A_1289 : f32 to vector<16xf32>
      %mul3A_1320 = arith.mulf %get3A_1318, %mul3A_1319 : vector<16xf32>
      %max3A_1321 = arith.maximumf %max3A_1273, %mul3A_1320 : vector<16xf32>
      %add3A_1322 = arith.addf %add3A_1274, %mul3A_1320 : vector<16xf32>
      %mul3A_1323 = arith.constant 64 : i32
      %mul3A_1324 = arith.muli %squeeze3A_1287, %mul3A_1323 : i32
      %add3A_1325 = arith.constant 48 : i32
      %add3A_1326 = arith.addi %mul3A_1324, %add3A_1325 : i32
      %get3A_1327 = arith.index_cast %add3A_1326 : i32 to index
      %get3A_1328 = tpu.vector_load %arg6[%get3A_1327] {strides = array<i32>} : memref<65536xf32, #tpu.memory_space<vmem>>, vector<16xf32>,
      %get3A_1329 = vector.shape_cast %get3A_1328 : vector<16xf32> to vector<16xf32>
      %mul3A_1330 = vector.broadcast %squeeze3A_1289 : f32 to vector<16xf32>
      %mul3A_1331 = arith.mulf %get3A_1329, %mul3A_1330 : vector<16xf32>
      %max3A_1332 = arith.maximumf %max3A_1284, %mul3A_1331 : vector<16xf32>
      %add3A_1333 = arith.addf %add3A_1285, %mul3A_1331 : vector<16xf32>
      %slice3A_1334 = vector.extract_strided_slice %get3A_45 {offsets = [10], sizes = [1], strides = [1]} : vector<16xi32> to vector<1xi32>
      %squeeze3A_1335 = vector.extract %slice3A_1334[0] : i32 from vector<1xi32>
      %slice3A_1336 = vector.extract_strided_slice %get3A_66 {offsets = [10], sizes = [1], strides = [1]} : vector<16xf32> to vector<1xf32>
      %squeeze3A_1337 = vector.extract %slice3A_1336[0] : f32 from vector<1xf32>
      %mul3A_1338 = arith.constant 64 : i32
      %mul3A_1339 = arith.muli %squeeze3A_1335, %mul3A_1338 : i32
      %add3A_1340 = arith.constant 0 : i32
      %add3A_1341 = arith.addi %mul3A_1339, %add3A_1340 : i32
      %get3A_1342 = arith.index_cast %add3A_1341 : i32 to index
      %get3A_1343 = tpu.vector_load %arg6[%get3A_1342] {strides = array<i32>} : memref<65536xf32, #tpu.memory_space<vmem>>, vector<16xf32>,
      %get3A_1344 = vector.shape_cast %get3A_1343 : vector<16xf32> to vector<16xf32>
      %mul3A_1345 = vector.broadcast %squeeze3A_1337 : f32 to vector<16xf32>
      %mul3A_1346 = arith.mulf %get3A_1344, %mul3A_1345 : vector<16xf32>
      %max3A_1347 = arith.maximumf %max3A_1299, %mul3A_1346 : vector<16xf32>
      %add3A_1348 = arith.addf %add3A_1300, %mul3A_1346 : vector<16xf32>
      %mul3A_1349 = arith.constant 64 : i32
      %mul3A_1350 = arith.muli %squeeze3A_1335, %mul3A_1349 : i32
      %add3A_1351 = arith.constant 16 : i32
      %add3A_1352 = arith.addi %mul3A_1350, %add3A_1351 : i32
      %get3A_1353 = arith.index_cast %add3A_1352 : i32 to index
      %get3A_1354 = tpu.vector_load %arg6[%get3A_1353] {strides = array<i32>} : memref<65536xf32, #tpu.memory_space<vmem>>, vector<16xf32>,
      %get3A_1355 = vector.shape_cast %get3A_1354 : vector<16xf32> to vector<16xf32>
      %mul3A_1356 = vector.broadcast %squeeze3A_1337 : f32 to vector<16xf32>
      %mul3A_1357 = arith.mulf %get3A_1355, %mul3A_1356 : vector<16xf32>
      %max3A_1358 = arith.maximumf %max3A_1310, %mul3A_1357 : vector<16xf32>
      %add3A_1359 = arith.addf %add3A_1311, %mul3A_1357 : vector<16xf32>
      %mul3A_1360 = arith.constant 64 : i32
      %mul3A_1361 = arith.muli %squeeze3A_1335, %mul3A_1360 : i32
      %add3A_1362 = arith.constant 32 : i32
      %add3A_1363 = arith.addi %mul3A_1361, %add3A_1362 : i32
      %get3A_1364 = arith.index_cast %add3A_1363 : i32 to index
      %get3A_1365 = tpu.vector_load %arg6[%get3A_1364] {strides = array<i32>} : memref<65536xf32, #tpu.memory_space<vmem>>, vector<16xf32>,
      %get3A_1366 = vector.shape_cast %get3A_1365 : vector<16xf32> to vector<16xf32>
      %mul3A_1367 = vector.broadcast %squeeze3A_1337 : f32 to vector<16xf32>
      %mul3A_1368 = arith.mulf %get3A_1366, %mul3A_1367 : vector<16xf32>
      %max3A_1369 = arith.maximumf %max3A_1321, %mul3A_1368 : vector<16xf32>
      %add3A_1370 = arith.addf %add3A_1322, %mul3A_1368 : vector<16xf32>
      %mul3A_1371 = arith.constant 64 : i32
      %mul3A_1372 = arith.muli %squeeze3A_1335, %mul3A_1371 : i32
      %add3A_1373 = arith.constant 48 : i32
      %add3A_1374 = arith.addi %mul3A_1372, %add3A_1373 : i32
      %get3A_1375 = arith.index_cast %add3A_1374 : i32 to index
      %get3A_1376 = tpu.vector_load %arg6[%get3A_1375] {strides = array<i32>} : memref<65536xf32, #tpu.memory_space<vmem>>, vector<16xf32>,
      %get3A_1377 = vector.shape_cast %get3A_1376 : vector<16xf32> to vector<16xf32>
      %mul3A_1378 = vector.broadcast %squeeze3A_1337 : f32 to vector<16xf32>
      %mul3A_1379 = arith.mulf %get3A_1377, %mul3A_1378 : vector<16xf32>
      %max3A_1380 = arith.maximumf %max3A_1332, %mul3A_1379 : vector<16xf32>
      %add3A_1381 = arith.addf %add3A_1333, %mul3A_1379 : vector<16xf32>
      %slice3A_1382 = vector.extract_strided_slice %get3A_45 {offsets = [11], sizes = [1], strides = [1]} : vector<16xi32> to vector<1xi32>
      %squeeze3A_1383 = vector.extract %slice3A_1382[0] : i32 from vector<1xi32>
      %slice3A_1384 = vector.extract_strided_slice %get3A_66 {offsets = [11], sizes = [1], strides = [1]} : vector<16xf32> to vector<1xf32>
      %squeeze3A_1385 = vector.extract %slice3A_1384[0] : f32 from vector<1xf32>
      %mul3A_1386 = arith.constant 64 : i32
      %mul3A_1387 = arith.muli %squeeze3A_1383, %mul3A_1386 : i32
      %add3A_1388 = arith.constant 0 : i32
      %add3A_1389 = arith.addi %mul3A_1387, %add3A_1388 : i32
      %get3A_1390 = arith.index_cast %add3A_1389 : i32 to index
      %get3A_1391 = tpu.vector_load %arg6[%get3A_1390] {strides = array<i32>} : memref<65536xf32, #tpu.memory_space<vmem>>, vector<16xf32>,
      %get3A_1392 = vector.shape_cast %get3A_1391 : vector<16xf32> to vector<16xf32>
      %mul3A_1393 = vector.broadcast %squeeze3A_1385 : f32 to vector<16xf32>
      %mul3A_1394 = arith.mulf %get3A_1392, %mul3A_1393 : vector<16xf32>
      %max3A_1395 = arith.maximumf %max3A_1347, %mul3A_1394 : vector<16xf32>
      %add3A_1396 = arith.addf %add3A_1348, %mul3A_1394 : vector<16xf32>
      %mul3A_1397 = arith.constant 64 : i32
      %mul3A_1398 = arith.muli %squeeze3A_1383, %mul3A_1397 : i32
      %add3A_1399 = arith.constant 16 : i32
      %add3A_1400 = arith.addi %mul3A_1398, %add3A_1399 : i32
      %get3A_1401 = arith.index_cast %add3A_1400 : i32 to index
      %get3A_1402 = tpu.vector_load %arg6[%get3A_1401] {strides = array<i32>} : memref<65536xf32, #tpu.memory_space<vmem>>, vector<16xf32>,
      %get3A_1403 = vector.shape_cast %get3A_1402 : vector<16xf32> to vector<16xf32>
      %mul3A_1404 = vector.broadcast %squeeze3A_1385 : f32 to vector<16xf32>
      %mul3A_1405 = arith.mulf %get3A_1403, %mul3A_1404 : vector<16xf32>
      %max3A_1406 = arith.maximumf %max3A_1358, %mul3A_1405 : vector<16xf32>
      %add3A_1407 = arith.addf %add3A_1359, %mul3A_1405 : vector<16xf32>
      %mul3A_1408 = arith.constant 64 : i32
      %mul3A_1409 = arith.muli %squeeze3A_1383, %mul3A_1408 : i32
      %add3A_1410 = arith.constant 32 : i32
      %add3A_1411 = arith.addi %mul3A_1409, %add3A_1410 : i32
      %get3A_1412 = arith.index_cast %add3A_1411 : i32 to index
      %get3A_1413 = tpu.vector_load %arg6[%get3A_1412] {strides = array<i32>} : memref<65536xf32, #tpu.memory_space<vmem>>, vector<16xf32>,
      %get3A_1414 = vector.shape_cast %get3A_1413 : vector<16xf32> to vector<16xf32>
      %mul3A_1415 = vector.broadcast %squeeze3A_1385 : f32 to vector<16xf32>
      %mul3A_1416 = arith.mulf %get3A_1414, %mul3A_1415 : vector<16xf32>
      %max3A_1417 = arith.maximumf %max3A_1369, %mul3A_1416 : vector<16xf32>
      %add3A_1418 = arith.addf %add3A_1370, %mul3A_1416 : vector<16xf32>
      %mul3A_1419 = arith.constant 64 : i32
      %mul3A_1420 = arith.muli %squeeze3A_1383, %mul3A_1419 : i32
      %add3A_1421 = arith.constant 48 : i32
      %add3A_1422 = arith.addi %mul3A_1420, %add3A_1421 : i32
      %get3A_1423 = arith.index_cast %add3A_1422 : i32 to index
      %get3A_1424 = tpu.vector_load %arg6[%get3A_1423] {strides = array<i32>} : memref<65536xf32, #tpu.memory_space<vmem>>, vector<16xf32>,
      %get3A_1425 = vector.shape_cast %get3A_1424 : vector<16xf32> to vector<16xf32>
      %mul3A_1426 = vector.broadcast %squeeze3A_1385 : f32 to vector<16xf32>
      %mul3A_1427 = arith.mulf %get3A_1425, %mul3A_1426 : vector<16xf32>
      %max3A_1428 = arith.maximumf %max3A_1380, %mul3A_1427 : vector<16xf32>
      %add3A_1429 = arith.addf %add3A_1381, %mul3A_1427 : vector<16xf32>
      %slice3A_1430 = vector.extract_strided_slice %get3A_45 {offsets = [12], sizes = [1], strides = [1]} : vector<16xi32> to vector<1xi32>
      %squeeze3A_1431 = vector.extract %slice3A_1430[0] : i32 from vector<1xi32>
      %slice3A_1432 = vector.extract_strided_slice %get3A_66 {offsets = [12], sizes = [1], strides = [1]} : vector<16xf32> to vector<1xf32>
      %squeeze3A_1433 = vector.extract %slice3A_1432[0] : f32 from vector<1xf32>
      %mul3A_1434 = arith.constant 64 : i32
      %mul3A_1435 = arith.muli %squeeze3A_1431, %mul3A_1434 : i32
      %add3A_1436 = arith.constant 0 : i32
      %add3A_1437 = arith.addi %mul3A_1435, %add3A_1436 : i32
      %get3A_1438 = arith.index_cast %add3A_1437 : i32 to index
      %get3A_1439 = tpu.vector_load %arg6[%get3A_1438] {strides = array<i32>} : memref<65536xf32, #tpu.memory_space<vmem>>, vector<16xf32>,
      %get3A_1440 = vector.shape_cast %get3A_1439 : vector<16xf32> to vector<16xf32>
      %mul3A_1441 = vector.broadcast %squeeze3A_1433 : f32 to vector<16xf32>
      %mul3A_1442 = arith.mulf %get3A_1440, %mul3A_1441 : vector<16xf32>
      %max3A_1443 = arith.maximumf %max3A_1395, %mul3A_1442 : vector<16xf32>
      %add3A_1444 = arith.addf %add3A_1396, %mul3A_1442 : vector<16xf32>
      %mul3A_1445 = arith.constant 64 : i32
      %mul3A_1446 = arith.muli %squeeze3A_1431, %mul3A_1445 : i32
      %add3A_1447 = arith.constant 16 : i32
      %add3A_1448 = arith.addi %mul3A_1446, %add3A_1447 : i32
      %get3A_1449 = arith.index_cast %add3A_1448 : i32 to index
      %get3A_1450 = tpu.vector_load %arg6[%get3A_1449] {strides = array<i32>} : memref<65536xf32, #tpu.memory_space<vmem>>, vector<16xf32>,
      %get3A_1451 = vector.shape_cast %get3A_1450 : vector<16xf32> to vector<16xf32>
      %mul3A_1452 = vector.broadcast %squeeze3A_1433 : f32 to vector<16xf32>
      %mul3A_1453 = arith.mulf %get3A_1451, %mul3A_1452 : vector<16xf32>
      %max3A_1454 = arith.maximumf %max3A_1406, %mul3A_1453 : vector<16xf32>
      %add3A_1455 = arith.addf %add3A_1407, %mul3A_1453 : vector<16xf32>
      %mul3A_1456 = arith.constant 64 : i32
      %mul3A_1457 = arith.muli %squeeze3A_1431, %mul3A_1456 : i32
      %add3A_1458 = arith.constant 32 : i32
      %add3A_1459 = arith.addi %mul3A_1457, %add3A_1458 : i32
      %get3A_1460 = arith.index_cast %add3A_1459 : i32 to index
      %get3A_1461 = tpu.vector_load %arg6[%get3A_1460] {strides = array<i32>} : memref<65536xf32, #tpu.memory_space<vmem>>, vector<16xf32>,
      %get3A_1462 = vector.shape_cast %get3A_1461 : vector<16xf32> to vector<16xf32>
      %mul3A_1463 = vector.broadcast %squeeze3A_1433 : f32 to vector<16xf32>
      %mul3A_1464 = arith.mulf %get3A_1462, %mul3A_1463 : vector<16xf32>
      %max3A_1465 = arith.maximumf %max3A_1417, %mul3A_1464 : vector<16xf32>
      %add3A_1466 = arith.addf %add3A_1418, %mul3A_1464 : vector<16xf32>
      %mul3A_1467 = arith.constant 64 : i32
      %mul3A_1468 = arith.muli %squeeze3A_1431, %mul3A_1467 : i32
      %add3A_1469 = arith.constant 48 : i32
      %add3A_1470 = arith.addi %mul3A_1468, %add3A_1469 : i32
      %get3A_1471 = arith.index_cast %add3A_1470 : i32 to index
      %get3A_1472 = tpu.vector_load %arg6[%get3A_1471] {strides = array<i32>} : memref<65536xf32, #tpu.memory_space<vmem>>, vector<16xf32>,
      %get3A_1473 = vector.shape_cast %get3A_1472 : vector<16xf32> to vector<16xf32>
      %mul3A_1474 = vector.broadcast %squeeze3A_1433 : f32 to vector<16xf32>
      %mul3A_1475 = arith.mulf %get3A_1473, %mul3A_1474 : vector<16xf32>
      %max3A_1476 = arith.maximumf %max3A_1428, %mul3A_1475 : vector<16xf32>
      %add3A_1477 = arith.addf %add3A_1429, %mul3A_1475 : vector<16xf32>
      %slice3A_1478 = vector.extract_strided_slice %get3A_45 {offsets = [13], sizes = [1], strides = [1]} : vector<16xi32> to vector<1xi32>
      %squeeze3A_1479 = vector.extract %slice3A_1478[0] : i32 from vector<1xi32>
      %slice3A_1480 = vector.extract_strided_slice %get3A_66 {offsets = [13], sizes = [1], strides = [1]} : vector<16xf32> to vector<1xf32>
      %squeeze3A_1481 = vector.extract %slice3A_1480[0] : f32 from vector<1xf32>
      %mul3A_1482 = arith.constant 64 : i32
      %mul3A_1483 = arith.muli %squeeze3A_1479, %mul3A_1482 : i32
      %add3A_1484 = arith.constant 0 : i32
      %add3A_1485 = arith.addi %mul3A_1483, %add3A_1484 : i32
      %get3A_1486 = arith.index_cast %add3A_1485 : i32 to index
      %get3A_1487 = tpu.vector_load %arg6[%get3A_1486] {strides = array<i32>} : memref<65536xf32, #tpu.memory_space<vmem>>, vector<16xf32>,
      %get3A_1488 = vector.shape_cast %get3A_1487 : vector<16xf32> to vector<16xf32>
      %mul3A_1489 = vector.broadcast %squeeze3A_1481 : f32 to vector<16xf32>
      %mul3A_1490 = arith.mulf %get3A_1488, %mul3A_1489 : vector<16xf32>
      %max3A_1491 = arith.maximumf %max3A_1443, %mul3A_1490 : vector<16xf32>
      %add3A_1492 = arith.addf %add3A_1444, %mul3A_1490 : vector<16xf32>
      %mul3A_1493 = arith.constant 64 : i32
      %mul3A_1494 = arith.muli %squeeze3A_1479, %mul3A_1493 : i32
      %add3A_1495 = arith.constant 16 : i32
      %add3A_1496 = arith.addi %mul3A_1494, %add3A_1495 : i32
      %get3A_1497 = arith.index_cast %add3A_1496 : i32 to index
      %get3A_1498 = tpu.vector_load %arg6[%get3A_1497] {strides = array<i32>} : memref<65536xf32, #tpu.memory_space<vmem>>, vector<16xf32>,
      %get3A_1499 = vector.shape_cast %get3A_1498 : vector<16xf32> to vector<16xf32>
      %mul3A_1500 = vector.broadcast %squeeze3A_1481 : f32 to vector<16xf32>
      %mul3A_1501 = arith.mulf %get3A_1499, %mul3A_1500 : vector<16xf32>
      %max3A_1502 = arith.maximumf %max3A_1454, %mul3A_1501 : vector<16xf32>
      %add3A_1503 = arith.addf %add3A_1455, %mul3A_1501 : vector<16xf32>
      %mul3A_1504 = arith.constant 64 : i32
      %mul3A_1505 = arith.muli %squeeze3A_1479, %mul3A_1504 : i32
      %add3A_1506 = arith.constant 32 : i32
      %add3A_1507 = arith.addi %mul3A_1505, %add3A_1506 : i32
      %get3A_1508 = arith.index_cast %add3A_1507 : i32 to index
      %get3A_1509 = tpu.vector_load %arg6[%get3A_1508] {strides = array<i32>} : memref<65536xf32, #tpu.memory_space<vmem>>, vector<16xf32>,
      %get3A_1510 = vector.shape_cast %get3A_1509 : vector<16xf32> to vector<16xf32>
      %mul3A_1511 = vector.broadcast %squeeze3A_1481 : f32 to vector<16xf32>
      %mul3A_1512 = arith.mulf %get3A_1510, %mul3A_1511 : vector<16xf32>
      %max3A_1513 = arith.maximumf %max3A_1465, %mul3A_1512 : vector<16xf32>
      %add3A_1514 = arith.addf %add3A_1466, %mul3A_1512 : vector<16xf32>
      %mul3A_1515 = arith.constant 64 : i32
      %mul3A_1516 = arith.muli %squeeze3A_1479, %mul3A_1515 : i32
      %add3A_1517 = arith.constant 48 : i32
      %add3A_1518 = arith.addi %mul3A_1516, %add3A_1517 : i32
      %get3A_1519 = arith.index_cast %add3A_1518 : i32 to index
      %get3A_1520 = tpu.vector_load %arg6[%get3A_1519] {strides = array<i32>} : memref<65536xf32, #tpu.memory_space<vmem>>, vector<16xf32>,
      %get3A_1521 = vector.shape_cast %get3A_1520 : vector<16xf32> to vector<16xf32>
      %mul3A_1522 = vector.broadcast %squeeze3A_1481 : f32 to vector<16xf32>
      %mul3A_1523 = arith.mulf %get3A_1521, %mul3A_1522 : vector<16xf32>
      %max3A_1524 = arith.maximumf %max3A_1476, %mul3A_1523 : vector<16xf32>
      %add3A_1525 = arith.addf %add3A_1477, %mul3A_1523 : vector<16xf32>
      %slice3A_1526 = vector.extract_strided_slice %get3A_45 {offsets = [14], sizes = [1], strides = [1]} : vector<16xi32> to vector<1xi32>
      %squeeze3A_1527 = vector.extract %slice3A_1526[0] : i32 from vector<1xi32>
      %slice3A_1528 = vector.extract_strided_slice %get3A_66 {offsets = [14], sizes = [1], strides = [1]} : vector<16xf32> to vector<1xf32>
      %squeeze3A_1529 = vector.extract %slice3A_1528[0] : f32 from vector<1xf32>
      %mul3A_1530 = arith.constant 64 : i32
      %mul3A_1531 = arith.muli %squeeze3A_1527, %mul3A_1530 : i32
      %add3A_1532 = arith.constant 0 : i32
      %add3A_1533 = arith.addi %mul3A_1531, %add3A_1532 : i32
      %get3A_1534 = arith.index_cast %add3A_1533 : i32 to index
      %get3A_1535 = tpu.vector_load %arg6[%get3A_1534] {strides = array<i32>} : memref<65536xf32, #tpu.memory_space<vmem>>, vector<16xf32>,
      %get3A_1536 = vector.shape_cast %get3A_1535 : vector<16xf32> to vector<16xf32>
      %mul3A_1537 = vector.broadcast %squeeze3A_1529 : f32 to vector<16xf32>
      %mul3A_1538 = arith.mulf %get3A_1536, %mul3A_1537 : vector<16xf32>
      %max3A_1539 = arith.maximumf %max3A_1491, %mul3A_1538 : vector<16xf32>
      %add3A_1540 = arith.addf %add3A_1492, %mul3A_1538 : vector<16xf32>
      %mul3A_1541 = arith.constant 64 : i32
      %mul3A_1542 = arith.muli %squeeze3A_1527, %mul3A_1541 : i32
      %add3A_1543 = arith.constant 16 : i32
      %add3A_1544 = arith.addi %mul3A_1542, %add3A_1543 : i32
      %get3A_1545 = arith.index_cast %add3A_1544 : i32 to index
      %get3A_1546 = tpu.vector_load %arg6[%get3A_1545] {strides = array<i32>} : memref<65536xf32, #tpu.memory_space<vmem>>, vector<16xf32>,
      %get3A_1547 = vector.shape_cast %get3A_1546 : vector<16xf32> to vector<16xf32>
      %mul3A_1548 = vector.broadcast %squeeze3A_1529 : f32 to vector<16xf32>
      %mul3A_1549 = arith.mulf %get3A_1547, %mul3A_1548 : vector<16xf32>
      %max3A_1550 = arith.maximumf %max3A_1502, %mul3A_1549 : vector<16xf32>
      %add3A_1551 = arith.addf %add3A_1503, %mul3A_1549 : vector<16xf32>
      %mul3A_1552 = arith.constant 64 : i32
      %mul3A_1553 = arith.muli %squeeze3A_1527, %mul3A_1552 : i32
      %add3A_1554 = arith.constant 32 : i32
      %add3A_1555 = arith.addi %mul3A_1553, %add3A_1554 : i32
      %get3A_1556 = arith.index_cast %add3A_1555 : i32 to index
      %get3A_1557 = tpu.vector_load %arg6[%get3A_1556] {strides = array<i32>} : memref<65536xf32, #tpu.memory_space<vmem>>, vector<16xf32>,
      %get3A_1558 = vector.shape_cast %get3A_1557 : vector<16xf32> to vector<16xf32>
      %mul3A_1559 = vector.broadcast %squeeze3A_1529 : f32 to vector<16xf32>
      %mul3A_1560 = arith.mulf %get3A_1558, %mul3A_1559 : vector<16xf32>
      %max3A_1561 = arith.maximumf %max3A_1513, %mul3A_1560 : vector<16xf32>
      %add3A_1562 = arith.addf %add3A_1514, %mul3A_1560 : vector<16xf32>
      %mul3A_1563 = arith.constant 64 : i32
      %mul3A_1564 = arith.muli %squeeze3A_1527, %mul3A_1563 : i32
      %add3A_1565 = arith.constant 48 : i32
      %add3A_1566 = arith.addi %mul3A_1564, %add3A_1565 : i32
      %get3A_1567 = arith.index_cast %add3A_1566 : i32 to index
      %get3A_1568 = tpu.vector_load %arg6[%get3A_1567] {strides = array<i32>} : memref<65536xf32, #tpu.memory_space<vmem>>, vector<16xf32>,
      %get3A_1569 = vector.shape_cast %get3A_1568 : vector<16xf32> to vector<16xf32>
      %mul3A_1570 = vector.broadcast %squeeze3A_1529 : f32 to vector<16xf32>
      %mul3A_1571 = arith.mulf %get3A_1569, %mul3A_1570 : vector<16xf32>
      %max3A_1572 = arith.maximumf %max3A_1524, %mul3A_1571 : vector<16xf32>
      %add3A_1573 = arith.addf %add3A_1525, %mul3A_1571 : vector<16xf32>
      %slice3A_1574 = vector.extract_strided_slice %get3A_45 {offsets = [15], sizes = [1], strides = [1]} : vector<16xi32> to vector<1xi32>
      %squeeze3A_1575 = vector.extract %slice3A_1574[0] : i32 from vector<1xi32>
      %slice3A_1576 = vector.extract_strided_slice %get3A_66 {offsets = [15], sizes = [1], strides = [1]} : vector<16xf32> to vector<1xf32>
      %squeeze3A_1577 = vector.extract %slice3A_1576[0] : f32 from vector<1xf32>
      %mul3A_1578 = arith.constant 64 : i32
      %mul3A_1579 = arith.muli %squeeze3A_1575, %mul3A_1578 : i32
      %add3A_1580 = arith.constant 0 : i32
      %add3A_1581 = arith.addi %mul3A_1579, %add3A_1580 : i32
      %get3A_1582 = arith.index_cast %add3A_1581 : i32 to index
      %get3A_1583 = tpu.vector_load %arg6[%get3A_1582] {strides = array<i32>} : memref<65536xf32, #tpu.memory_space<vmem>>, vector<16xf32>,
      %get3A_1584 = vector.shape_cast %get3A_1583 : vector<16xf32> to vector<16xf32>
      %mul3A_1585 = vector.broadcast %squeeze3A_1577 : f32 to vector<16xf32>
      %mul3A_1586 = arith.mulf %get3A_1584, %mul3A_1585 : vector<16xf32>
      %max3A_1587 = arith.maximumf %max3A_1539, %mul3A_1586 : vector<16xf32>
      %add3A_1588 = arith.addf %add3A_1540, %mul3A_1586 : vector<16xf32>
      %mul3A_1589 = arith.constant 64 : i32
      %mul3A_1590 = arith.muli %squeeze3A_1575, %mul3A_1589 : i32
      %add3A_1591 = arith.constant 16 : i32
      %add3A_1592 = arith.addi %mul3A_1590, %add3A_1591 : i32
      %get3A_1593 = arith.index_cast %add3A_1592 : i32 to index
      %get3A_1594 = tpu.vector_load %arg6[%get3A_1593] {strides = array<i32>} : memref<65536xf32, #tpu.memory_space<vmem>>, vector<16xf32>,
      %get3A_1595 = vector.shape_cast %get3A_1594 : vector<16xf32> to vector<16xf32>
      %mul3A_1596 = vector.broadcast %squeeze3A_1577 : f32 to vector<16xf32>
      %mul3A_1597 = arith.mulf %get3A_1595, %mul3A_1596 : vector<16xf32>
      %max3A_1598 = arith.maximumf %max3A_1550, %mul3A_1597 : vector<16xf32>
      %add3A_1599 = arith.addf %add3A_1551, %mul3A_1597 : vector<16xf32>
      %mul3A_1600 = arith.constant 64 : i32
      %mul3A_1601 = arith.muli %squeeze3A_1575, %mul3A_1600 : i32
      %add3A_1602 = arith.constant 32 : i32
      %add3A_1603 = arith.addi %mul3A_1601, %add3A_1602 : i32
      %get3A_1604 = arith.index_cast %add3A_1603 : i32 to index
      %get3A_1605 = tpu.vector_load %arg6[%get3A_1604] {strides = array<i32>} : memref<65536xf32, #tpu.memory_space<vmem>>, vector<16xf32>,
      %get3A_1606 = vector.shape_cast %get3A_1605 : vector<16xf32> to vector<16xf32>
      %mul3A_1607 = vector.broadcast %squeeze3A_1577 : f32 to vector<16xf32>
      %mul3A_1608 = arith.mulf %get3A_1606, %mul3A_1607 : vector<16xf32>
      %max3A_1609 = arith.maximumf %max3A_1561, %mul3A_1608 : vector<16xf32>
      %add3A_1610 = arith.addf %add3A_1562, %mul3A_1608 : vector<16xf32>
      %mul3A_1611 = arith.constant 64 : i32
      %mul3A_1612 = arith.muli %squeeze3A_1575, %mul3A_1611 : i32
      %add3A_1613 = arith.constant 48 : i32
      %add3A_1614 = arith.addi %mul3A_1612, %add3A_1613 : i32
      %get3A_1615 = arith.index_cast %add3A_1614 : i32 to index
      %get3A_1616 = tpu.vector_load %arg6[%get3A_1615] {strides = array<i32>} : memref<65536xf32, #tpu.memory_space<vmem>>, vector<16xf32>,
      %get3A_1617 = vector.shape_cast %get3A_1616 : vector<16xf32> to vector<16xf32>
      %mul3A_1618 = vector.broadcast %squeeze3A_1577 : f32 to vector<16xf32>
      %mul3A_1619 = arith.mulf %get3A_1617, %mul3A_1618 : vector<16xf32>
      %max3A_1620 = arith.maximumf %max3A_1572, %mul3A_1619 : vector<16xf32>
      %add3A_1621 = arith.addf %add3A_1573, %mul3A_1619 : vector<16xf32>
      %slice3A_1622 = vector.extract_strided_slice %get3A_52 {offsets = [0], sizes = [1], strides = [1]} : vector<16xi32> to vector<1xi32>
      %squeeze3A_1623 = vector.extract %slice3A_1622[0] : i32 from vector<1xi32>
      %slice3A_1624 = vector.extract_strided_slice %get3A_73 {offsets = [0], sizes = [1], strides = [1]} : vector<16xf32> to vector<1xf32>
      %squeeze3A_1625 = vector.extract %slice3A_1624[0] : f32 from vector<1xf32>
      %mul3A_1626 = arith.constant 64 : i32
      %mul3A_1627 = arith.muli %squeeze3A_1623, %mul3A_1626 : i32
      %add3A_1628 = arith.constant 0 : i32
      %add3A_1629 = arith.addi %mul3A_1627, %add3A_1628 : i32
      %get3A_1630 = arith.index_cast %add3A_1629 : i32 to index
      %get3A_1631 = tpu.vector_load %arg6[%get3A_1630] {strides = array<i32>} : memref<65536xf32, #tpu.memory_space<vmem>>, vector<16xf32>,
      %get3A_1632 = vector.shape_cast %get3A_1631 : vector<16xf32> to vector<16xf32>
      %mul3A_1633 = vector.broadcast %squeeze3A_1625 : f32 to vector<16xf32>
      %mul3A_1634 = arith.mulf %get3A_1632, %mul3A_1633 : vector<16xf32>
      %max3A_1635 = arith.maximumf %max3A_1587, %mul3A_1634 : vector<16xf32>
      %add3A_1636 = arith.addf %add3A_1588, %mul3A_1634 : vector<16xf32>
      %mul3A_1637 = arith.constant 64 : i32
      %mul3A_1638 = arith.muli %squeeze3A_1623, %mul3A_1637 : i32
      %add3A_1639 = arith.constant 16 : i32
      %add3A_1640 = arith.addi %mul3A_1638, %add3A_1639 : i32
      %get3A_1641 = arith.index_cast %add3A_1640 : i32 to index
      %get3A_1642 = tpu.vector_load %arg6[%get3A_1641] {strides = array<i32>} : memref<65536xf32, #tpu.memory_space<vmem>>, vector<16xf32>,
      %get3A_1643 = vector.shape_cast %get3A_1642 : vector<16xf32> to vector<16xf32>
      %mul3A_1644 = vector.broadcast %squeeze3A_1625 : f32 to vector<16xf32>
      %mul3A_1645 = arith.mulf %get3A_1643, %mul3A_1644 : vector<16xf32>
      %max3A_1646 = arith.maximumf %max3A_1598, %mul3A_1645 : vector<16xf32>
      %add3A_1647 = arith.addf %add3A_1599, %mul3A_1645 : vector<16xf32>
      %mul3A_1648 = arith.constant 64 : i32
      %mul3A_1649 = arith.muli %squeeze3A_1623, %mul3A_1648 : i32
      %add3A_1650 = arith.constant 32 : i32
      %add3A_1651 = arith.addi %mul3A_1649, %add3A_1650 : i32
      %get3A_1652 = arith.index_cast %add3A_1651 : i32 to index
      %get3A_1653 = tpu.vector_load %arg6[%get3A_1652] {strides = array<i32>} : memref<65536xf32, #tpu.memory_space<vmem>>, vector<16xf32>,
      %get3A_1654 = vector.shape_cast %get3A_1653 : vector<16xf32> to vector<16xf32>
      %mul3A_1655 = vector.broadcast %squeeze3A_1625 : f32 to vector<16xf32>
      %mul3A_1656 = arith.mulf %get3A_1654, %mul3A_1655 : vector<16xf32>
      %max3A_1657 = arith.maximumf %max3A_1609, %mul3A_1656 : vector<16xf32>
      %add3A_1658 = arith.addf %add3A_1610, %mul3A_1656 : vector<16xf32>
      %mul3A_1659 = arith.constant 64 : i32
      %mul3A_1660 = arith.muli %squeeze3A_1623, %mul3A_1659 : i32
      %add3A_1661 = arith.constant 48 : i32
      %add3A_1662 = arith.addi %mul3A_1660, %add3A_1661 : i32
      %get3A_1663 = arith.index_cast %add3A_1662 : i32 to index
      %get3A_1664 = tpu.vector_load %arg6[%get3A_1663] {strides = array<i32>} : memref<65536xf32, #tpu.memory_space<vmem>>, vector<16xf32>,
      %get3A_1665 = vector.shape_cast %get3A_1664 : vector<16xf32> to vector<16xf32>
      %mul3A_1666 = vector.broadcast %squeeze3A_1625 : f32 to vector<16xf32>
      %mul3A_1667 = arith.mulf %get3A_1665, %mul3A_1666 : vector<16xf32>
      %max3A_1668 = arith.maximumf %max3A_1620, %mul3A_1667 : vector<16xf32>
      %add3A_1669 = arith.addf %add3A_1621, %mul3A_1667 : vector<16xf32>
      %slice3A_1670 = vector.extract_strided_slice %get3A_52 {offsets = [1], sizes = [1], strides = [1]} : vector<16xi32> to vector<1xi32>
      %squeeze3A_1671 = vector.extract %slice3A_1670[0] : i32 from vector<1xi32>
      %slice3A_1672 = vector.extract_strided_slice %get3A_73 {offsets = [1], sizes = [1], strides = [1]} : vector<16xf32> to vector<1xf32>
      %squeeze3A_1673 = vector.extract %slice3A_1672[0] : f32 from vector<1xf32>
      %mul3A_1674 = arith.constant 64 : i32
      %mul3A_1675 = arith.muli %squeeze3A_1671, %mul3A_1674 : i32
      %add3A_1676 = arith.constant 0 : i32
      %add3A_1677 = arith.addi %mul3A_1675, %add3A_1676 : i32
      %get3A_1678 = arith.index_cast %add3A_1677 : i32 to index
      %get3A_1679 = tpu.vector_load %arg6[%get3A_1678] {strides = array<i32>} : memref<65536xf32, #tpu.memory_space<vmem>>, vector<16xf32>,
      %get3A_1680 = vector.shape_cast %get3A_1679 : vector<16xf32> to vector<16xf32>
      %mul3A_1681 = vector.broadcast %squeeze3A_1673 : f32 to vector<16xf32>
      %mul3A_1682 = arith.mulf %get3A_1680, %mul3A_1681 : vector<16xf32>
      %max3A_1683 = arith.maximumf %max3A_1635, %mul3A_1682 : vector<16xf32>
      %add3A_1684 = arith.addf %add3A_1636, %mul3A_1682 : vector<16xf32>
      %mul3A_1685 = arith.constant 64 : i32
      %mul3A_1686 = arith.muli %squeeze3A_1671, %mul3A_1685 : i32
      %add3A_1687 = arith.constant 16 : i32
      %add3A_1688 = arith.addi %mul3A_1686, %add3A_1687 : i32
      %get3A_1689 = arith.index_cast %add3A_1688 : i32 to index
      %get3A_1690 = tpu.vector_load %arg6[%get3A_1689] {strides = array<i32>} : memref<65536xf32, #tpu.memory_space<vmem>>, vector<16xf32>,
      %get3A_1691 = vector.shape_cast %get3A_1690 : vector<16xf32> to vector<16xf32>
      %mul3A_1692 = vector.broadcast %squeeze3A_1673 : f32 to vector<16xf32>
      %mul3A_1693 = arith.mulf %get3A_1691, %mul3A_1692 : vector<16xf32>
      %max3A_1694 = arith.maximumf %max3A_1646, %mul3A_1693 : vector<16xf32>
      %add3A_1695 = arith.addf %add3A_1647, %mul3A_1693 : vector<16xf32>
      %mul3A_1696 = arith.constant 64 : i32
      %mul3A_1697 = arith.muli %squeeze3A_1671, %mul3A_1696 : i32
      %add3A_1698 = arith.constant 32 : i32
      %add3A_1699 = arith.addi %mul3A_1697, %add3A_1698 : i32
      %get3A_1700 = arith.index_cast %add3A_1699 : i32 to index
      %get3A_1701 = tpu.vector_load %arg6[%get3A_1700] {strides = array<i32>} : memref<65536xf32, #tpu.memory_space<vmem>>, vector<16xf32>,
      %get3A_1702 = vector.shape_cast %get3A_1701 : vector<16xf32> to vector<16xf32>
      %mul3A_1703 = vector.broadcast %squeeze3A_1673 : f32 to vector<16xf32>
      %mul3A_1704 = arith.mulf %get3A_1702, %mul3A_1703 : vector<16xf32>
      %max3A_1705 = arith.maximumf %max3A_1657, %mul3A_1704 : vector<16xf32>
      %add3A_1706 = arith.addf %add3A_1658, %mul3A_1704 : vector<16xf32>
      %mul3A_1707 = arith.constant 64 : i32
      %mul3A_1708 = arith.muli %squeeze3A_1671, %mul3A_1707 : i32
      %add3A_1709 = arith.constant 48 : i32
      %add3A_1710 = arith.addi %mul3A_1708, %add3A_1709 : i32
      %get3A_1711 = arith.index_cast %add3A_1710 : i32 to index
      %get3A_1712 = tpu.vector_load %arg6[%get3A_1711] {strides = array<i32>} : memref<65536xf32, #tpu.memory_space<vmem>>, vector<16xf32>,
      %get3A_1713 = vector.shape_cast %get3A_1712 : vector<16xf32> to vector<16xf32>
      %mul3A_1714 = vector.broadcast %squeeze3A_1673 : f32 to vector<16xf32>
      %mul3A_1715 = arith.mulf %get3A_1713, %mul3A_1714 : vector<16xf32>
      %max3A_1716 = arith.maximumf %max3A_1668, %mul3A_1715 : vector<16xf32>
      %add3A_1717 = arith.addf %add3A_1669, %mul3A_1715 : vector<16xf32>
      %slice3A_1718 = vector.extract_strided_slice %get3A_52 {offsets = [2], sizes = [1], strides = [1]} : vector<16xi32> to vector<1xi32>
      %squeeze3A_1719 = vector.extract %slice3A_1718[0] : i32 from vector<1xi32>
      %slice3A_1720 = vector.extract_strided_slice %get3A_73 {offsets = [2], sizes = [1], strides = [1]} : vector<16xf32> to vector<1xf32>
      %squeeze3A_1721 = vector.extract %slice3A_1720[0] : f32 from vector<1xf32>
      %mul3A_1722 = arith.constant 64 : i32
      %mul3A_1723 = arith.muli %squeeze3A_1719, %mul3A_1722 : i32
      %add3A_1724 = arith.constant 0 : i32
      %add3A_1725 = arith.addi %mul3A_1723, %add3A_1724 : i32
      %get3A_1726 = arith.index_cast %add3A_1725 : i32 to index
      %get3A_1727 = tpu.vector_load %arg6[%get3A_1726] {strides = array<i32>} : memref<65536xf32, #tpu.memory_space<vmem>>, vector<16xf32>,
      %get3A_1728 = vector.shape_cast %get3A_1727 : vector<16xf32> to vector<16xf32>
      %mul3A_1729 = vector.broadcast %squeeze3A_1721 : f32 to vector<16xf32>
      %mul3A_1730 = arith.mulf %get3A_1728, %mul3A_1729 : vector<16xf32>
      %max3A_1731 = arith.maximumf %max3A_1683, %mul3A_1730 : vector<16xf32>
      %add3A_1732 = arith.addf %add3A_1684, %mul3A_1730 : vector<16xf32>
      %mul3A_1733 = arith.constant 64 : i32
      %mul3A_1734 = arith.muli %squeeze3A_1719, %mul3A_1733 : i32
      %add3A_1735 = arith.constant 16 : i32
      %add3A_1736 = arith.addi %mul3A_1734, %add3A_1735 : i32
      %get3A_1737 = arith.index_cast %add3A_1736 : i32 to index
      %get3A_1738 = tpu.vector_load %arg6[%get3A_1737] {strides = array<i32>} : memref<65536xf32, #tpu.memory_space<vmem>>, vector<16xf32>,
      %get3A_1739 = vector.shape_cast %get3A_1738 : vector<16xf32> to vector<16xf32>
      %mul3A_1740 = vector.broadcast %squeeze3A_1721 : f32 to vector<16xf32>
      %mul3A_1741 = arith.mulf %get3A_1739, %mul3A_1740 : vector<16xf32>
      %max3A_1742 = arith.maximumf %max3A_1694, %mul3A_1741 : vector<16xf32>
      %add3A_1743 = arith.addf %add3A_1695, %mul3A_1741 : vector<16xf32>
      %mul3A_1744 = arith.constant 64 : i32
      %mul3A_1745 = arith.muli %squeeze3A_1719, %mul3A_1744 : i32
      %add3A_1746 = arith.constant 32 : i32
      %add3A_1747 = arith.addi %mul3A_1745, %add3A_1746 : i32
      %get3A_1748 = arith.index_cast %add3A_1747 : i32 to index
      %get3A_1749 = tpu.vector_load %arg6[%get3A_1748] {strides = array<i32>} : memref<65536xf32, #tpu.memory_space<vmem>>, vector<16xf32>,
      %get3A_1750 = vector.shape_cast %get3A_1749 : vector<16xf32> to vector<16xf32>
      %mul3A_1751 = vector.broadcast %squeeze3A_1721 : f32 to vector<16xf32>
      %mul3A_1752 = arith.mulf %get3A_1750, %mul3A_1751 : vector<16xf32>
      %max3A_1753 = arith.maximumf %max3A_1705, %mul3A_1752 : vector<16xf32>
      %add3A_1754 = arith.addf %add3A_1706, %mul3A_1752 : vector<16xf32>
      %mul3A_1755 = arith.constant 64 : i32
      %mul3A_1756 = arith.muli %squeeze3A_1719, %mul3A_1755 : i32
      %add3A_1757 = arith.constant 48 : i32
      %add3A_1758 = arith.addi %mul3A_1756, %add3A_1757 : i32
      %get3A_1759 = arith.index_cast %add3A_1758 : i32 to index
      %get3A_1760 = tpu.vector_load %arg6[%get3A_1759] {strides = array<i32>} : memref<65536xf32, #tpu.memory_space<vmem>>, vector<16xf32>,
      %get3A_1761 = vector.shape_cast %get3A_1760 : vector<16xf32> to vector<16xf32>
      %mul3A_1762 = vector.broadcast %squeeze3A_1721 : f32 to vector<16xf32>
      %mul3A_1763 = arith.mulf %get3A_1761, %mul3A_1762 : vector<16xf32>
      %max3A_1764 = arith.maximumf %max3A_1716, %mul3A_1763 : vector<16xf32>
      %add3A_1765 = arith.addf %add3A_1717, %mul3A_1763 : vector<16xf32>
      %slice3A_1766 = vector.extract_strided_slice %get3A_52 {offsets = [3], sizes = [1], strides = [1]} : vector<16xi32> to vector<1xi32>
      %squeeze3A_1767 = vector.extract %slice3A_1766[0] : i32 from vector<1xi32>
      %slice3A_1768 = vector.extract_strided_slice %get3A_73 {offsets = [3], sizes = [1], strides = [1]} : vector<16xf32> to vector<1xf32>
      %squeeze3A_1769 = vector.extract %slice3A_1768[0] : f32 from vector<1xf32>
      %mul3A_1770 = arith.constant 64 : i32
      %mul3A_1771 = arith.muli %squeeze3A_1767, %mul3A_1770 : i32
      %add3A_1772 = arith.constant 0 : i32
      %add3A_1773 = arith.addi %mul3A_1771, %add3A_1772 : i32
      %get3A_1774 = arith.index_cast %add3A_1773 : i32 to index
      %get3A_1775 = tpu.vector_load %arg6[%get3A_1774] {strides = array<i32>} : memref<65536xf32, #tpu.memory_space<vmem>>, vector<16xf32>,
      %get3A_1776 = vector.shape_cast %get3A_1775 : vector<16xf32> to vector<16xf32>
      %mul3A_1777 = vector.broadcast %squeeze3A_1769 : f32 to vector<16xf32>
      %mul3A_1778 = arith.mulf %get3A_1776, %mul3A_1777 : vector<16xf32>
      %max3A_1779 = arith.maximumf %max3A_1731, %mul3A_1778 : vector<16xf32>
      %add3A_1780 = arith.addf %add3A_1732, %mul3A_1778 : vector<16xf32>
      %mul3A_1781 = arith.constant 64 : i32
      %mul3A_1782 = arith.muli %squeeze3A_1767, %mul3A_1781 : i32
      %add3A_1783 = arith.constant 16 : i32
      %add3A_1784 = arith.addi %mul3A_1782, %add3A_1783 : i32
      %get3A_1785 = arith.index_cast %add3A_1784 : i32 to index
      %get3A_1786 = tpu.vector_load %arg6[%get3A_1785] {strides = array<i32>} : memref<65536xf32, #tpu.memory_space<vmem>>, vector<16xf32>,
      %get3A_1787 = vector.shape_cast %get3A_1786 : vector<16xf32> to vector<16xf32>
      %mul3A_1788 = vector.broadcast %squeeze3A_1769 : f32 to vector<16xf32>
      %mul3A_1789 = arith.mulf %get3A_1787, %mul3A_1788 : vector<16xf32>
      %max3A_1790 = arith.maximumf %max3A_1742, %mul3A_1789 : vector<16xf32>
      %add3A_1791 = arith.addf %add3A_1743, %mul3A_1789 : vector<16xf32>
      %mul3A_1792 = arith.constant 64 : i32
      %mul3A_1793 = arith.muli %squeeze3A_1767, %mul3A_1792 : i32
      %add3A_1794 = arith.constant 32 : i32
      %add3A_1795 = arith.addi %mul3A_1793, %add3A_1794 : i32
      %get3A_1796 = arith.index_cast %add3A_1795 : i32 to index
      %get3A_1797 = tpu.vector_load %arg6[%get3A_1796] {strides = array<i32>} : memref<65536xf32, #tpu.memory_space<vmem>>, vector<16xf32>,
      %get3A_1798 = vector.shape_cast %get3A_1797 : vector<16xf32> to vector<16xf32>
      %mul3A_1799 = vector.broadcast %squeeze3A_1769 : f32 to vector<16xf32>
      %mul3A_1800 = arith.mulf %get3A_1798, %mul3A_1799 : vector<16xf32>
      %max3A_1801 = arith.maximumf %max3A_1753, %mul3A_1800 : vector<16xf32>
      %add3A_1802 = arith.addf %add3A_1754, %mul3A_1800 : vector<16xf32>
      %mul3A_1803 = arith.constant 64 : i32
      %mul3A_1804 = arith.muli %squeeze3A_1767, %mul3A_1803 : i32
      %add3A_1805 = arith.constant 48 : i32
      %add3A_1806 = arith.addi %mul3A_1804, %add3A_1805 : i32
      %get3A_1807 = arith.index_cast %add3A_1806 : i32 to index
      %get3A_1808 = tpu.vector_load %arg6[%get3A_1807] {strides = array<i32>} : memref<65536xf32, #tpu.memory_space<vmem>>, vector<16xf32>,
      %get3A_1809 = vector.shape_cast %get3A_1808 : vector<16xf32> to vector<16xf32>
      %mul3A_1810 = vector.broadcast %squeeze3A_1769 : f32 to vector<16xf32>
      %mul3A_1811 = arith.mulf %get3A_1809, %mul3A_1810 : vector<16xf32>
      %max3A_1812 = arith.maximumf %max3A_1764, %mul3A_1811 : vector<16xf32>
      %add3A_1813 = arith.addf %add3A_1765, %mul3A_1811 : vector<16xf32>
      %slice3A_1814 = vector.extract_strided_slice %get3A_52 {offsets = [4], sizes = [1], strides = [1]} : vector<16xi32> to vector<1xi32>
      %squeeze3A_1815 = vector.extract %slice3A_1814[0] : i32 from vector<1xi32>
      %slice3A_1816 = vector.extract_strided_slice %get3A_73 {offsets = [4], sizes = [1], strides = [1]} : vector<16xf32> to vector<1xf32>
      %squeeze3A_1817 = vector.extract %slice3A_1816[0] : f32 from vector<1xf32>
      %mul3A_1818 = arith.constant 64 : i32
      %mul3A_1819 = arith.muli %squeeze3A_1815, %mul3A_1818 : i32
      %add3A_1820 = arith.constant 0 : i32
      %add3A_1821 = arith.addi %mul3A_1819, %add3A_1820 : i32
      %get3A_1822 = arith.index_cast %add3A_1821 : i32 to index
      %get3A_1823 = tpu.vector_load %arg6[%get3A_1822] {strides = array<i32>} : memref<65536xf32, #tpu.memory_space<vmem>>, vector<16xf32>,
      %get3A_1824 = vector.shape_cast %get3A_1823 : vector<16xf32> to vector<16xf32>
      %mul3A_1825 = vector.broadcast %squeeze3A_1817 : f32 to vector<16xf32>
      %mul3A_1826 = arith.mulf %get3A_1824, %mul3A_1825 : vector<16xf32>
      %max3A_1827 = arith.maximumf %max3A_1779, %mul3A_1826 : vector<16xf32>
      %add3A_1828 = arith.addf %add3A_1780, %mul3A_1826 : vector<16xf32>
      %mul3A_1829 = arith.constant 64 : i32
      %mul3A_1830 = arith.muli %squeeze3A_1815, %mul3A_1829 : i32
      %add3A_1831 = arith.constant 16 : i32
      %add3A_1832 = arith.addi %mul3A_1830, %add3A_1831 : i32
      %get3A_1833 = arith.index_cast %add3A_1832 : i32 to index
      %get3A_1834 = tpu.vector_load %arg6[%get3A_1833] {strides = array<i32>} : memref<65536xf32, #tpu.memory_space<vmem>>, vector<16xf32>,
      %get3A_1835 = vector.shape_cast %get3A_1834 : vector<16xf32> to vector<16xf32>
      %mul3A_1836 = vector.broadcast %squeeze3A_1817 : f32 to vector<16xf32>
      %mul3A_1837 = arith.mulf %get3A_1835, %mul3A_1836 : vector<16xf32>
      %max3A_1838 = arith.maximumf %max3A_1790, %mul3A_1837 : vector<16xf32>
      %add3A_1839 = arith.addf %add3A_1791, %mul3A_1837 : vector<16xf32>
      %mul3A_1840 = arith.constant 64 : i32
      %mul3A_1841 = arith.muli %squeeze3A_1815, %mul3A_1840 : i32
      %add3A_1842 = arith.constant 32 : i32
      %add3A_1843 = arith.addi %mul3A_1841, %add3A_1842 : i32
      %get3A_1844 = arith.index_cast %add3A_1843 : i32 to index
      %get3A_1845 = tpu.vector_load %arg6[%get3A_1844] {strides = array<i32>} : memref<65536xf32, #tpu.memory_space<vmem>>, vector<16xf32>,
      %get3A_1846 = vector.shape_cast %get3A_1845 : vector<16xf32> to vector<16xf32>
      %mul3A_1847 = vector.broadcast %squeeze3A_1817 : f32 to vector<16xf32>
      %mul3A_1848 = arith.mulf %get3A_1846, %mul3A_1847 : vector<16xf32>
      %max3A_1849 = arith.maximumf %max3A_1801, %mul3A_1848 : vector<16xf32>
      %add3A_1850 = arith.addf %add3A_1802, %mul3A_1848 : vector<16xf32>
      %mul3A_1851 = arith.constant 64 : i32
      %mul3A_1852 = arith.muli %squeeze3A_1815, %mul3A_1851 : i32
      %add3A_1853 = arith.constant 48 : i32
      %add3A_1854 = arith.addi %mul3A_1852, %add3A_1853 : i32
      %get3A_1855 = arith.index_cast %add3A_1854 : i32 to index
      %get3A_1856 = tpu.vector_load %arg6[%get3A_1855] {strides = array<i32>} : memref<65536xf32, #tpu.memory_space<vmem>>, vector<16xf32>,
      %get3A_1857 = vector.shape_cast %get3A_1856 : vector<16xf32> to vector<16xf32>
      %mul3A_1858 = vector.broadcast %squeeze3A_1817 : f32 to vector<16xf32>
      %mul3A_1859 = arith.mulf %get3A_1857, %mul3A_1858 : vector<16xf32>
      %max3A_1860 = arith.maximumf %max3A_1812, %mul3A_1859 : vector<16xf32>
      %add3A_1861 = arith.addf %add3A_1813, %mul3A_1859 : vector<16xf32>
      %slice3A_1862 = vector.extract_strided_slice %get3A_52 {offsets = [5], sizes = [1], strides = [1]} : vector<16xi32> to vector<1xi32>
      %squeeze3A_1863 = vector.extract %slice3A_1862[0] : i32 from vector<1xi32>
      %slice3A_1864 = vector.extract_strided_slice %get3A_73 {offsets = [5], sizes = [1], strides = [1]} : vector<16xf32> to vector<1xf32>
      %squeeze3A_1865 = vector.extract %slice3A_1864[0] : f32 from vector<1xf32>
      %mul3A_1866 = arith.constant 64 : i32
      %mul3A_1867 = arith.muli %squeeze3A_1863, %mul3A_1866 : i32
      %add3A_1868 = arith.constant 0 : i32
      %add3A_1869 = arith.addi %mul3A_1867, %add3A_1868 : i32
      %get3A_1870 = arith.index_cast %add3A_1869 : i32 to index
      %get3A_1871 = tpu.vector_load %arg6[%get3A_1870] {strides = array<i32>} : memref<65536xf32, #tpu.memory_space<vmem>>, vector<16xf32>,
      %get3A_1872 = vector.shape_cast %get3A_1871 : vector<16xf32> to vector<16xf32>
      %mul3A_1873 = vector.broadcast %squeeze3A_1865 : f32 to vector<16xf32>
      %mul3A_1874 = arith.mulf %get3A_1872, %mul3A_1873 : vector<16xf32>
      %max3A_1875 = arith.maximumf %max3A_1827, %mul3A_1874 : vector<16xf32>
      %add3A_1876 = arith.addf %add3A_1828, %mul3A_1874 : vector<16xf32>
      %mul3A_1877 = arith.constant 64 : i32
      %mul3A_1878 = arith.muli %squeeze3A_1863, %mul3A_1877 : i32
      %add3A_1879 = arith.constant 16 : i32
      %add3A_1880 = arith.addi %mul3A_1878, %add3A_1879 : i32
      %get3A_1881 = arith.index_cast %add3A_1880 : i32 to index
      %get3A_1882 = tpu.vector_load %arg6[%get3A_1881] {strides = array<i32>} : memref<65536xf32, #tpu.memory_space<vmem>>, vector<16xf32>,
      %get3A_1883 = vector.shape_cast %get3A_1882 : vector<16xf32> to vector<16xf32>
      %mul3A_1884 = vector.broadcast %squeeze3A_1865 : f32 to vector<16xf32>
      %mul3A_1885 = arith.mulf %get3A_1883, %mul3A_1884 : vector<16xf32>
      %max3A_1886 = arith.maximumf %max3A_1838, %mul3A_1885 : vector<16xf32>
      %add3A_1887 = arith.addf %add3A_1839, %mul3A_1885 : vector<16xf32>
      %mul3A_1888 = arith.constant 64 : i32
      %mul3A_1889 = arith.muli %squeeze3A_1863, %mul3A_1888 : i32
      %add3A_1890 = arith.constant 32 : i32
      %add3A_1891 = arith.addi %mul3A_1889, %add3A_1890 : i32
      %get3A_1892 = arith.index_cast %add3A_1891 : i32 to index
      %get3A_1893 = tpu.vector_load %arg6[%get3A_1892] {strides = array<i32>} : memref<65536xf32, #tpu.memory_space<vmem>>, vector<16xf32>,
      %get3A_1894 = vector.shape_cast %get3A_1893 : vector<16xf32> to vector<16xf32>
      %mul3A_1895 = vector.broadcast %squeeze3A_1865 : f32 to vector<16xf32>
      %mul3A_1896 = arith.mulf %get3A_1894, %mul3A_1895 : vector<16xf32>
      %max3A_1897 = arith.maximumf %max3A_1849, %mul3A_1896 : vector<16xf32>
      %add3A_1898 = arith.addf %add3A_1850, %mul3A_1896 : vector<16xf32>
      %mul3A_1899 = arith.constant 64 : i32
      %mul3A_1900 = arith.muli %squeeze3A_1863, %mul3A_1899 : i32
      %add3A_1901 = arith.constant 48 : i32
      %add3A_1902 = arith.addi %mul3A_1900, %add3A_1901 : i32
      %get3A_1903 = arith.index_cast %add3A_1902 : i32 to index
      %get3A_1904 = tpu.vector_load %arg6[%get3A_1903] {strides = array<i32>} : memref<65536xf32, #tpu.memory_space<vmem>>, vector<16xf32>,
      %get3A_1905 = vector.shape_cast %get3A_1904 : vector<16xf32> to vector<16xf32>
      %mul3A_1906 = vector.broadcast %squeeze3A_1865 : f32 to vector<16xf32>
      %mul3A_1907 = arith.mulf %get3A_1905, %mul3A_1906 : vector<16xf32>
      %max3A_1908 = arith.maximumf %max3A_1860, %mul3A_1907 : vector<16xf32>
      %add3A_1909 = arith.addf %add3A_1861, %mul3A_1907 : vector<16xf32>
      %slice3A_1910 = vector.extract_strided_slice %get3A_52 {offsets = [6], sizes = [1], strides = [1]} : vector<16xi32> to vector<1xi32>
      %squeeze3A_1911 = vector.extract %slice3A_1910[0] : i32 from vector<1xi32>
      %slice3A_1912 = vector.extract_strided_slice %get3A_73 {offsets = [6], sizes = [1], strides = [1]} : vector<16xf32> to vector<1xf32>
      %squeeze3A_1913 = vector.extract %slice3A_1912[0] : f32 from vector<1xf32>
      %mul3A_1914 = arith.constant 64 : i32
      %mul3A_1915 = arith.muli %squeeze3A_1911, %mul3A_1914 : i32
      %add3A_1916 = arith.constant 0 : i32
      %add3A_1917 = arith.addi %mul3A_1915, %add3A_1916 : i32
      %get3A_1918 = arith.index_cast %add3A_1917 : i32 to index
      %get3A_1919 = tpu.vector_load %arg6[%get3A_1918] {strides = array<i32>} : memref<65536xf32, #tpu.memory_space<vmem>>, vector<16xf32>,
      %get3A_1920 = vector.shape_cast %get3A_1919 : vector<16xf32> to vector<16xf32>
      %mul3A_1921 = vector.broadcast %squeeze3A_1913 : f32 to vector<16xf32>
      %mul3A_1922 = arith.mulf %get3A_1920, %mul3A_1921 : vector<16xf32>
      %max3A_1923 = arith.maximumf %max3A_1875, %mul3A_1922 : vector<16xf32>
      %add3A_1924 = arith.addf %add3A_1876, %mul3A_1922 : vector<16xf32>
      %mul3A_1925 = arith.constant 64 : i32
      %mul3A_1926 = arith.muli %squeeze3A_1911, %mul3A_1925 : i32
      %add3A_1927 = arith.constant 16 : i32
      %add3A_1928 = arith.addi %mul3A_1926, %add3A_1927 : i32
      %get3A_1929 = arith.index_cast %add3A_1928 : i32 to index
      %get3A_1930 = tpu.vector_load %arg6[%get3A_1929] {strides = array<i32>} : memref<65536xf32, #tpu.memory_space<vmem>>, vector<16xf32>,
      %get3A_1931 = vector.shape_cast %get3A_1930 : vector<16xf32> to vector<16xf32>
      %mul3A_1932 = vector.broadcast %squeeze3A_1913 : f32 to vector<16xf32>
      %mul3A_1933 = arith.mulf %get3A_1931, %mul3A_1932 : vector<16xf32>
      %max3A_1934 = arith.maximumf %max3A_1886, %mul3A_1933 : vector<16xf32>
      %add3A_1935 = arith.addf %add3A_1887, %mul3A_1933 : vector<16xf32>
      %mul3A_1936 = arith.constant 64 : i32
      %mul3A_1937 = arith.muli %squeeze3A_1911, %mul3A_1936 : i32
      %add3A_1938 = arith.constant 32 : i32
      %add3A_1939 = arith.addi %mul3A_1937, %add3A_1938 : i32
      %get3A_1940 = arith.index_cast %add3A_1939 : i32 to index
      %get3A_1941 = tpu.vector_load %arg6[%get3A_1940] {strides = array<i32>} : memref<65536xf32, #tpu.memory_space<vmem>>, vector<16xf32>,
      %get3A_1942 = vector.shape_cast %get3A_1941 : vector<16xf32> to vector<16xf32>
      %mul3A_1943 = vector.broadcast %squeeze3A_1913 : f32 to vector<16xf32>
      %mul3A_1944 = arith.mulf %get3A_1942, %mul3A_1943 : vector<16xf32>
      %max3A_1945 = arith.maximumf %max3A_1897, %mul3A_1944 : vector<16xf32>
      %add3A_1946 = arith.addf %add3A_1898, %mul3A_1944 : vector<16xf32>
      %mul3A_1947 = arith.constant 64 : i32
      %mul3A_1948 = arith.muli %squeeze3A_1911, %mul3A_1947 : i32
      %add3A_1949 = arith.constant 48 : i32
      %add3A_1950 = arith.addi %mul3A_1948, %add3A_1949 : i32
      %get3A_1951 = arith.index_cast %add3A_1950 : i32 to index
      %get3A_1952 = tpu.vector_load %arg6[%get3A_1951] {strides = array<i32>} : memref<65536xf32, #tpu.memory_space<vmem>>, vector<16xf32>,
      %get3A_1953 = vector.shape_cast %get3A_1952 : vector<16xf32> to vector<16xf32>
      %mul3A_1954 = vector.broadcast %squeeze3A_1913 : f32 to vector<16xf32>
      %mul3A_1955 = arith.mulf %get3A_1953, %mul3A_1954 : vector<16xf32>
      %max3A_1956 = arith.maximumf %max3A_1908, %mul3A_1955 : vector<16xf32>
      %add3A_1957 = arith.addf %add3A_1909, %mul3A_1955 : vector<16xf32>
      %slice3A_1958 = vector.extract_strided_slice %get3A_52 {offsets = [7], sizes = [1], strides = [1]} : vector<16xi32> to vector<1xi32>
      %squeeze3A_1959 = vector.extract %slice3A_1958[0] : i32 from vector<1xi32>
      %slice3A_1960 = vector.extract_strided_slice %get3A_73 {offsets = [7], sizes = [1], strides = [1]} : vector<16xf32> to vector<1xf32>
      %squeeze3A_1961 = vector.extract %slice3A_1960[0] : f32 from vector<1xf32>
      %mul3A_1962 = arith.constant 64 : i32
      %mul3A_1963 = arith.muli %squeeze3A_1959, %mul3A_1962 : i32
      %add3A_1964 = arith.constant 0 : i32
      %add3A_1965 = arith.addi %mul3A_1963, %add3A_1964 : i32
      %get3A_1966 = arith.index_cast %add3A_1965 : i32 to index
      %get3A_1967 = tpu.vector_load %arg6[%get3A_1966] {strides = array<i32>} : memref<65536xf32, #tpu.memory_space<vmem>>, vector<16xf32>,
      %get3A_1968 = vector.shape_cast %get3A_1967 : vector<16xf32> to vector<16xf32>
      %mul3A_1969 = vector.broadcast %squeeze3A_1961 : f32 to vector<16xf32>
      %mul3A_1970 = arith.mulf %get3A_1968, %mul3A_1969 : vector<16xf32>
      %max3A_1971 = arith.maximumf %max3A_1923, %mul3A_1970 : vector<16xf32>
      %add3A_1972 = arith.addf %add3A_1924, %mul3A_1970 : vector<16xf32>
      %mul3A_1973 = arith.constant 64 : i32
      %mul3A_1974 = arith.muli %squeeze3A_1959, %mul3A_1973 : i32
      %add3A_1975 = arith.constant 16 : i32
      %add3A_1976 = arith.addi %mul3A_1974, %add3A_1975 : i32
      %get3A_1977 = arith.index_cast %add3A_1976 : i32 to index
      %get3A_1978 = tpu.vector_load %arg6[%get3A_1977] {strides = array<i32>} : memref<65536xf32, #tpu.memory_space<vmem>>, vector<16xf32>,
      %get3A_1979 = vector.shape_cast %get3A_1978 : vector<16xf32> to vector<16xf32>
      %mul3A_1980 = vector.broadcast %squeeze3A_1961 : f32 to vector<16xf32>
      %mul3A_1981 = arith.mulf %get3A_1979, %mul3A_1980 : vector<16xf32>
      %max3A_1982 = arith.maximumf %max3A_1934, %mul3A_1981 : vector<16xf32>
      %add3A_1983 = arith.addf %add3A_1935, %mul3A_1981 : vector<16xf32>
      %mul3A_1984 = arith.constant 64 : i32
      %mul3A_1985 = arith.muli %squeeze3A_1959, %mul3A_1984 : i32
      %add3A_1986 = arith.constant 32 : i32
      %add3A_1987 = arith.addi %mul3A_1985, %add3A_1986 : i32
      %get3A_1988 = arith.index_cast %add3A_1987 : i32 to index
      %get3A_1989 = tpu.vector_load %arg6[%get3A_1988] {strides = array<i32>} : memref<65536xf32, #tpu.memory_space<vmem>>, vector<16xf32>,
      %get3A_1990 = vector.shape_cast %get3A_1989 : vector<16xf32> to vector<16xf32>
      %mul3A_1991 = vector.broadcast %squeeze3A_1961 : f32 to vector<16xf32>
      %mul3A_1992 = arith.mulf %get3A_1990, %mul3A_1991 : vector<16xf32>
      %max3A_1993 = arith.maximumf %max3A_1945, %mul3A_1992 : vector<16xf32>
      %add3A_1994 = arith.addf %add3A_1946, %mul3A_1992 : vector<16xf32>
      %mul3A_1995 = arith.constant 64 : i32
      %mul3A_1996 = arith.muli %squeeze3A_1959, %mul3A_1995 : i32
      %add3A_1997 = arith.constant 48 : i32
      %add3A_1998 = arith.addi %mul3A_1996, %add3A_1997 : i32
      %get3A_1999 = arith.index_cast %add3A_1998 : i32 to index
      %get3A_2000 = tpu.vector_load %arg6[%get3A_1999] {strides = array<i32>} : memref<65536xf32, #tpu.memory_space<vmem>>, vector<16xf32>,
      %get3A_2001 = vector.shape_cast %get3A_2000 : vector<16xf32> to vector<16xf32>
      %mul3A_2002 = vector.broadcast %squeeze3A_1961 : f32 to vector<16xf32>
      %mul3A_2003 = arith.mulf %get3A_2001, %mul3A_2002 : vector<16xf32>
      %max3A_2004 = arith.maximumf %max3A_1956, %mul3A_2003 : vector<16xf32>
      %add3A_2005 = arith.addf %add3A_1957, %mul3A_2003 : vector<16xf32>
      %mul3A_2006 = arith.constant 128 : i32
      %mul3A_2007 = arith.muli %scan3A_32, %mul3A_2006 : i32
      %add3A_2008 = arith.constant 0 : i32
      %add3A_2009 = arith.addi %mul3A_2007, %add3A_2008 : i32
      %swap3A = arith.index_cast %add3A_2009 : i32 to index
      %swap3A_2010 = tpu.vector_load %arg9[%swap3A] {strides = array<i32>} : memref<16384xf32, #tpu.memory_space<vmem>>, vector<16xf32>,
      %swap3A_2011 = vector.shape_cast %swap3A_2010 : vector<16xf32> to vector<16xf32>
      %swap3A_2012 = vector.shape_cast %max3A_1971 : vector<16xf32> to vector<16xf32>
      tpu.vector_store %arg9[%swap3A], %swap3A_2012 {strides = array<i32>} : memref<16384xf32, #tpu.memory_space<vmem>>, vector<16xf32>,
      %mul3A_2013 = arith.constant 2.500000e-02 : f32
      %mul3A_2014 = vector.broadcast %mul3A_2013 : f32 to vector<16xf32>
      %mul3A_2015 = arith.mulf %add3A_1972, %mul3A_2014 : vector<16xf32>
      %mul3A_2016 = arith.constant 128 : i32
      %mul3A_2017 = arith.muli %scan3A_32, %mul3A_2016 : i32
      %add3A_2018 = arith.constant 64 : i32
      %add3A_2019 = arith.addi %mul3A_2017, %add3A_2018 : i32
      %add3A_2020 = arith.constant 0 : i32
      %add3A_2021 = arith.addi %add3A_2019, %add3A_2020 : i32
      %swap3A_2022 = arith.index_cast %add3A_2021 : i32 to index
      %swap3A_2023 = tpu.vector_load %arg9[%swap3A_2022] {strides = array<i32>} : memref<16384xf32, #tpu.memory_space<vmem>>, vector<16xf32>,
      %swap3A_2024 = vector.shape_cast %swap3A_2023 : vector<16xf32> to vector<16xf32>
      %swap3A_2025 = vector.shape_cast %mul3A_2015 : vector<16xf32> to vector<16xf32>
      tpu.vector_store %arg9[%swap3A_2022], %swap3A_2025 {strides = array<i32>} : memref<16384xf32, #tpu.memory_space<vmem>>, vector<16xf32>,
      %mul3A_2026 = arith.constant 128 : i32
      %mul3A_2027 = arith.muli %scan3A_32, %mul3A_2026 : i32
      %add3A_2028 = arith.constant 16 : i32
      %add3A_2029 = arith.addi %mul3A_2027, %add3A_2028 : i32
      %swap3A_2030 = arith.index_cast %add3A_2029 : i32 to index
      %swap3A_2031 = tpu.vector_load %arg9[%swap3A_2030] {strides = array<i32>} : memref<16384xf32, #tpu.memory_space<vmem>>, vector<16xf32>,
      %swap3A_2032 = vector.shape_cast %swap3A_2031 : vector<16xf32> to vector<16xf32>
      %swap3A_2033 = vector.shape_cast %max3A_1982 : vector<16xf32> to vector<16xf32>
      tpu.vector_store %arg9[%swap3A_2030], %swap3A_2033 {strides = array<i32>} : memref<16384xf32, #tpu.memory_space<vmem>>, vector<16xf32>,
      %mul3A_2034 = arith.constant 2.500000e-02 : f32
      %mul3A_2035 = vector.broadcast %mul3A_2034 : f32 to vector<16xf32>
      %mul3A_2036 = arith.mulf %add3A_1983, %mul3A_2035 : vector<16xf32>
      %mul3A_2037 = arith.constant 128 : i32
      %mul3A_2038 = arith.muli %scan3A_32, %mul3A_2037 : i32
      %add3A_2039 = arith.constant 64 : i32
      %add3A_2040 = arith.addi %mul3A_2038, %add3A_2039 : i32
      %add3A_2041 = arith.constant 16 : i32
      %add3A_2042 = arith.addi %add3A_2040, %add3A_2041 : i32
      %swap3A_2043 = arith.index_cast %add3A_2042 : i32 to index
      %swap3A_2044 = tpu.vector_load %arg9[%swap3A_2043] {strides = array<i32>} : memref<16384xf32, #tpu.memory_space<vmem>>, vector<16xf32>,
      %swap3A_2045 = vector.shape_cast %swap3A_2044 : vector<16xf32> to vector<16xf32>
      %swap3A_2046 = vector.shape_cast %mul3A_2036 : vector<16xf32> to vector<16xf32>
      tpu.vector_store %arg9[%swap3A_2043], %swap3A_2046 {strides = array<i32>} : memref<16384xf32, #tpu.memory_space<vmem>>, vector<16xf32>,
      %mul3A_2047 = arith.constant 128 : i32
      %mul3A_2048 = arith.muli %scan3A_32, %mul3A_2047 : i32
      %add3A_2049 = arith.constant 32 : i32
      %add3A_2050 = arith.addi %mul3A_2048, %add3A_2049 : i32
      %swap3A_2051 = arith.index_cast %add3A_2050 : i32 to index
      %swap3A_2052 = tpu.vector_load %arg9[%swap3A_2051] {strides = array<i32>} : memref<16384xf32, #tpu.memory_space<vmem>>, vector<16xf32>,
      %swap3A_2053 = vector.shape_cast %swap3A_2052 : vector<16xf32> to vector<16xf32>
      %swap3A_2054 = vector.shape_cast %max3A_1993 : vector<16xf32> to vector<16xf32>
      tpu.vector_store %arg9[%swap3A_2051], %swap3A_2054 {strides = array<i32>} : memref<16384xf32, #tpu.memory_space<vmem>>, vector<16xf32>,
      %mul3A_2055 = arith.constant 2.500000e-02 : f32
      %mul3A_2056 = vector.broadcast %mul3A_2055 : f32 to vector<16xf32>
      %mul3A_2057 = arith.mulf %add3A_1994, %mul3A_2056 : vector<16xf32>
      %mul3A_2058 = arith.constant 128 : i32
      %mul3A_2059 = arith.muli %scan3A_32, %mul3A_2058 : i32
      %add3A_2060 = arith.constant 64 : i32
      %add3A_2061 = arith.addi %mul3A_2059, %add3A_2060 : i32
      %add3A_2062 = arith.constant 32 : i32
      %add3A_2063 = arith.addi %add3A_2061, %add3A_2062 : i32
      %swap3A_2064 = arith.index_cast %add3A_2063 : i32 to index
      %swap3A_2065 = tpu.vector_load %arg9[%swap3A_2064] {strides = array<i32>} : memref<16384xf32, #tpu.memory_space<vmem>>, vector<16xf32>,
      %swap3A_2066 = vector.shape_cast %swap3A_2065 : vector<16xf32> to vector<16xf32>
      %swap3A_2067 = vector.shape_cast %mul3A_2057 : vector<16xf32> to vector<16xf32>
      tpu.vector_store %arg9[%swap3A_2064], %swap3A_2067 {strides = array<i32>} : memref<16384xf32, #tpu.memory_space<vmem>>, vector<16xf32>,
      %mul3A_2068 = arith.constant 128 : i32
      %mul3A_2069 = arith.muli %scan3A_32, %mul3A_2068 : i32
      %add3A_2070 = arith.constant 48 : i32
      %add3A_2071 = arith.addi %mul3A_2069, %add3A_2070 : i32
      %swap3A_2072 = arith.index_cast %add3A_2071 : i32 to index
      %swap3A_2073 = tpu.vector_load %arg9[%swap3A_2072] {strides = array<i32>} : memref<16384xf32, #tpu.memory_space<vmem>>, vector<16xf32>,
      %swap3A_2074 = vector.shape_cast %swap3A_2073 : vector<16xf32> to vector<16xf32>
      %swap3A_2075 = vector.shape_cast %max3A_2004 : vector<16xf32> to vector<16xf32>
      tpu.vector_store %arg9[%swap3A_2072], %swap3A_2075 {strides = array<i32>} : memref<16384xf32, #tpu.memory_space<vmem>>, vector<16xf32>,
      %mul3A_2076 = arith.constant 2.500000e-02 : f32
      %mul3A_2077 = vector.broadcast %mul3A_2076 : f32 to vector<16xf32>
      %mul3A_2078 = arith.mulf %add3A_2005, %mul3A_2077 : vector<16xf32>
      %mul3A_2079 = arith.constant 128 : i32
      %mul3A_2080 = arith.muli %scan3A_32, %mul3A_2079 : i32
      %add3A_2081 = arith.constant 64 : i32
      %add3A_2082 = arith.addi %mul3A_2080, %add3A_2081 : i32
      %add3A_2083 = arith.constant 48 : i32
      %add3A_2084 = arith.addi %add3A_2082, %add3A_2083 : i32
      %swap3A_2085 = arith.index_cast %add3A_2084 : i32 to index
      %swap3A_2086 = tpu.vector_load %arg9[%swap3A_2085] {strides = array<i32>} : memref<16384xf32, #tpu.memory_space<vmem>>, vector<16xf32>,
      %swap3A_2087 = vector.shape_cast %swap3A_2086 : vector<16xf32> to vector<16xf32>
      %swap3A_2088 = vector.shape_cast %mul3A_2078 : vector<16xf32> to vector<16xf32>
      tpu.vector_store %arg9[%swap3A_2085], %swap3A_2088 {strides = array<i32>} : memref<16384xf32, #tpu.memory_space<vmem>>, vector<16xf32>,
    }
    %scan3A_29 = arith.constant 128 : i32
    %mul3A_30 = arith.constant 128 : i32
    %mul3A_31 = arith.muli %mul3A_2, %mul3A_30 : i32
    "tpu.region"() ({
      %run_scoped3A = tpu.sem_alloc : memref<!tpu.dma_semaphore, #tpu.memory_space<semaphore_mem>>
      %dma_start3A = tpu.memref_slice %arg5[%mul3A_31] : memref<524288xf32, #tpu.memory_space<hbm>> -> memref<16384xf32, #tpu.memory_space<hbm>>
      %dma_start3A_32 = tpu.memref_slice %arg5[%mul3A_31] : memref<524288xf32, #tpu.memory_space<hbm>> -> memref<16384xf32, #tpu.memory_space<hbm>>
      tpu.enqueue_dma source(%arg9 : memref<16384xf32, #tpu.memory_space<vmem>>) target(%dma_start3A_32 : memref<16384xf32, #tpu.memory_space<hbm>>) target_semaphore(%run_scoped3A : memref<!tpu.dma_semaphore, #tpu.memory_space<semaphore_mem>>)
      %dma_wait3A = tpu.memref_slice %arg5[%mul3A_31] : memref<524288xf32, #tpu.memory_space<hbm>> -> memref<16384xf32, #tpu.memory_space<hbm>>
      %dma_wait3A_33 = tpu.memref_slice %arg5[%mul3A_31] : memref<524288xf32, #tpu.memory_space<hbm>> -> memref<16384xf32, #tpu.memory_space<hbm>>
      tpu.wait_dma2 semaphore(%run_scoped3A : memref<!tpu.dma_semaphore, #tpu.memory_space<semaphore_mem>>) src(%arg9 : memref<16384xf32, #tpu.memory_space<vmem>>) dst(%dma_wait3A_33 : memref<16384xf32, #tpu.memory_space<hbm>>)
      tpu.yield
    }) : () -> ()
    return
  }
}

module attributes {stable_mosaic.version = 14 : i64} {
  func.func @_k1_body(%arg0: i32, %arg1: memref<1024x64xf32, #tpu.memory_space<vmem>>, %arg2: memref<64x1024xf32, #tpu.memory_space<vmem>>, %arg3: memref<64x4xf32, #tpu.memory_space<vmem>>, %arg4: memref<4x64xf32, #tpu.memory_space<vmem>>, %arg5: memref<1x4xf32, #tpu.memory_space<vmem>>, %arg6: memref<4x1xf32, #tpu.memory_space<vmem>>, %arg7: memref<64x64xf32, #tpu.memory_space<vmem>>, %arg8: memref<1x64xf32, #tpu.memory_space<vmem>>, %arg9: memref<1024x48xi32, #tpu.memory_space<vmem>>, %arg10: memref<1024x48xf32, #tpu.memory_space<vmem>>, %arg11: memref<1024x64xf32, #tpu.memory_space<vmem>>) attributes {dimension_semantics = [#tpu.dimension_semantics<arbitrary>], iteration_bounds = array<i64: 4>, scalar_prefetch = 0 : i64, scratch_operands = 0 : i64, tpu.core_type = #tpu.core_type<tc>, window_params = [{transform_indices = @transform_0, window_bounds = array<i64: 1024, 64>}, {transform_indices = @transform_1, window_bounds = array<i64: 64, 1024>}, {pipeline_mode = #tpu.pipeline_mode<synchronous>, transform_indices = @transform_2, window_bounds = array<i64: 64, 4>}, {pipeline_mode = #tpu.pipeline_mode<synchronous>, transform_indices = @transform_3, window_bounds = array<i64: 4, 64>}, {pipeline_mode = #tpu.pipeline_mode<synchronous>, transform_indices = @transform_4, window_bounds = array<i64: 1, 4>}, {pipeline_mode = #tpu.pipeline_mode<synchronous>, transform_indices = @transform_5, window_bounds = array<i64: 4, 1>}, {pipeline_mode = #tpu.pipeline_mode<synchronous>, transform_indices = @transform_6, window_bounds = array<i64: 64, 64>}, {pipeline_mode = #tpu.pipeline_mode<synchronous>, transform_indices = @transform_7, window_bounds = array<i64: 1, 64>}, {transform_indices = @transform_8, window_bounds = array<i64: 1024, 48>}, {transform_indices = @transform_9, window_bounds = array<i64: 1024, 48>}, {transform_indices = @transform_10, window_bounds = array<i64: 1024, 64>}]} {
    %jit3A = arith.constant 1 : i32
    %eq3A = arith.constant 0 : i32
    %eq3A_0 = arith.cmpi eq, %jit3A, %eq3A : i32
    %jit3A_1 = arith.constant 1 : i32
    %select_n3A = arith.select %eq3A_0, %jit3A_1, %jit3A : i32
    %rem3A = arith.remsi %arg0, %select_n3A : i32
    %ne3A = arith.constant 0 : i32
    %ne3A_2 = arith.cmpi ne, %rem3A, %ne3A : i32
    %lt3A = arith.constant 0 : i32
    %lt3A_3 = arith.cmpi slt, %rem3A, %lt3A : i32
    %lt3A_4 = arith.constant 0 : i32
    %lt3A_5 = arith.cmpi slt, %select_n3A, %lt3A_4 : i32
    %ne3A_6 = arith.xori %lt3A_3, %lt3A_5 : i1
    %and3A = arith.andi %ne3A_6, %ne3A_2 : i1
    %add3A = arith.addi %rem3A, %select_n3A : i32
    %select_n3A_7 = arith.select %and3A, %add3A, %rem3A : i32
    %mul3A = arith.constant 1024 : i32
    %mul3A_8 = arith.muli %select_n3A_7, %mul3A : i32
    %multiple_of3A = tpu.assume_multiple %mul3A_8, 1024 : i32
    %get3A = arith.index_cast %multiple_of3A : i32 to index
    %get3A_9 = arith.constant 0 : index
    %get3A_10 = vector.load %arg1[%get3A, %get3A_9] : memref<1024x64xf32, #tpu.memory_space<vmem>>, vector<1024x64xf32>
    %get3A_11 = arith.constant 0 : index
    %get3A_12 = arith.constant 0 : index
    %get3A_13 = vector.load %arg3[%get3A_11, %get3A_12] : memref<64x4xf32, #tpu.memory_space<vmem>>, vector<64x4xf32>
    %dot_general3A = arith.constant dense<0.000000e+00> : vector<1024x4xf32>
    %dot_general3A_14 = tpu.matmul %get3A_10, %get3A_13, %dot_general3A {dimension_numbers = #tpu.dot_dimension_numbers<[1], [0], [0], [1], [0, 0, 1, 1], [], []>, transpose_lhs_hint = false} : vector<1024x64xf32>, vector<64x4xf32>, vector<1024x4xf32> -> vector<1024x4xf32>
    %get3A_15 = arith.constant 0 : index
    %get3A_16 = arith.constant 0 : index
    %get3A_17 = vector.load %arg5[%get3A_15, %get3A_16] : memref<1x4xf32, #tpu.memory_space<vmem>>, vector<1x4xf32>
    %add3A_18 = vector.broadcast %get3A_17 : vector<1x4xf32> to vector<1024x4xf32>
    %add3A_19 = arith.addf %dot_general3A_14, %add3A_18 : vector<1024x4xf32>
    %get3A_20 = arith.constant 0 : index
    %get3A_21 = arith.constant 0 : index
    %get3A_22 = vector.load %arg7[%get3A_20, %get3A_21] : memref<64x64xf32, #tpu.memory_space<vmem>>, vector<64x64xf32>
    %dot_general3A_23 = arith.constant dense<0.000000e+00> : vector<1024x64xf32>
    %dot_general3A_24 = tpu.matmul %get3A_10, %get3A_22, %dot_general3A_23 {dimension_numbers = #tpu.dot_dimension_numbers<[1], [0], [0], [1], [0, 0, 1, 1], [], []>, transpose_lhs_hint = false} : vector<1024x64xf32>, vector<64x64xf32>, vector<1024x64xf32> -> vector<1024x64xf32>
    %get3A_25 = arith.constant 0 : index
    %get3A_26 = arith.constant 0 : index
    %get3A_27 = vector.load %arg8[%get3A_25, %get3A_26] : memref<1x64xf32, #tpu.memory_space<vmem>>, vector<1x64xf32>
    %add3A_28 = vector.broadcast %get3A_27 : vector<1x64xf32> to vector<1024x64xf32>
    %add3A_29 = arith.addf %dot_general3A_24, %add3A_28 : vector<1024x64xf32>
    %swap3A = arith.constant 0 : index
    %swap3A_30 = arith.constant 0 : index
    %swap3A_31 = vector.load %arg11[%swap3A, %swap3A_30] : memref<1024x64xf32, #tpu.memory_space<vmem>>, vector<1024x64xf32>
    tpu.vector_store %arg11[%swap3A, %swap3A_30], %add3A_29 {strides = array<i32>} : memref<1024x64xf32, #tpu.memory_space<vmem>>, vector<1024x64xf32>,
    %get3A_32 = arith.constant 0 : index
    %get3A_33 = arith.constant 0 : index
    %get3A_34 = vector.load %arg4[%get3A_32, %get3A_33] : memref<4x64xf32, #tpu.memory_space<vmem>>, vector<4x64xf32>
    %get3A_35 = arith.constant 0 : index
    %get3A_36 = arith.constant 0 : index
    %get3A_37 = vector.load %arg2[%get3A_35, %get3A_36] : memref<64x1024xf32, #tpu.memory_space<vmem>>, vector<64x1024xf32>
    %dot_general3A_38 = arith.constant dense<0.000000e+00> : vector<4x1024xf32>
    %dot_general3A_39 = tpu.matmul %get3A_34, %get3A_37, %dot_general3A_38 {dimension_numbers = #tpu.dot_dimension_numbers<[1], [0], [0], [1], [0, 0, 1, 1], [], []>, transpose_lhs_hint = false} : vector<4x64xf32>, vector<64x1024xf32>, vector<4x1024xf32> -> vector<4x1024xf32>
    %get3A_40 = arith.constant 0 : index
    %get3A_41 = arith.constant 0 : index
    %get3A_42 = vector.load %arg6[%get3A_40, %get3A_41] : memref<4x1xf32, #tpu.memory_space<vmem>>, vector<4x1xf32>
    %add3A_43 = vector.broadcast %get3A_42 : vector<4x1xf32> to vector<4x1024xf32>
    %add3A_44 = arith.addf %dot_general3A_39, %add3A_43 : vector<4x1024xf32>
    %slice3A = vector.extract_strided_slice %add3A_19 {offsets = [0, 0], sizes = [1024, 1], strides = [1, 1]} : vector<1024x4xf32> to vector<1024x1xf32>
    %slice3A_45 = vector.extract_strided_slice %add3A_44 {offsets = [0, 0], sizes = [1, 1024], strides = [1, 1]} : vector<4x1024xf32> to vector<1x1024xf32>
    %sub3A = vector.broadcast %slice3A : vector<1024x1xf32> to vector<1024x1024xf32>
    %sub3A_46 = vector.broadcast %slice3A_45 : vector<1x1024xf32> to vector<1024x1024xf32>
    %sub3A_47 = arith.subf %sub3A, %sub3A_46 : vector<1024x1024xf32>
    %mul3A_48 = arith.mulf %sub3A_47, %sub3A_47 : vector<1024x1024xf32>
    %slice3A_49 = vector.extract_strided_slice %add3A_19 {offsets = [0, 1], sizes = [1024, 1], strides = [1, 1]} : vector<1024x4xf32> to vector<1024x1xf32>
    %slice3A_50 = vector.extract_strided_slice %add3A_44 {offsets = [1, 0], sizes = [1, 1024], strides = [1, 1]} : vector<4x1024xf32> to vector<1x1024xf32>
    %sub3A_51 = vector.broadcast %slice3A_49 : vector<1024x1xf32> to vector<1024x1024xf32>
    %sub3A_52 = vector.broadcast %slice3A_50 : vector<1x1024xf32> to vector<1024x1024xf32>
    %sub3A_53 = arith.subf %sub3A_51, %sub3A_52 : vector<1024x1024xf32>
    %mul3A_54 = arith.mulf %sub3A_53, %sub3A_53 : vector<1024x1024xf32>
    %add3A_55 = arith.addf %mul3A_48, %mul3A_54 : vector<1024x1024xf32>
    %slice3A_56 = vector.extract_strided_slice %add3A_19 {offsets = [0, 2], sizes = [1024, 1], strides = [1, 1]} : vector<1024x4xf32> to vector<1024x1xf32>
    %slice3A_57 = vector.extract_strided_slice %add3A_44 {offsets = [2, 0], sizes = [1, 1024], strides = [1, 1]} : vector<4x1024xf32> to vector<1x1024xf32>
    %sub3A_58 = vector.broadcast %slice3A_56 : vector<1024x1xf32> to vector<1024x1024xf32>
    %sub3A_59 = vector.broadcast %slice3A_57 : vector<1x1024xf32> to vector<1024x1024xf32>
    %sub3A_60 = arith.subf %sub3A_58, %sub3A_59 : vector<1024x1024xf32>
    %mul3A_61 = arith.mulf %sub3A_60, %sub3A_60 : vector<1024x1024xf32>
    %add3A_62 = arith.addf %add3A_55, %mul3A_61 : vector<1024x1024xf32>
    %slice3A_63 = vector.extract_strided_slice %add3A_19 {offsets = [0, 3], sizes = [1024, 1], strides = [1, 1]} : vector<1024x4xf32> to vector<1024x1xf32>
    %slice3A_64 = vector.extract_strided_slice %add3A_44 {offsets = [3, 0], sizes = [1, 1024], strides = [1, 1]} : vector<4x1024xf32> to vector<1x1024xf32>
    %sub3A_65 = vector.broadcast %slice3A_63 : vector<1024x1xf32> to vector<1024x1024xf32>
    %sub3A_66 = vector.broadcast %slice3A_64 : vector<1x1024xf32> to vector<1024x1024xf32>
    %sub3A_67 = arith.subf %sub3A_65, %sub3A_66 : vector<1024x1024xf32>
    %mul3A_68 = arith.mulf %sub3A_67, %sub3A_67 : vector<1024x1024xf32>
    %add3A_69 = arith.addf %add3A_62, %mul3A_68 : vector<1024x1024xf32>
    %bitcast_convert_type3A = tpu.bitcast %add3A_69 : vector<1024x1024xf32> -> vector<1024x1024xi32>
    %iota3A = tpu.iota {dimensions = array<i32: 0>} : vector<1024x1024xi32>
    %and3A_70 = arith.constant -1024 : i32
    %and3A_71 = vector.broadcast %and3A_70 : i32 to vector<1024x1024xi32>
    %and3A_72 = arith.andi %bitcast_convert_type3A, %and3A_71 : vector<1024x1024xi32>
    %or3A = arith.ori %and3A_72, %iota3A : vector<1024x1024xi32>
    %bitcast_convert_type3A_73 = tpu.bitcast %or3A : vector<1024x1024xi32> -> vector<1024x1024xf32>
    %iota3A_74 = tpu.iota {dimensions = array<i32: 0>} : vector<48x1024xi32>
    %broadcast_in_dim3A = arith.constant -1.000000e+00 : f32
    %broadcast_in_dim3A_75 = vector.broadcast %broadcast_in_dim3A : f32 to vector<1x1024xf32>
    %broadcast_in_dim3A_76 = arith.constant 3.000000e+38 : f32
    %broadcast_in_dim3A_77 = vector.broadcast %broadcast_in_dim3A_76 : f32 to vector<48x1024xf32>
    %scan3A = arith.constant 3.40282347E+38 : f32
    %scan3A_78 = arith.constant 0 : i32
    %scan3A_79 = arith.constant 41 : i32
    %scan3A_80 = arith.addi %scan3A_78, %scan3A_79 : i32
    %scan3A_81 = arith.constant 1 : i32
    %scan3A_82:2 = scf.for %scan3A_107 = %scan3A_78 to %scan3A_80 step %scan3A_81 iter_args(%scan3A_108 = %broadcast_in_dim3A_75, %scan3A_109 = %broadcast_in_dim3A_77) -> (vector<1x1024xf32>, vector<48x1024xf32>)  : i32 {
      %gt3A = vector.broadcast %scan3A_108 : vector<1x1024xf32> to vector<1024x1024xf32>
      %gt3A_110 = arith.cmpf ogt, %bitcast_convert_type3A_73, %gt3A : vector<1024x1024xf32>
      %broadcast_in_dim3A_111 = vector.broadcast %scan3A : f32 to vector<1024x1024xf32>
      %select_n3A_112 = arith.select %gt3A_110, %bitcast_convert_type3A_73, %broadcast_in_dim3A_111 : vector<1024x1024xi1>, vector<1024x1024xf32>
      %reduce_min3A = arith.constant dense<0x7F800000> : vector<1024xf32>
      %reduce_min3A_113 = vector.multi_reduction <minimumf>, %select_n3A_112, %reduce_min3A [0] : vector<1024x1024xf32> to vector<1024xf32>
      %broadcast_in_dim3A_114 = vector.shape_cast %reduce_min3A_113 : vector<1024xf32> to vector<1x1024xf32>
      %sub3A_115 = arith.constant 1 : i32
      %sub3A_116 = arith.subi %scan3A_107, %sub3A_115 : i32
      %eq3A_117 = vector.broadcast %sub3A_116 : i32 to vector<48x1024xi32>
      %eq3A_118 = arith.cmpi eq, %iota3A_74, %eq3A_117 : vector<48x1024xi32>
      %broadcast_in_dim3A_119 = vector.shape_cast %broadcast_in_dim3A_114 : vector<1x1024xf32> to vector<1x1024xf32>
      %broadcast_in_dim3A_120 = vector.broadcast %broadcast_in_dim3A_119 : vector<1x1024xf32> to vector<48x1024xf32>
      %select_n3A_121 = arith.select %eq3A_118, %broadcast_in_dim3A_120, %scan3A_109 : vector<48x1024xi1>, vector<48x1024xf32>
      scf.yield %broadcast_in_dim3A_114, %select_n3A_121 : vector<1x1024xf32>, vector<48x1024xf32>
    }
    %scan3A_83 = arith.constant 41 : i32
    %bitcast_convert_type3A_84 = tpu.bitcast %scan3A_82#1 : vector<48x1024xf32> -> vector<48x1024xi32>
    %and3A_85 = arith.constant 1023 : i32
    %and3A_86 = vector.broadcast %and3A_85 : i32 to vector<48x1024xi32>
    %and3A_87 = arith.andi %bitcast_convert_type3A_84, %and3A_86 : vector<48x1024xi32>
    %transpose3A = tpu.transpose %and3A_87, [1, 0] : vector<48x1024xi32> -> vector<1024x48xi32>
    %swap3A_88 = arith.constant 0 : index
    %swap3A_89 = arith.constant 0 : index
    %swap3A_90 = vector.load %arg9[%swap3A_88, %swap3A_89] : memref<1024x48xi32, #tpu.memory_space<vmem>>, vector<1024x48xi32>
    tpu.vector_store %arg9[%swap3A_88, %swap3A_89], %transpose3A {strides = array<i32>} : memref<1024x48xi32, #tpu.memory_space<vmem>>, vector<1024x48xi32>,
    %and3A_91 = arith.constant -1024 : i32
    %and3A_92 = vector.broadcast %and3A_91 : i32 to vector<48x1024xi32>
    %and3A_93 = arith.andi %bitcast_convert_type3A_84, %and3A_92 : vector<48x1024xi32>
    %bitcast_convert_type3A_94 = tpu.bitcast %and3A_93 : vector<48x1024xi32> -> vector<48x1024xf32>
    %mul3A_95 = arith.constant 1.000000e+01 : f32
    %mul3A_96 = vector.broadcast %mul3A_95 : f32 to vector<48x1024xf32>
    %mul3A_97 = arith.mulf %bitcast_convert_type3A_94, %mul3A_96 : vector<48x1024xf32>
    %add3A_98 = arith.constant 9.99999974E-6 : f32
    %add3A_99 = vector.broadcast %add3A_98 : f32 to vector<48x1024xf32>
    %add3A_100 = arith.addf %mul3A_97, %add3A_99 : vector<48x1024xf32>
    %neg3A = arith.constant 0.000000e+00 : f32
    %neg3A_101 = vector.broadcast %neg3A : f32 to vector<48x1024xf32>
    %neg3A_102 = arith.subf %neg3A_101, %add3A_100 : vector<48x1024xf32>
    %exp3A = math.exp %neg3A_102 : vector<48x1024xf32>
    %transpose3A_103 = tpu.transpose %exp3A, [1, 0] : vector<48x1024xf32> -> vector<1024x48xf32>
    %swap3A_104 = arith.constant 0 : index
    %swap3A_105 = arith.constant 0 : index
    %swap3A_106 = vector.load %arg10[%swap3A_104, %swap3A_105] : memref<1024x48xf32, #tpu.memory_space<vmem>>, vector<1024x48xf32>
    tpu.vector_store %arg10[%swap3A_104, %swap3A_105], %transpose3A_103 {strides = array<i32>} : memref<1024x48xf32, #tpu.memory_space<vmem>>, vector<1024x48xf32>,
    return
  }
  func.func @transform_0(%arg0: i32) -> (i32, i32) {
    %jit3A = arith.constant 1 : i32
    %div3A = arith.divsi %arg0, %jit3A : i32
    %sign3A = arith.constant 0 : i32
    %sign3A_0 = arith.cmpi sgt, %arg0, %sign3A : i32
    %sign3A_1 = arith.extui %sign3A_0 : i1 to i32
    %sign3A_2 = arith.constant 0 : i32
    %sign3A_3 = arith.cmpi slt, %arg0, %sign3A_2 : i32
    %sign3A_4 = arith.extui %sign3A_3 : i1 to i32
    %sign3A_5 = arith.subi %sign3A_1, %sign3A_4 : i32
    %sign3A_6 = arith.constant 0 : i32
    %sign3A_7 = arith.cmpi sgt, %jit3A, %sign3A_6 : i32
    %sign3A_8 = arith.extui %sign3A_7 : i1 to i32
    %sign3A_9 = arith.constant 0 : i32
    %sign3A_10 = arith.cmpi slt, %jit3A, %sign3A_9 : i32
    %sign3A_11 = arith.extui %sign3A_10 : i1 to i32
    %sign3A_12 = arith.subi %sign3A_8, %sign3A_11 : i32
    %ne3A = arith.cmpi ne, %sign3A_5, %sign3A_12 : i32
    %rem3A = arith.remsi %arg0, %jit3A : i32
    %ne3A_13 = arith.constant 0 : i32
    %ne3A_14 = arith.cmpi ne, %rem3A, %ne3A_13 : i32
    %and3A = arith.andi %ne3A, %ne3A_14 : i1
    %sub3A = arith.constant 1 : i32
    %sub3A_15 = arith.subi %div3A, %sub3A : i32
    %select_n3A = arith.select %and3A, %sub3A_15, %div3A : i32
    %c0_i32 = arith.constant 0 : i32
    %c0_i32_16 = arith.constant 0 : i32
    return %select_n3A, %c0_i32 : i32, i32
  }
  func.func @transform_1(%arg0: i32) -> (i32, i32) {
    %jit3A = arith.constant 1 : i32
    %div3A = arith.divsi %arg0, %jit3A : i32
    %sign3A = arith.constant 0 : i32
    %sign3A_0 = arith.cmpi sgt, %arg0, %sign3A : i32
    %sign3A_1 = arith.extui %sign3A_0 : i1 to i32
    %sign3A_2 = arith.constant 0 : i32
    %sign3A_3 = arith.cmpi slt, %arg0, %sign3A_2 : i32
    %sign3A_4 = arith.extui %sign3A_3 : i1 to i32
    %sign3A_5 = arith.subi %sign3A_1, %sign3A_4 : i32
    %sign3A_6 = arith.constant 0 : i32
    %sign3A_7 = arith.cmpi sgt, %jit3A, %sign3A_6 : i32
    %sign3A_8 = arith.extui %sign3A_7 : i1 to i32
    %sign3A_9 = arith.constant 0 : i32
    %sign3A_10 = arith.cmpi slt, %jit3A, %sign3A_9 : i32
    %sign3A_11 = arith.extui %sign3A_10 : i1 to i32
    %sign3A_12 = arith.subi %sign3A_8, %sign3A_11 : i32
    %ne3A = arith.cmpi ne, %sign3A_5, %sign3A_12 : i32
    %rem3A = arith.remsi %arg0, %jit3A : i32
    %ne3A_13 = arith.constant 0 : i32
    %ne3A_14 = arith.cmpi ne, %rem3A, %ne3A_13 : i32
    %and3A = arith.andi %ne3A, %ne3A_14 : i1
    %sub3A = arith.constant 1 : i32
    %sub3A_15 = arith.subi %div3A, %sub3A : i32
    %select_n3A = arith.select %and3A, %sub3A_15, %div3A : i32
    %c0_i32 = arith.constant 0 : i32
    %c0_i32_16 = arith.constant 0 : i32
    return %c0_i32, %select_n3A : i32, i32
  }
  func.func @transform_2(%arg0: i32) -> (i32, i32) {
    %c0_i32 = arith.constant 0 : i32
    %c0_i32_0 = arith.constant 0 : i32
    %c0_i32_1 = arith.constant 0 : i32
    return %c0_i32, %c0_i32_0 : i32, i32
  }
  func.func @transform_3(%arg0: i32) -> (i32, i32) {
    %c0_i32 = arith.constant 0 : i32
    %c0_i32_0 = arith.constant 0 : i32
    %c0_i32_1 = arith.constant 0 : i32
    return %c0_i32, %c0_i32_0 : i32, i32
  }
  func.func @transform_4(%arg0: i32) -> (i32, i32) {
    %c0_i32 = arith.constant 0 : i32
    %c0_i32_0 = arith.constant 0 : i32
    %c0_i32_1 = arith.constant 0 : i32
    return %c0_i32, %c0_i32_0 : i32, i32
  }
  func.func @transform_5(%arg0: i32) -> (i32, i32) {
    %c0_i32 = arith.constant 0 : i32
    %c0_i32_0 = arith.constant 0 : i32
    %c0_i32_1 = arith.constant 0 : i32
    return %c0_i32, %c0_i32_0 : i32, i32
  }
  func.func @transform_6(%arg0: i32) -> (i32, i32) {
    %c0_i32 = arith.constant 0 : i32
    %c0_i32_0 = arith.constant 0 : i32
    %c0_i32_1 = arith.constant 0 : i32
    return %c0_i32, %c0_i32_0 : i32, i32
  }
  func.func @transform_7(%arg0: i32) -> (i32, i32) {
    %c0_i32 = arith.constant 0 : i32
    %c0_i32_0 = arith.constant 0 : i32
    %c0_i32_1 = arith.constant 0 : i32
    return %c0_i32, %c0_i32_0 : i32, i32
  }
  func.func @transform_8(%arg0: i32) -> (i32, i32) {
    %c0_i32 = arith.constant 0 : i32
    %c0_i32_0 = arith.constant 0 : i32
    return %arg0, %c0_i32 : i32, i32
  }
  func.func @transform_9(%arg0: i32) -> (i32, i32) {
    %c0_i32 = arith.constant 0 : i32
    %c0_i32_0 = arith.constant 0 : i32
    return %arg0, %c0_i32 : i32, i32
  }
  func.func @transform_10(%arg0: i32) -> (i32, i32) {
    %c0_i32 = arith.constant 0 : i32
    %c0_i32_0 = arith.constant 0 : i32
    return %arg0, %c0_i32 : i32, i32
  }
}

module attributes {stable_mosaic.version = 14 : i64} {
  func.func @_k3_body(%arg0: i32, %arg1: memref<512x64xf32, #tpu.memory_space<vmem>>, %arg2: memref<512x128xf32, #tpu.memory_space<vmem>>, %arg3: memref<64x128xf32, #tpu.memory_space<vmem>>, %arg4: memref<128x128xf32, #tpu.memory_space<vmem>>, %arg5: memref<1x128xf32, #tpu.memory_space<vmem>>, %arg6: memref<512x128xf32, #tpu.memory_space<vmem>>) attributes {dimension_semantics = [#tpu.dimension_semantics<arbitrary>], iteration_bounds = array<i64: 8>, scalar_prefetch = 0 : i64, scratch_operands = 0 : i64, tpu.core_type = #tpu.core_type<tc>, window_params = [{transform_indices = @transform_0, window_bounds = array<i64: 512, 64>}, {transform_indices = @transform_1, window_bounds = array<i64: 512, 128>}, {pipeline_mode = #tpu.pipeline_mode<synchronous>, transform_indices = @transform_2, window_bounds = array<i64: 64, 128>}, {pipeline_mode = #tpu.pipeline_mode<synchronous>, transform_indices = @transform_3, window_bounds = array<i64: 128, 128>}, {pipeline_mode = #tpu.pipeline_mode<synchronous>, transform_indices = @transform_4, window_bounds = array<i64: 1, 128>}, {transform_indices = @transform_5, window_bounds = array<i64: 512, 128>}]} {
    %get3A = arith.constant 0 : index
    %get3A_0 = arith.constant 0 : index
    %get3A_1 = vector.load %arg1[%get3A, %get3A_0] : memref<512x64xf32, #tpu.memory_space<vmem>>, vector<512x64xf32>
    %get3A_2 = arith.constant 0 : index
    %get3A_3 = arith.constant 0 : index
    %get3A_4 = vector.load %arg3[%get3A_2, %get3A_3] : memref<64x128xf32, #tpu.memory_space<vmem>>, vector<64x128xf32>
    %dot_general3A = arith.constant dense<0.000000e+00> : vector<512x128xf32>
    %dot_general3A_5 = tpu.matmul %get3A_1, %get3A_4, %dot_general3A {dimension_numbers = #tpu.dot_dimension_numbers<[1], [0], [0], [1], [0, 0, 1, 1], [], []>, transpose_lhs_hint = false} : vector<512x64xf32>, vector<64x128xf32>, vector<512x128xf32> -> vector<512x128xf32>
    %get3A_6 = arith.constant 0 : index
    %get3A_7 = arith.constant 0 : index
    %get3A_8 = vector.load %arg2[%get3A_6, %get3A_7] : memref<512x128xf32, #tpu.memory_space<vmem>>, vector<512x128xf32>
    %get3A_9 = arith.constant 0 : index
    %get3A_10 = arith.constant 0 : index
    %get3A_11 = vector.load %arg4[%get3A_9, %get3A_10] : memref<128x128xf32, #tpu.memory_space<vmem>>, vector<128x128xf32>
    %dot_general3A_12 = arith.constant dense<0.000000e+00> : vector<512x128xf32>
    %dot_general3A_13 = tpu.matmul %get3A_8, %get3A_11, %dot_general3A_12 {dimension_numbers = #tpu.dot_dimension_numbers<[1], [0], [0], [1], [0, 0, 1, 1], [], []>, transpose_lhs_hint = false} : vector<512x128xf32>, vector<128x128xf32>, vector<512x128xf32> -> vector<512x128xf32>
    %add3A = arith.addf %dot_general3A_5, %dot_general3A_13 : vector<512x128xf32>
    %get3A_14 = arith.constant 0 : index
    %get3A_15 = arith.constant 0 : index
    %get3A_16 = vector.load %arg5[%get3A_14, %get3A_15] : memref<1x128xf32, #tpu.memory_space<vmem>>, vector<1x128xf32>
    %add3A_17 = vector.broadcast %get3A_16 : vector<1x128xf32> to vector<512x128xf32>
    %add3A_18 = arith.addf %add3A, %add3A_17 : vector<512x128xf32>
    %tanh3A = math.tanh %add3A_18 : vector<512x128xf32>
    %swap3A = arith.constant 0 : index
    %swap3A_19 = arith.constant 0 : index
    %swap3A_20 = vector.load %arg6[%swap3A, %swap3A_19] : memref<512x128xf32, #tpu.memory_space<vmem>>, vector<512x128xf32>
    tpu.vector_store %arg6[%swap3A, %swap3A_19], %tanh3A {strides = array<i32>} : memref<512x128xf32, #tpu.memory_space<vmem>>, vector<512x128xf32>,
    return
  }
  func.func @transform_0(%arg0: i32) -> (i32, i32) {
    %c0_i32 = arith.constant 0 : i32
    %c0_i32_0 = arith.constant 0 : i32
    return %arg0, %c0_i32 : i32, i32
  }
  func.func @transform_1(%arg0: i32) -> (i32, i32) {
    %c0_i32 = arith.constant 0 : i32
    %c0_i32_0 = arith.constant 0 : i32
    return %arg0, %c0_i32 : i32, i32
  }
  func.func @transform_2(%arg0: i32) -> (i32, i32) {
    %c0_i32 = arith.constant 0 : i32
    %c0_i32_0 = arith.constant 0 : i32
    %c0_i32_1 = arith.constant 0 : i32
    return %c0_i32, %c0_i32_0 : i32, i32
  }
  func.func @transform_3(%arg0: i32) -> (i32, i32) {
    %c0_i32 = arith.constant 0 : i32
    %c0_i32_0 = arith.constant 0 : i32
    %c0_i32_1 = arith.constant 0 : i32
    return %c0_i32, %c0_i32_0 : i32, i32
  }
  func.func @transform_4(%arg0: i32) -> (i32, i32) {
    %c0_i32 = arith.constant 0 : i32
    %c0_i32_0 = arith.constant 0 : i32
    %c0_i32_1 = arith.constant 0 : i32
    return %c0_i32, %c0_i32_0 : i32, i32
  }
  func.func @transform_5(%arg0: i32) -> (i32, i32) {
    %c0_i32 = arith.constant 0 : i32
    %c0_i32_0 = arith.constant 0 : i32
    return %arg0, %c0_i32 : i32, i32
  }
}

</mosaic_0001>

<sc_bundles>
// kernel: kernel.5.cloned.1.call-start
scs
__scs_entry_jumppad:
0x0: {  	(pc) =	sbr.rel $0x88, $3  }
0x1: {  	(tag) =	ssettag $0x0;
	lr =	simm.s32 $0x1  }
0x2: {  	[smem:$0x3F9A] =	sst lr;
	_ =	strace $0xD0000000  }
0x3: {  	_ = 	snop  }
0x4: {  	_ = 	snop  }
0x5: {  	_ = 	snop  }
0x6: {  	_ = 	snop  }
0x7: {  	_ = 	snop  }
__scs_overlays_trampoline_lowered:
0x8: {  	[smem:$0x3FA9] =	sst s0  }
0x9: {  	[smem:$0x3FAA] =	sst s1  }
0xa: {  	[smem:$0x3FAB] =	sst s2  }
0xb: {  	[smem:$0x3FAC] =	sst s3  }
0xc: {  	[smem:$0x3FAD] =	sst s4  }
0xd: {  	[smem:$0x3FAE] =	sst s5  }
0xe: {  	[smem:$0x3FAF] =	sst s6  }
0xf: {  	[smem:$0x3FB0] =	sst s7  }
0x10: {  	[smem:$0x3FB1] =	sst s8  }
0x11: {  	[smem:$0x3FB2] =	sst s9;
	s0 =	simm.s32 @!p0 $0x0  }
0x12: {  	s1 =	sld [smem:$0x3F98];
	s0 =	simm.s32 @p0 $0x1  }
0x13: {  	[smem:$0x3FB3] =	sst s0;
	s0 =	simm.s32 @!p1 $0x0  }
0x14: {  	s2 =	sld [smem:$0x3F97];
	s0 =	simm.s32 @p1 $0x1  }
0x15: {  	[smem:$0x3FB4] =	sst s0;
	s0 =	simm.s32 @!p2 $0x0  }
0x16: {  	s3 =	sld [smem:$0x3FDB];
	s0 =	simm.s32 @p2 $0x1  }
0x17: {  	s4 =	simm.s32 $0x1BF5;
	[smem:$0x3FB6] =	sst s0  }
0x18: {  	s0 =	sld [smem:$0x3F99];
	_ =	swait.ge [sflag:s4], $0x0  }
0x19: {  	s7 =	sld [smem:$0x3F9A]  }
0x1a: {  	s8 =	sadd.s32 $0xFFFFE003, lr  }
0x1b: {  	s9 =	sadd.s32 $0xFFFFFEF7, lr;
	s5 =	simm.s32 $0xFFFFFFFF;
	p2 =	slt.u32 s8, $0xFFFFF086  }
0x1c: {  	p1 =	slt.u32 s9, $0xF7A;
	s5 =	simm.s32 @!p2 $0x0  }
0x1d: {  	s5 =	simm.s32 @p1 $0x1;
	p0 =	seq.s32 s7, s2  }
0x1e: {  	s7 =	smul.u32 @!p0 $0xF7A, s2;
	p2 =	seq.s32 @!p0 s5, $0x0  }
0x1f: {  	s9 =	smul.u32 $0xF7A, s1;
	s8 =	simm.s32 @!p0 $0x1BF5;
	p2 =	por !p2, p0  }
0x20: {  	[sflag:s8] =	ssyncset.s32 @!p0 $0xFFFFF086;
	s6 =	sadd.s32 @!p0 s3, s7;
	s7 =	simm.s32 @!p0 $0x108  }
0x21: {  	s3 =	sadd.s32 s3, s9;
	s6 =	sadd.s32 @!p0 $0x88, s6;
	s7 =	simm.s32 @p2 $0x1082  }
0x22: {  	[simem:s7], [sflag:s8] =	dma.local @!p0 [hbm:s6], $0xF7A  }
0x23: {  	s9 =	sor.u32 $0xD0000000, s2;
	s6 =	simm.s32 $0x108;
	_ =	swait.ge @!p0 [sflag:s8], $0x0  }
0x24: {  	s3 =	sadd.s32 $0x88, s3;
	s6 =	simm.s32 @!p1 $0x1082;
	[sflag:s4] =	ssyncset.s32 $0xFFFFF086  }
0x25: {  	[simem:s6], [sflag:s4] =	dma.local [hbm:s3], $0xF7A  }
0x26: {  	[smem:$0x3F9A] =	sst s1;
	(tag) =	ssettag s2;
	_ =	strace s9  }
0x27: {  	s1 =	sld [smem:$0x3FAA]  }
0x28: {  	s2 =	sld [smem:$0x3FAB]  }
0x29: {  	s4 =	sld [smem:$0x3FAD]  }
0x2a: {  	p0 =	seq.s32 s5, $0x0;
	s5 =	sld [smem:$0x3FAE]  }
0x2b: {  	s6 =	sld [smem:$0x3FAF]  }
0x2c: {  	s7 =	sld [smem:$0x3FB0]  }
0x2d: {  	s3 =	simm.s32 $0x108;
	s8 =	sld [smem:$0x3FB1]  }
0x2e: {  	s3 =	simm.s32 @!p0 $0x1082;
	s9 =	sld [smem:$0x3FB2]  }
0x2f: {  	lr =	sadd.s32 s0, s3;
	s0 =	sld [smem:$0x3FA9]  }
0x30: {  	s3 =	sld [smem:$0x3FAC]  }
0x31: {  	[smem:$0x3FB5] =	sst s10  }
0x32: {  	s10 =	sld [smem:$0x3FB3];
	_ =	sdelay $0x3  }
0x33: {  	p0 =	seq.s32 s10, $0x1;
	s10 =	sld [smem:$0x3FB5];
	_ =	sdelay $0x3  }
0x34: {  	[smem:$0x3FB5] =	sst s10  }
0x35: {  	s10 =	sld [smem:$0x3FB4];
	_ =	sdelay $0x3  }
0x36: {  	p1 =	seq.s32 s10, $0x1;
	s10 =	sld [smem:$0x3FB5];
	_ =	sdelay $0x3  }
0x37: {  	[smem:$0x3FB5] =	sst s10  }
0x38: {  	s10 =	sld [smem:$0x3FB6]  }
0x39: {  	_ = 	snop;
	(pc) =	sbr.ind lr, $3  }
0x3a: {  	_ = 	snop  }
0x3b: {  	_ = 	snop  }
0x3c: {  	p2 =	seq.s32 s10, $0x1;
	s10 =	sld [smem:$0x3FB5]  }
0x3d: {  	_ =	shalt  }
0x3e: {  	_ =	shalt  }
0x3f: {  	_ =	shalt  }
0x40: {  	_ =	shalt  }
0x41: {  	_ =	shalt  }
0x42: {  	_ =	shalt  }
0x43: {  	_ =	shalt  }
0x44: {  	_ =	shalt  }
0x45: {  	_ =	shalt  }
0x46: {  	_ =	shalt  }
0x47: {  	_ =	shalt  }
0x48: {  	_ =	shalt  }
0x49: {  	_ =	shalt  }
0x4a: {  	_ =	shalt  }
0x4b: {  	_ =	shalt  }
0x4c: {  	_ =	shalt  }
0x4d: {  	_ =	shalt  }
0x4e: {  	_ =	shalt  }
0x4f: {  	_ =	shalt  }
0x50: {  	_ =	shalt  }
0x51: {  	_ =	shalt  }
0x52: {  	_ =	shalt  }
0x53: {  	_ =	shalt  }
0x54: {  	_ =	shalt  }
0x55: {  	_ =	shalt  }
0x56: {  	_ =	shalt  }
0x57: {  	_ =	shalt  }
0x58: {  	_ =	shalt  }
0x59: {  	_ =	shalt  }
0x5a: {  	_ =	shalt  }
0x5b: {  	_ =	shalt  }
0x5c: {  	_ =	shalt  }
0x5d: {  	_ =	shalt  }
0x5e: {  	_ =	shalt  }
0x5f: {  	_ =	shalt  }
0x60: {  	_ =	shalt  }
0x61: {  	_ =	shalt  }
0x62: {  	_ =	shalt  }
0x63: {  	_ =	shalt  }
0x64: {  	_ =	shalt  }
0x65: {  	_ =	shalt  }
0x66: {  	_ =	shalt  }
0x67: {  	_ =	shalt  }
0x68: {  	_ =	shalt  }
0x69: {  	_ =	shalt  }
0x6a: {  	_ =	shalt  }
0x6b: {  	_ =	shalt  }
0x6c: {  	_ =	shalt  }
0x6d: {  	_ =	shalt  }
0x6e: {  	_ =	shalt  }
0x6f: {  	_ =	shalt  }
0x70: {  	_ =	shalt  }
0x71: {  	_ =	shalt  }
0x72: {  	_ =	shalt  }
0x73: {  	_ =	shalt  }
0x74: {  	_ =	shalt  }
0x75: {  	_ =	shalt  }
0x76: {  	_ =	shalt  }
0x77: {  	_ =	shalt  }
0x78: {  	_ =	shalt  }
0x79: {  	_ =	shalt  }
0x7a: {  	_ =	shalt  }
0x7b: {  	_ =	shalt  }
0x7c: {  	_ =	shalt  }
0x7d: {  	_ =	shalt  }
0x7e: {  	_ =	shalt  }
0x7f: {  	_ =	shalt  }
0x80: {  	_ =	shalt  }
0x81: {  	_ =	shalt  }
0x82: {  	_ =	shalt  }
0x83: {  	_ =	shalt  }
0x84: {  	_ =	shalt  }
0x85: {  	_ =	shalt  }
0x86: {  	_ =	shalt  }
0x87: {  	_ =	shalt  }
.Lfunc_end0:
.L_simem_size_0:
called_computation_lowered:
.L_overlay_start_0:
0x88: {  	s2 =	sld [smem:$0x3FD9]  }
0x89: {  	s3 =	sld [smem:$0x3FFE];
	_ =	sdelay $0x1  }
0x8a: {  	s1 =	srdreg.scid  }
0x8b: {  	s0 =	sand.u32 $0x1, s1  }
0x8c: {  	s17 =	sshll.u32 s0, $0xA;
	s2 =	sadd.s32 s3, s2  }
0x8d: {  	s2 =	sadd.s32 s2, s17  }
0x8e: {  	[smem:$0x3FC1] =	sst s2  }
0x8f: {  	_ = 	snop  }
0x90: {  	s2 =	sld [smem:$0x3FD0];
	(tm) =	ssettm $0x1  }
0x91: {  	s18 =	sld [smem:$0x3FFB];
	_ =	sdelay $0x3  }
0x92: {  	_ =	strace s18  }
0x93: {  	s3 =	sld [smem:$0x3FFC];
	_ =	sdelay $0x3  }
0x94: {  	_ =	strace s3  }
0x95: {  	s3 =	sld [smem:$0x3FFD];
	_ =	sdelay $0x3  }
0x96: {  	_ =	strace s3  }
0x97: {  	_ =	strace $0x8FFFFFFF  }
0x98: {  	s19 =	sld [smem:$0x3FDB];
	_ =	sdelay $0x1  }
0x99: {  	s4 =	simm.s32 $_scs_section_size  }
0x9a: {  	s5 =	simm.s32 $_size__tile_overlayer_lowered;
	s6 =	simm.s32 $_tile_overlayer_lowered  }
0x9b: {  	s22 =	simm.s32 $0x1BFF;
	s21 =	sshll.u32 s6, $0x1;
	s3 =	sadd.s32 s4, s19  }
0x9c: {  	s7 =	simm.s32 $0x0;
	s20 =	sshll.u32 s5, $0x1;
	s5 =	sadd.s32 s21, s3  }
0x9d: {  	[timem:s7], [sflag:s22] =	dma.local [hbm:s5], s20  }
0x9e: {  	_ =	swait.ge [sflag:s22], s20  }
0x9f: {  	s4 =	ssub.s32 $0x0, s20;
	[sflag:s22] =	ssyncset.done $0x0  }
0xa0: {  	[sflag:s22] =	ssyncadd.s32 s4;
	_ =	sdelay $0x1  }
0xa1: {  	s23 =	simm.s32 $0x1B8B  }
0xa2: {  	_ =	swait.ge [sflag:s23], $0x1  }
0xa3: {  	[sflag:s23] =	ssyncset.done $0x0  }
0xa4: {  	s25 =	simm.s32 $0x1B8E;
	s24 =	sld [smem:$0x3FFE];
	[sflag:s23] =	ssyncadd.s32 $0xFFFFFFFF  }
0xa5: {  	s26 =	simm.s32 $execute0_lowered;
	[smem:$0x3FD2] =	sst s25  }
0xa6: {  	s5 =	sshll.u32 s26, $0x1;
	_ =	strace $0x80000046;
	[dreg:$0x1] =	wrdreg $0xFFFFFFFF  }
0xa7: {  	s28 =	simm.s32 $_size_execute0_lowered;
	s3 =	sadd.s32 s3, s5;
	[dreg:$0x0] =	wrdreg $0x0  }
0xa8: {  	s5 =	sshll.u32 s28, $0x1;
	[dreg:$0x2] =	wrdreg s3  }
0xa9: {  	[dreg:$0x3] =	wrdreg s5  }
0xaa: {  	[dreg:$0x4] =	wrdreg $0xC0  }
0xab: {  	_ =	task [dreg:s7], $0x5FFFF  }
0xac: {  	[dreg:$0x1] =	wrdreg $0xFFFFFFFF  }
0xad: {  	[dreg:$0x0] =	wrdreg $0x60  }
0xae: {  	[dreg:$0x2] =	wrdreg s24  }
0xaf: {  	[dreg:$0x3] =	wrdreg s2  }
0xb0: {  	[dreg:$0x4] =	wrdreg $0x9  }
0xb1: {  	_ =	task.clear_ibuf [dreg:s7], $0x5FFFF;
	_ =	strace $0x90000046  }
0xb2: {  	s29 =	simm.s32 $0x9;
	_ =	strace $0x80000048  }
0xb3: {  	_ =	swait.ge [sflag:s29], $0x1  }
0xb4: {  	[sflag:s29] =	ssyncadd.s32 $0xFFFFFFFF  }
0xb5: {  	_ =	strace $0x90000048  }
0xb6: {  	_ =	sfence  }
0xb7: {  	s30 =	sld [smem:$0x0];
	_ =	sdelay $0x2  }
0xb8: {  	s31 =	sshll.u32 s1, $0xD;
	s1 =	sshrl.u32 s1, $0x2  }
0xb9: {  	s3 =	sand.u32 $0x4000, s31;
	s1 =	sadd.s32 s1, s30  }
0xba: {  	s0 =	sor.u32 s3, s0;
	s1 =	sshll.u32 s1, $0x11  }
0xbb: {  	s0 =	sor.u32 s1, s0  }
0xbc: {  	s0 =	sadd.s32 $0x8F2B, s0  }
0xbd: {  	[sflag:s0] =	ssyncadd.remote.s32 $0x1  }
0xbe: {  	_ =	sfence.sel $0xFFFF  }
0xbf: {  	[dreg:$0x0] =	wrdreg $0xFFFFFFFF;
	(pc) =	sbr.abs _section_cstart, $3  }
0xc0: {  	[dreg:$0x1] =	wrdreg $0xFFFFFFFF  }
0xc1: {  	_ =	task.clear_ibuf [dreg:s7], $0x2FFFF;
	_ =	strace $0x9FFFFFFF  }
0xc2: {  	(tm) =	ssettm $0x7FFFFFFF  }
0xc3: {  	_ =	shalt  }
tec
execute0_lowered:
.L_overlay_start_1:
0x0: {  	(tag) =	ssettag $0x1  }
0x1: {  	s3 =	rddreg [dreg:$0x0]  }
0x2: {  	s0 =	stileid.u32;
	s1 =	srdreg.scid  }
0x3: {  	s6 =	rddreg [dreg:$0x1];
	s2 =	simm.s32 $0x0;
	s10 =	simm.s32 $0x11800  }
0x4: {  	s11 =	simm.s32 $0x13000;
	s4 =	sand.u32 $0x1, s1;
	s1 =	rddreg [dreg:$0x2]  }
0x5: {  	s12 =	simm.s32 $0x0;
	s5 =	sshll.u32 s0, $0x1;
	[smem:$0x7FF] =	sst s2  }
0x6: {  	s7 =	sshll.u32 s0, $0xB;
	s5 =	sor.u32 s4, s5;
	_ =	strace $0x80000047  }
0x7: {  	s7 =	sand.u32 $0x6000, s7;
	s4 =	ssub.s32 $0x2, s4;
	s8 =	smul.u32 $0x300, s5  }
0x8: {  	s7 =	sadd.s32 s7, s3;
	s30 =	sshrl.u32 s4, $0x1;
	s31 =	sshll.u32 s5, $0xB  }
0x9: {  	s9 =	ssub.s32 s4, s30;
	s6 =	sadd.s32 s6, s31;
	s8 =	sadd.s32 s8, s3  }
0xa: {  	s3 =	sadd.s32 $0x1600, s7;
	s7 =	smax.u32 s9, $0x1;
	s9 =	simm.s32 $0x10000  }
0xb: {  	s4 =	sadd.s32 $0x9600, s8;
	s5 =	sadd.s32 $0xF600, s8;
	s8 =	simm.s32 $0x1  }
.LBB2_1:
0xc: {  	[tilespmem:s2], [sflag:$0x1] =	stream.linear.gather [hbm4b:s3+s2], $0x10000, $0x38;
	[tilespmem:$0x17000] =	vst v63  }
0xd: {  	_ =	swait.ge [sflag:s8], $0x10000  }
0xe: {  	[sflag:s8] =	ssyncset.done $0x0  }
0xf: {  	[sflag:s8] =	ssyncadd.s32 $0xFFFF0000  }
0x10: {  	[tilespmem:s9], [sflag:$0x1] =	stream.linear.gather [hbm4b:s4+s2], $0x1800, $0x38;
	[tilespmem:$0x17000] =	vst v63  }
0x11: {  	_ =	swait.ge [sflag:s8], $0x1800  }
0x12: {  	[sflag:s8] =	ssyncset.done $0x0  }
0x13: {  	[sflag:s8] =	ssyncadd.s32 $0xFFFFE800  }
0x14: {  	[tilespmem:s10], [sflag:$0x1] =	stream.linear.gather [hbm4b:s5+s2], $0x1800, $0x38;
	[tilespmem:$0x17000] =	vst v63  }
0x15: {  	_ =	swait.ge [sflag:s8], $0x1800  }
0x16: {  	[sflag:s8] =	ssyncset.done $0x0  }
0x17: {  	s13 =	simm.s32 $0x13040;
	s14 =	simm.s32 $0x0;
	[sflag:s8] =	ssyncadd.s32 $0xFFFFE800  }
.LBB2_2:
0x18: {  	s15 =	sshra.s32 s14, $0x2  }
0x19: {  	v0 =	vld [tilespmem:s15+$0x10000];
	_ =	sdelay $0x4  }
0x1a: {  	v0 =	vshll.u32 v0, $0x8  }
0x1b: {  	v0 =	vshra.s32 v0, $0x2  }
0x1c: {  	(v2sf) =	vpush v0, $0x0;
	_ =	sdelay $0x3  }
0x1d: {  	(v2sf) =	vpush v0, $0x1;
	_ =	sdelay $0x3  }
0x1e: {  	(v2sf) =	vpush v0, $0x2;
	_ =	sdelay $0x4  }
0x1f: {  	(v2sf) =	vpush v0, $0x3;
	_ =	sdelay $0x1  }
0x20: {  	v2 =	vld [tilespmem:s15+$0x11800];
	s16 =	spop (v2sf)  }
0x21: {  	v1 =	vld [tilespmem:s16+$0x0]  }
0x22: {  	v3 =	vld [tilespmem:s16+$0x10]  }
0x23: {  	(v2sf) =	vpush v0, $0x4;
	v4 =	vld [tilespmem:s16+$0x20]  }
0x24: {  	v5 =	vld [tilespmem:s16+$0x30];
	s20 =	spop (v2sf)  }
0x25: {  	v7 =	vld [tilespmem:s20+$0x0]  }
0x26: {  	v8 =	vld [tilespmem:s20+$0x10]  }
0x27: {  	v6 =	vbroadcast v2, $0x0;
	v10 =	vbroadcast v2, $0x1;
	(v2sf) =	vpush v0, $0x5;
	v9 =	vld [tilespmem:s20+$0x20]  }
0x28: {  	v50 =	vbroadcast v2, $0x2;
	v53 =	vbroadcast v2, $0x3;
	v11 =	vld [tilespmem:s20+$0x30];
	s21 =	spop (v2sf)  }
0x29: {  	v63 =	vbroadcast v2, $0x4;
	v26 =	vbroadcast v2, $0x5;
	v48 =	vld [tilespmem:s21+$0x0]  }
0x2a: {  	v32 =	vbroadcast v2, $0x6;
	v39 =	vbroadcast v2, $0x7;
	v15 =	vld [tilespmem:s21+$0x10]  }
0x2b: {  	v47 =	vbroadcast v2, $0x8;
	(v2sf) =	vpush v0, $0x6;
	v17 =	vld [tilespmem:s21+$0x20];
	v1 =	vmul.f32 v1, v6  }
0x2c: {  	v49 =	vld [tilespmem:s21+$0x30];
	v3 =	vmul.f32 v3, v6;
	v4 =	vmul.f32 v4, v6  }
0x2d: {  	s22 =	spop (v2sf);
	v5 =	vmul.f32 v5, v6;
	v7 =	vmul.f32 v7, v10  }
0x2e: {  	(v2sf) =	vpush v0, $0x7;
	v18 =	vld [tilespmem:s22+$0x0];
	v8 =	vmul.f32 v8, v10;
	v9 =	vmul.f32 v9, v10  }
0x2f: {  	v54 =	vld [tilespmem:s22+$0x20];
	v10 =	vmul.f32 v11, v10;
	v12 =	vadd.f32 $0.0e+00, v1;
	v13 =	vadd.f32 $0.0e+00, v3  }
0x30: {  	v56 =	vld [tilespmem:s22+$0x30];
	v14 =	vadd.f32 $0.0e+00, v4;
	v6 =	vmul.f32 v48, v50;
	v52 =	vmul.f32 v15, v50  }
0x31: {  	v16 =	vadd.f32 $0.0e+00, v5;
	v55 =	vmul.f32 v17, v50;
	v11 =	vmul.f32 v49, v50  }
0x32: {  	v51 =	vld [tilespmem:s22+$0x10];
	v1 =	vmax.f32 v1, v7;
	v3 =	vmax.f32 v3, v8;
	v4 =	vmax.f32 v4, v9;
	s23 =	spop (v2sf)  }
0x33: {  	v5 =	vmax.f32 v5, v10;
	v57 =	vmul.f32 v18, v53;
	v7 =	vadd.f32 v7, v12;
	v58 =	vld [tilespmem:s23+$0x0]  }
0x34: {  	v60 =	vmul.f32 v54, v53;
	v8 =	vadd.f32 v8, v13;
	v9 =	vadd.f32 v9, v14;
	v59 =	vld [tilespmem:s23+$0x10]  }
0x35: {  	v62 =	vmul.f32 v56, v53;
	v10 =	vadd.f32 v10, v16;
	(v2sf) =	vpush v0, $0x8;
	v61 =	vld [tilespmem:s23+$0x20]  }
0x36: {  	v1 =	vmax.f32 v1, v6;
	v3 =	vmax.f32 v3, v52;
	v4 =	vmax.f32 v4, v55;
	v20 =	vld [tilespmem:s23+$0x30];
	s24 =	spop (v2sf)  }
0x37: {  	v5 =	vmax.f32 v5, v11;
	v13 =	vmul.f32 v51, v53;
	v53 =	vbroadcast v2, $0x9;
	v21 =	vld [tilespmem:s24+$0x0]  }
0x38: {  	v1 =	vmax.f32 v1, v57;
	v4 =	vmax.f32 v4, v60;
	v6 =	vadd.f32 v6, v7;
	v22 =	vld [tilespmem:s24+$0x10]  }
0x39: {  	v5 =	vmax.f32 v5, v62;
	v8 =	vadd.f32 v52, v8;
	(v2sf) =	vpush v0, $0x9;
	v23 =	vld [tilespmem:s24+$0x20]  }
0x3a: {  	v7 =	vadd.f32 v55, v9;
	v10 =	vadd.f32 v11, v10;
	v3 =	vmax.f32 v3, v13;
	v25 =	vld [tilespmem:s24+$0x30];
	s25 =	spop (v2sf)  }
0x3b: {  	v6 =	vadd.f32 v57, v6;
	v8 =	vadd.f32 v13, v8;
	v27 =	vld [tilespmem:s25+$0x0];
	v9 =	vmul.f32 v58, v63  }
0x3c: {  	v7 =	vadd.f32 v60, v7;
	v30 =	vld [tilespmem:s25+$0x10];
	v11 =	vmul.f32 v59, v63;
	v24 =	vmul.f32 v61, v63  }
0x3d: {  	(v2sf) =	vpush v0, $0xA;
	v33 =	vld [tilespmem:s25+$0x20];
	v15 =	vmul.f32 v20, v63;
	v59 =	vbroadcast v2, $0xA  }
0x3e: {  	v10 =	vadd.f32 v62, v10;
	v35 =	vld [tilespmem:s25+$0x30];
	s26 =	spop (v2sf);
	v29 =	vmul.f32 v21, v26;
	v31 =	vmul.f32 v22, v26  }
0x3f: {  	(v2sf) =	vpush v0, $0xB;
	v37 =	vld [tilespmem:s26+$0x0];
	v34 =	vmul.f32 v23, v26;
	v16 =	vmul.f32 v25, v26  }
0x40: {  	v38 =	vld [tilespmem:s26+$0x10];
	v25 =	vbroadcast v2, $0xB;
	v1 =	vmax.f32 v1, v9;
	v6 =	vadd.f32 v9, v6  }
0x41: {  	v40 =	vld [tilespmem:s26+$0x20];
	v3 =	vmax.f32 v3, v11;
	v8 =	vadd.f32 v11, v8;
	v4 =	vmax.f32 v4, v24  }
0x42: {  	v41 =	vld [tilespmem:s26+$0x30];
	v7 =	vadd.f32 v24, v7;
	v5 =	vmax.f32 v5, v15;
	v36 =	vmul.f32 v27, v32  }
0x43: {  	v28 =	vadd.f32 v15, v10;
	v11 =	vmul.f32 v30, v32;
	v15 =	vmul.f32 v33, v32  }
0x44: {  	v22 =	vld [tilespmem:s15+$0x10010];
	v12 =	vmul.f32 v35, v32;
	v1 =	vmax.f32 v1, v29;
	v3 =	vmax.f32 v3, v31;
	s28 =	spop (v2sf)  }
0x45: {  	v4 =	vmax.f32 v4, v34;
	v5 =	vmax.f32 v5, v16;
	v42 =	vmul.f32 v37, v39;
	v43 =	vld [tilespmem:s28+$0x0]  }
0x46: {  	v10 =	vmul.f32 v38, v39;
	v46 =	vmul.f32 v40, v39;
	v6 =	vadd.f32 v29, v6;
	v44 =	vld [tilespmem:s28+$0x10]  }
0x47: {  	v13 =	vmul.f32 v41, v39;
	v8 =	vadd.f32 v31, v8;
	v7 =	vadd.f32 v34, v7;
	v45 =	vld [tilespmem:s28+$0x20]  }
0x48: {  	v38 =	vbroadcast v2, $0xC;
	v9 =	vadd.f32 v16, v28;
	(v2sf) =	vpush v0, $0xC;
	v48 =	vld [tilespmem:s28+$0x30];
	s29 =	spop (v2sf)  }
0x49: {  	v1 =	vmax.f32 v1, v36;
	v3 =	vmax.f32 v3, v11;
	v4 =	vmax.f32 v4, v15;
	v49 =	vld [tilespmem:s29+$0x0]  }
0x4a: {  	v5 =	vmax.f32 v5, v12;
	v1 =	vmax.f32 v1, v42;
	v3 =	vmax.f32 v3, v10;
	v51 =	vld [tilespmem:s29+$0x10]  }
0x4b: {  	v4 =	vmax.f32 v4, v46;
	v6 =	vadd.f32 v36, v6;
	v8 =	vadd.f32 v11, v8;
	v54 =	vld [tilespmem:s29+$0x20]  }
0x4c: {  	v5 =	vmax.f32 v5, v13;
	v7 =	vadd.f32 v15, v7;
	(v2sf) =	vpush v0, $0xD;
	v56 =	vld [tilespmem:s29+$0x30];
	s30 =	spop (v2sf)  }
0x4d: {  	v9 =	vadd.f32 v12, v9;
	v31 =	vshll.u32 v22, $0x8;
	v6 =	vadd.f32 v42, v6;
	v57 =	vld [tilespmem:s30+$0x0]  }
0x4e: {  	v8 =	vadd.f32 v10, v8;
	v58 =	vld [tilespmem:s30+$0x10];
	v50 =	vmul.f32 v43, v47;
	v52 =	vmul.f32 v44, v47  }
0x4f: {  	v7 =	vadd.f32 v46, v7;
	v60 =	vld [tilespmem:s30+$0x20];
	v55 =	vmul.f32 v45, v47;
	v16 =	vmul.f32 v48, v47  }
0x50: {  	v9 =	vadd.f32 v13, v9;
	v62 =	vld [tilespmem:s30+$0x30];
	s31 =	spop (v2sf);
	v44 =	vbroadcast v2, $0xD;
	v14 =	vmul.f32 v49, v53  }
0x51: {  	(v2sf) =	vpush v0, $0xE;
	v21 =	vld [tilespmem:s31+$0x0];
	v11 =	vmul.f32 v51, v53;
	v61 =	vmul.f32 v54, v53  }
0x52: {  	(v2sf) =	vpush v0, $0xF;
	v23 =	vld [tilespmem:s31+$0x10];
	v12 =	vmul.f32 v56, v53;
	v49 =	vbroadcast v2, $0xE  }
0x53: {  	v26 =	vld [tilespmem:s31+$0x20];
	v2 =	vbroadcast v2, $0xF;
	v1 =	vmax.f32 v1, v50;
	v6 =	vadd.f32 v50, v6  }
0x54: {  	v27 =	vld [tilespmem:s31+$0x30];
	v3 =	vmax.f32 v3, v52;
	v8 =	vadd.f32 v52, v8;
	v4 =	vmax.f32 v4, v55  }
0x55: {  	v7 =	vadd.f32 v55, v7;
	v5 =	vmax.f32 v5, v16;
	v63 =	vmul.f32 v57, v59  }
0x56: {  	v9 =	vadd.f32 v16, v9;
	v10 =	vmul.f32 v58, v59;
	v24 =	vmul.f32 v60, v59  }
0x57: {  	v13 =	vmul.f32 v62, v59;
	v1 =	vmax.f32 v1, v14;
	v3 =	vmax.f32 v3, v11;
	s17 =	spop (v2sf)  }
0x58: {  	v4 =	vmax.f32 v4, v61;
	v29 =	vmul.f32 v21, v25;
	v34 =	vmul.f32 v23, v25;
	v30 =	vld [tilespmem:s17+$0x0]  }
0x59: {  	v5 =	vmax.f32 v5, v12;
	v35 =	vmul.f32 v26, v25;
	v37 =	vmul.f32 v27, v25;
	v33 =	vld [tilespmem:s17+$0x10]  }
0x5a: {  	v6 =	vadd.f32 v14, v6;
	v8 =	vadd.f32 v11, v8;
	v1 =	vmax.f32 v1, v63;
	v36 =	vld [tilespmem:s17+$0x20]  }
0x5b: {  	v7 =	vadd.f32 v61, v7;
	v32 =	vmax.f32 v1, v29;
	v1 =	vshra.s32 v31, $0x2;
	v39 =	vld [tilespmem:s17+$0x30];
	s18 =	spop (v2sf)  }
0x5c: {  	v9 =	vadd.f32 v12, v9;
	v3 =	vmax.f32 v3, v10;
	(v2sf) =	vpush v1, $0x0;
	v40 =	vld [tilespmem:s18+$0x0]  }
0x5d: {  	v4 =	vmax.f32 v4, v24;
	v5 =	vmax.f32 v5, v13;
	v6 =	vadd.f32 v63, v6;
	v41 =	vld [tilespmem:s18+$0x10]  }
0x5e: {  	v3 =	vmax.f32 v3, v34;
	v28 =	vadd.f32 v10, v8;
	v7 =	vadd.f32 v24, v7;
	v43 =	vld [tilespmem:s18+$0x20]  }
0x5f: {  	v4 =	vmax.f32 v4, v35;
	v9 =	vadd.f32 v13, v9;
	v6 =	vadd.f32 v29, v6;
	v19 =	vld [tilespmem:s18+$0x30]  }
0x60: {  	v5 =	vmax.f32 v5, v37;
	v0 =	vadd.f32 v34, v28;
	(v2sf) =	vpush v1, $0x1;
	s19 =	spop (v2sf)  }
0x61: {  	v7 =	vadd.f32 v35, v7;
	v46 =	vld [tilespmem:s19+$0x0];
	v10 =	vmul.f32 v30, v38;
	v42 =	vmul.f32 v33, v38  }
0x62: {  	v8 =	vadd.f32 v37, v9;
	v48 =	vld [tilespmem:s19+$0x10];
	v16 =	vmul.f32 v36, v38;
	v45 =	vmul.f32 v39, v38  }
0x63: {  	(v2sf) =	vpush v1, $0x2;
	v50 =	vld [tilespmem:s19+$0x20];
	v47 =	vmul.f32 v40, v44;
	v12 =	vmul.f32 v41, v44  }
0x64: {  	v52 =	vld [tilespmem:s19+$0x30];
	s20 =	spop (v2sf);
	(v2sf) =	vpush v1, $0x3;
	v51 =	vmul.f32 v43, v44;
	v18 =	vmul.f32 v19, v44  }
0x65: {  	v54 =	vld [tilespmem:s20+$0x10];
	v13 =	vmax.f32 v32, v10;
	v6 =	vadd.f32 v10, v6;
	v3 =	vmax.f32 v3, v42  }
0x66: {  	v55 =	vld [tilespmem:s20+$0x20];
	v9 =	vadd.f32 v42, v0;
	v4 =	vmax.f32 v4, v16;
	v7 =	vadd.f32 v16, v7  }
0x67: {  	v53 =	vld [tilespmem:s20+$0x0];
	v5 =	vmax.f32 v5, v45;
	v8 =	vadd.f32 v45, v8;
	v14 =	vmul.f32 v46, v49  }
0x68: {  	v56 =	vld [tilespmem:s20+$0x30];
	v10 =	vmul.f32 v48, v49;
	v15 =	vmul.f32 v50, v49;
	v11 =	vmax.f32 v13, v47  }
0x69: {  	v3 =	vmax.f32 v3, v12;
	v4 =	vmax.f32 v4, v51;
	v5 =	vmax.f32 v5, v18  }
0x6a: {  	v13 =	vmul.f32 v52, v49;
	v59 =	vmul.f32 v54, v2;
	v6 =	vadd.f32 v47, v6  }
0x6b: {  	v0 =	vld [tilespmem:s15+$0x11810];
	v61 =	vmul.f32 v55, v2;
	v9 =	vadd.f32 v12, v9;
	v7 =	vadd.f32 v51, v7;
	s21 =	spop (v2sf)  }
0x6c: {  	v8 =	vadd.f32 v18, v8;
	v11 =	vmax.f32 v11, v14;
	v3 =	vmax.f32 v3, v10;
	v57 =	vld [tilespmem:s21+$0x0]  }
0x6d: {  	v4 =	vmax.f32 v4, v15;
	v12 =	vmul.f32 v53, v2;
	v2 =	vmul.f32 v56, v2;
	v58 =	vld [tilespmem:s21+$0x10]  }
0x6e: {  	v5 =	vmax.f32 v5, v13;
	v3 =	vmax.f32 v3, v59;
	(v2sf) =	vpush v1, $0x4;
	v60 =	vld [tilespmem:s21+$0x20]  }
0x6f: {  	v4 =	vmax.f32 v4, v61;
	v6 =	vadd.f32 v14, v6;
	v9 =	vadd.f32 v10, v9;
	v63 =	vld [tilespmem:s21+$0x30];
	s22 =	spop (v2sf)  }
0x70: {  	v7 =	vadd.f32 v15, v7;
	v8 =	vadd.f32 v13, v8;
	v11 =	vmax.f32 v11, v12;
	v21 =	vld [tilespmem:s22+$0x0]  }
0x71: {  	v5 =	vmax.f32 v5, v2;
	v62 =	vbroadcast v0, $0x0;
	v24 =	vbroadcast v0, $0x1;
	v22 =	vld [tilespmem:s22+$0x10]  }
0x72: {  	v33 =	vbroadcast v0, $0x2;
	v41 =	vbroadcast v0, $0x3;
	(v2sf) =	vpush v1, $0x5;
	v25 =	vld [tilespmem:s22+$0x20]  }
0x73: {  	v45 =	vbroadcast v0, $0x4;
	v53 =	vbroadcast v0, $0x5;
	v6 =	vadd.f32 v12, v6;
	v27 =	vld [tilespmem:s22+$0x30];
	s23 =	spop (v2sf)  }
0x74: {  	v9 =	vadd.f32 v59, v9;
	v29 =	vld [tilespmem:s23+$0x0];
	v10 =	vmul.f32 v57, v62;
	v23 =	vmul.f32 v58, v62  }
0x75: {  	v7 =	vadd.f32 v61, v7;
	v30 =	vld [tilespmem:s23+$0x10];
	v26 =	vmul.f32 v60, v62;
	v28 =	vmul.f32 v63, v62  }
0x76: {  	(v2sf) =	vpush v1, $0x6;
	v31 =	vld [tilespmem:s23+$0x20];
	v60 =	vbroadcast v0, $0x6;
	v12 =	vmul.f32 v21, v24  }
0x77: {  	v2 =	vadd.f32 v2, v8;
	v34 =	vld [tilespmem:s23+$0x30];
	v8 =	vmul.f32 v22, v24;
	v15 =	vmul.f32 v25, v24  }
0x78: {  	s24 =	spop (v2sf);
	(v2sf) =	vpush v1, $0x7;
	v32 =	vmul.f32 v27, v24;
	v22 =	vbroadcast v0, $0x7  }
0x79: {  	v36 =	vld [tilespmem:s24+$0x10];
	v11 =	vmax.f32 v11, v10;
	v6 =	vadd.f32 v10, v6;
	v3 =	vmax.f32 v3, v23  }
0x7a: {  	v38 =	vld [tilespmem:s24+$0x20];
	v9 =	vadd.f32 v23, v9;
	v4 =	vmax.f32 v4, v26;
	v7 =	vadd.f32 v26, v7  }
0x7b: {  	v40 =	vld [tilespmem:s24+$0x30];
	v5 =	vmax.f32 v5, v28;
	v10 =	vmul.f32 v29, v33;
	v37 =	vmul.f32 v30, v33  }
0x7c: {  	v2 =	vadd.f32 v28, v2;
	v39 =	vmul.f32 v31, v33;
	v14 =	vmul.f32 v34, v33  }
0x7d: {  	v35 =	vld [tilespmem:s24+$0x0];
	v30 =	vbroadcast v0, $0x8;
	v11 =	vmax.f32 v11, v12;
	v3 =	vmax.f32 v3, v8;
	s25 =	spop (v2sf)  }
0x7e: {  	v4 =	vmax.f32 v4, v15;
	v5 =	vmax.f32 v5, v32;
	v44 =	vmul.f32 v36, v41;
	v42 =	vld [tilespmem:s25+$0x0]  }
0x7f: {  	v47 =	vmul.f32 v38, v41;
	v6 =	vadd.f32 v12, v6;
	v8 =	vadd.f32 v8, v9;
	v43 =	vld [tilespmem:s25+$0x10]  }
0x80: {  	v16 =	vmul.f32 v40, v41;
	v7 =	vadd.f32 v15, v7;
	v2 =	vadd.f32 v32, v2;
	v46 =	vld [tilespmem:s25+$0x20]  }
0x81: {  	v11 =	vmax.f32 v11, v10;
	v3 =	vmax.f32 v3, v37;
	v4 =	vmax.f32 v4, v39;
	v48 =	vld [tilespmem:s25+$0x30];
	s26 =	spop (v2sf)  }
0x82: {  	v5 =	vmax.f32 v5, v14;
	v9 =	vmul.f32 v35, v41;
	(v2sf) =	vpush v1, $0x8;
	v50 =	vld [tilespmem:s26+$0x0]  }
0x83: {  	v3 =	vmax.f32 v3, v44;
	v4 =	vmax.f32 v4, v47;
	v6 =	vadd.f32 v10, v6;
	v51 =	vld [tilespmem:s26+$0x10]  }
0x84: {  	v5 =	vmax.f32 v5, v16;
	v8 =	vadd.f32 v37, v8;
	v7 =	vadd.f32 v39, v7;
	v52 =	vld [tilespmem:s26+$0x20]  }
0x85: {  	v2 =	vadd.f32 v14, v2;
	v11 =	vmax.f32 v11, v9;
	v6 =	vadd.f32 v9, v6;
	v54 =	vld [tilespmem:s26+$0x30];
	s28 =	spop (v2sf)  }
0x86: {  	v37 =	vbroadcast v0, $0x9;
	v8 =	vadd.f32 v44, v8;
	(v2sf) =	vpush v1, $0x9;
	v55 =	vld [tilespmem:s28+$0x0]  }
0x87: {  	v7 =	vadd.f32 v47, v7;
	v44 =	vbroadcast v0, $0xA;
	v56 =	vld [tilespmem:s28+$0x10];
	v49 =	vmul.f32 v42, v45  }
0x88: {  	v2 =	vadd.f32 v16, v2;
	v57 =	vld [tilespmem:s28+$0x20];
	v10 =	vmul.f32 v43, v45;
	v15 =	vmul.f32 v46, v45  }
0x89: {  	(v2sf) =	vpush v1, $0xA;
	v59 =	vld [tilespmem:s28+$0x30];
	s29 =	spop (v2sf);
	v13 =	vmul.f32 v48, v45;
	v9 =	vmul.f32 v50, v53  }
0x8a: {  	(v2sf) =	vpush v1, $0xB;
	v61 =	vld [tilespmem:s29+$0x0];
	v12 =	vmul.f32 v51, v53;
	v58 =	vmul.f32 v52, v53  }
0x8b: {  	v63 =	vld [tilespmem:s29+$0x10];
	v14 =	vmul.f32 v54, v53;
	v52 =	vbroadcast v0, $0xB;
	v11 =	vmax.f32 v11, v49  }
0x8c: {  	v23 =	vld [tilespmem:s29+$0x20];
	v6 =	vadd.f32 v49, v6;
	v3 =	vmax.f32 v3, v10;
	v8 =	vadd.f32 v10, v8  }
0x8d: {  	v25 =	vld [tilespmem:s29+$0x30];
	v4 =	vmax.f32 v4, v15;
	v7 =	vadd.f32 v15, v7;
	v5 =	vmax.f32 v5, v13  }
0x8e: {  	v2 =	vadd.f32 v13, v2;
	v62 =	vmul.f32 v55, v60;
	v21 =	vmul.f32 v56, v60  }
0x8f: {  	v24 =	vmul.f32 v57, v60;
	v16 =	vmul.f32 v59, v60;
	v11 =	vmax.f32 v11, v9  }
0x90: {  	v3 =	vmax.f32 v3, v12;
	v4 =	vmax.f32 v4, v58;
	v26 =	vmul.f32 v61, v22  }
0x91: {  	v50 =	vld [tilespmem:s15+$0x10020];
	v5 =	vmax.f32 v5, v14;
	v10 =	vmul.f32 v63, v22;
	v15 =	vmul.f32 v23, v22;
	s30 =	spop (v2sf)  }
0x92: {  	v13 =	vmul.f32 v25, v22;
	v6 =	vadd.f32 v9, v6;
	v8 =	vadd.f32 v12, v8;
	v27 =	vld [tilespmem:s30+$0x0]  }
0x93: {  	v61 =	vbroadcast v0, $0xC;
	v7 =	vadd.f32 v58, v7;
	(v2sf) =	vpush v1, $0xC;
	v29 =	vld [tilespmem:s30+$0x10]  }
0x94: {  	v2 =	vadd.f32 v14, v2;
	v11 =	vmax.f32 v11, v62;
	v3 =	vmax.f32 v3, v21;
	v31 =	vld [tilespmem:s30+$0x20]  }
0x95: {  	v4 =	vmax.f32 v4, v24;
	v5 =	vmax.f32 v5, v16;
	v28 =	vmax.f32 v11, v26;
	v32 =	vld [tilespmem:s30+$0x30];
	s31 =	spop (v2sf)  }
0x96: {  	v3 =	vmax.f32 v3, v10;
	v4 =	vmax.f32 v4, v15;
	v6 =	vadd.f32 v62, v6;
	v34 =	vld [tilespmem:s31+$0x0]  }
0x97: {  	v5 =	vmax.f32 v5, v13;
	v8 =	vadd.f32 v21, v8;
	(v2sf) =	vpush v1, $0xD;
	v35 =	vld [tilespmem:s31+$0x10]  }
0x98: {  	v7 =	vadd.f32 v24, v7;
	v2 =	vadd.f32 v16, v2;
	v60 =	vshll.u32 v50, $0x8;
	v36 =	vld [tilespmem:s31+$0x20]  }
0x99: {  	v24 =	vbroadcast v0, $0xD;
	v6 =	vadd.f32 v26, v6;
	v38 =	vld [tilespmem:s31+$0x30];
	s17 =	spop (v2sf);
	v33 =	vmul.f32 v27, v30  }
0x9a: {  	v8 =	vadd.f32 v10, v8;
	v40 =	vld [tilespmem:s17+$0x0];
	v11 =	vmul.f32 v29, v30;
	v16 =	vmul.f32 v31, v30  }
0x9b: {  	v7 =	vadd.f32 v15, v7;
	v42 =	vld [tilespmem:s17+$0x10];
	v39 =	vmul.f32 v32, v30;
	v31 =	vbroadcast v0, $0xE  }
0x9c: {  	(v2sf) =	vpush v1, $0xE;
	v45 =	vld [tilespmem:s17+$0x20];
	v0 =	vbroadcast v0, $0xF;
	v41 =	vmul.f32 v34, v37  }
0x9d: {  	v2 =	vadd.f32 v13, v2;
	v47 =	vld [tilespmem:s17+$0x30];
	s18 =	spop (v2sf);
	v43 =	vmul.f32 v35, v37;
	v46 =	vmul.f32 v36, v37  }
0x9e: {  	v49 =	vld [tilespmem:s18+$0x0];
	v48 =	vmul.f32 v38, v37;
	v9 =	vmax.f32 v28, v33;
	v6 =	vadd.f32 v33, v6  }
0x9f: {  	v51 =	vld [tilespmem:s18+$0x10];
	v3 =	vmax.f32 v3, v11;
	v8 =	vadd.f32 v11, v8;
	v4 =	vmax.f32 v4, v16  }
0xa0: {  	v7 =	vadd.f32 v16, v7;
	v5 =	vmax.f32 v5, v39;
	v12 =	vmul.f32 v40, v44  }
0xa1: {  	v53 =	vld [tilespmem:s18+$0x20];
	v2 =	vadd.f32 v39, v2;
	v10 =	vmul.f32 v42, v44;
	v16 =	vmul.f32 v45, v44  }
0xa2: {  	v13 =	vmul.f32 v47, v44;
	v9 =	vmax.f32 v9, v41;
	s19 =	spop (v2sf);
	(v2sf) =	vpush v1, $0xF  }
0xa3: {  	v54 =	vld [tilespmem:s18+$0x30];
	v3 =	vmax.f32 v3, v43;
	v4 =	vmax.f32 v4, v46;
	v7 =	vadd.f32 v46, v7  }
0xa4: {  	v5 =	vmax.f32 v5, v48;
	v57 =	vmul.f32 v49, v52;
	v11 =	vmul.f32 v51, v52;
	v58 =	vld [tilespmem:s19+$0x0]  }
0xa5: {  	v4 =	vmax.f32 v4, v16;
	v7 =	vadd.f32 v16, v7;
	v16 =	vshra.s32 v60, $0x2;
	v59 =	vld [tilespmem:s19+$0x10]  }
0xa6: {  	v63 =	vmul.f32 v53, v52;
	v6 =	vadd.f32 v41, v6;
	v62 =	vld [tilespmem:s19+$0x20];
	s20 =	spop (v2sf);
	(v2sf) =	vpush v16, $0x0  }
0xa7: {  	v8 =	vadd.f32 v43, v8;
	v2 =	vadd.f32 v48, v2;
	v9 =	vmax.f32 v9, v12;
	v19 =	vld [tilespmem:s19+$0x30]  }
0xa8: {  	v55 =	vmax.f32 v3, v10;
	v5 =	vmax.f32 v5, v13;
	v6 =	vadd.f32 v12, v6;
	v20 =	vld [tilespmem:s20+$0x0]  }
0xa9: {  	v9 =	vmax.f32 v9, v57;
	v56 =	vadd.f32 v10, v8;
	v2 =	vadd.f32 v13, v2;
	v22 =	vld [tilespmem:s20+$0x10]  }
0xaa: {  	v12 =	vmul.f32 v54, v52;
	v6 =	vadd.f32 v57, v6;
	v25 =	vld [tilespmem:s20+$0x20];
	(v2sf) =	vpush v16, $0x1  }
0xab: {  	v4 =	vmax.f32 v4, v63;
	v3 =	vadd.f32 v11, v56;
	v7 =	vadd.f32 v63, v7;
	v27 =	vld [tilespmem:s20+$0x30];
	s21 =	spop (v2sf)  }
0xac: {  	v5 =	vmax.f32 v5, v12;
	v2 =	vadd.f32 v12, v2;
	v29 =	vld [tilespmem:s21+$0x0];
	v10 =	vmul.f32 v58, v61  }
0xad: {  	v1 =	vmax.f32 v55, v11;
	v30 =	vld [tilespmem:s21+$0x10];
	v23 =	vmul.f32 v59, v61;
	v26 =	vmul.f32 v62, v61  }
0xae: {  	v32 =	vld [tilespmem:s21+$0x20];
	(v2sf) =	vpush v16, $0x2;
	v14 =	vmul.f32 v19, v61;
	v28 =	vmul.f32 v20, v24  }
0xaf: {  	v35 =	vld [tilespmem:s21+$0x30];
	v13 =	vmul.f32 v25, v24;
	v21 =	vmax.f32 v9, v10;
	v9 =	vmul.f32 v22, v24  }
0xb0: {  	v34 =	vmul.f32 v27, v24;
	v6 =	vadd.f32 v10, v6;
	v1 =	vmax.f32 v1, v23  }
0xb1: {  	v3 =	vadd.f32 v23, v3;
	v4 =	vmax.f32 v4, v26;
	v33 =	vmax.f32 v1, v9;
	v1 =	vld [tilespmem:s15+$0x11820];
	s22 =	spop (v2sf)  }
0xb2: {  	v7 =	vadd.f32 v26, v7;
	v5 =	vmax.f32 v5, v14;
	(v2sf) =	vpush v16, $0x3;
	v37 =	vld [tilespmem:s22+$0x0]  }
0xb3: {  	v2 =	vadd.f32 v14, v2;
	v36 =	vmul.f32 v29, v31;
	v10 =	vmul.f32 v30, v31;
	v38 =	vld [tilespmem:s22+$0x10]  }
0xb4: {  	v40 =	vmul.f32 v32, v31;
	v41 =	vmul.f32 v35, v31;
	v8 =	vmax.f32 v21, v28;
	v39 =	vld [tilespmem:s22+$0x20]  }
0xb5: {  	v4 =	vmax.f32 v4, v13;
	v6 =	vadd.f32 v28, v6;
	v3 =	vadd.f32 v9, v3;
	v42 =	vld [tilespmem:s22+$0x30];
	s23 =	spop (v2sf)  }
0xb6: {  	v5 =	vmax.f32 v5, v34;
	v7 =	vadd.f32 v13, v7;
	(v2sf) =	vpush v16, $0x4;
	v44 =	vld [tilespmem:s23+$0x0]  }
0xb7: {  	v2 =	vadd.f32 v34, v2;
	v8 =	vmax.f32 v8, v36;
	v4 =	vmax.f32 v4, v40;
	v45 =	vld [tilespmem:s23+$0x10]  }
0xb8: {  	v5 =	vmax.f32 v5, v41;
	v11 =	vmax.f32 v33, v10;
	v6 =	vadd.f32 v36, v6;
	v47 =	vld [tilespmem:s23+$0x20]  }
0xb9: {  	v3 =	vadd.f32 v10, v3;
	v49 =	vbroadcast v1, $0x0;
	v55 =	vbroadcast v1, $0x1;
	v50 =	vld [tilespmem:s23+$0x30];
	s24 =	spop (v2sf)  }
0xba: {  	v21 =	vbroadcast v1, $0x2;
	v30 =	vbroadcast v1, $0x3;
	(v2sf) =	vpush v16, $0x5;
	v51 =	vld [tilespmem:s24+$0x0]  }
0xbb: {  	v7 =	vadd.f32 v40, v7;
	v54 =	vld [tilespmem:s24+$0x10];
	v43 =	vmul.f32 v37, v0;
	v13 =	vmul.f32 v38, v0  }
0xbc: {  	v2 =	vadd.f32 v41, v2;
	v56 =	vld [tilespmem:s24+$0x20];
	v46 =	vmul.f32 v39, v0;
	v0 =	vmul.f32 v42, v0  }
0xbd: {  	v58 =	vld [tilespmem:s24+$0x30];
	s25 =	spop (v2sf);
	(v2sf) =	vpush v16, $0x6;
	v38 =	vbroadcast v1, $0x4;
	v52 =	vmul.f32 v44, v49  }
0xbe: {  	v60 =	vld [tilespmem:s25+$0x0];
	v53 =	vmul.f32 v45, v49;
	v57 =	vmul.f32 v47, v49;
	v8 =	vmax.f32 v8, v43  }
0xbf: {  	v61 =	vld [tilespmem:s25+$0x10];
	v6 =	vadd.f32 v43, v6;
	v48 =	vmax.f32 v11, v13;
	v3 =	vadd.f32 v13, v3  }
0xc0: {  	v63 =	vld [tilespmem:s25+$0x20];
	v4 =	vmax.f32 v4, v46;
	v7 =	vadd.f32 v46, v7;
	v11 =	vmul.f32 v50, v49  }
0xc1: {  	v22 =	vld [tilespmem:s25+$0x30];
	v5 =	vmax.f32 v5, v0;
	v59 =	vmul.f32 v51, v55;
	v62 =	vmul.f32 v54, v55;
	s26 =	spop (v2sf)  }
0xc2: {  	v0 =	vadd.f32 v0, v2;
	v14 =	vmul.f32 v56, v55;
	v24 =	vmul.f32 v58, v55;
	v25 =	vld [tilespmem:s26+$0x0]  }
0xc3: {  	v46 =	vbroadcast v1, $0x5;
	v8 =	vmax.f32 v8, v52;
	v9 =	vmax.f32 v48, v53;
	v27 =	vld [tilespmem:s26+$0x10]  }
0xc4: {  	v4 =	vmax.f32 v4, v57;
	v26 =	vmul.f32 v60, v21;
	v29 =	vmul.f32 v61, v21;
	v28 =	vld [tilespmem:s26+$0x20]  }
0xc5: {  	v32 =	vmul.f32 v63, v21;
	v6 =	vadd.f32 v52, v6;
	v2 =	vadd.f32 v53, v3;
	s28 =	spop (v2sf);
	v31 =	vld [tilespmem:s26+$0x30]  }
0xc6: {  	v33 =	vmul.f32 v22, v21;
	v7 =	vadd.f32 v57, v7;
	(v2sf) =	vpush v16, $0x7;
	v34 =	vld [tilespmem:s28+$0x0]  }
0xc7: {  	v5 =	vmax.f32 v5, v11;
	v0 =	vadd.f32 v11, v0;
	v8 =	vmax.f32 v8, v59;
	v35 =	vld [tilespmem:s28+$0x10]  }
0xc8: {  	v23 =	vmax.f32 v9, v62;
	v4 =	vmax.f32 v4, v14;
	v52 =	vbroadcast v1, $0x6;
	v36 =	vld [tilespmem:s28+$0x20]  }
0xc9: {  	v1 =	vbroadcast v1, $0x7;
	v5 =	vmax.f32 v5, v24;
	v8 =	vmax.f32 v8, v26;
	s29 =	spop (v2sf);
	v37 =	vld [tilespmem:s28+$0x30]  }
0xca: {  	v4 =	vmax.f32 v4, v32;
	v3 =	vadd.f32 v59, v6;
	v2 =	vadd.f32 v62, v2;
	v39 =	vld [tilespmem:s29+$0x0]  }
0xcb: {  	v7 =	vadd.f32 v14, v7;
	v0 =	vadd.f32 v24, v0;
	v6 =	vmax.f32 v23, v29;
	v41 =	vld [tilespmem:s29+$0x10]  }
0xcc: {  	v5 =	vmax.f32 v5, v33;
	v3 =	vadd.f32 v26, v3;
	v43 =	vld [tilespmem:s29+$0x20];
	v10 =	vmul.f32 v25, v30  }
0xcd: {  	v2 =	vadd.f32 v29, v2;
	s30 =	spop (v2sf);
	v45 =	vld [tilespmem:s29+$0x30];
	v12 =	vmul.f32 v27, v30;
	v9 =	vmul.f32 v28, v30  }
0xce: {  	v7 =	vadd.f32 v32, v7;
	v47 =	vld [tilespmem:s30+$0x0];
	v40 =	vmul.f32 v31, v30;
	v42 =	vmul.f32 v34, v38  }
0xcf: {  	v0 =	vadd.f32 v33, v0;
	v48 =	vld [tilespmem:s30+$0x10];
	v44 =	vmul.f32 v35, v38;
	v11 =	vmul.f32 v36, v38  }
0xd0: {  	v50 =	vld [tilespmem:s30+$0x20];
	v8 =	vmax.f32 v8, v10;
	v3 =	vadd.f32 v10, v3;
	v6 =	vmax.f32 v6, v12  }
0xd1: {  	v20 =	vld [tilespmem:s30+$0x30];
	v2 =	vadd.f32 v12, v2;
	v4 =	vmax.f32 v4, v9;
	v10 =	vmul.f32 v37, v38  }
0xd2: {  	v7 =	vadd.f32 v9, v7;
	v49 =	vmul.f32 v39, v46;
	v51 =	vmul.f32 v41, v46  }
0xd3: {  	v0 =	vadd.f32 v40, v0;
	v56 =	vmul.f32 v43, v46;
	v14 =	vmul.f32 v45, v46  }
0xd4: {  	v8 =	vmax.f32 v8, v42;
	v6 =	vmax.f32 v6, v44;
	v54 =	vmul.f32 v47, v52  }
0xd5: {  	v4 =	vmax.f32 v4, v11;
	v9 =	vmul.f32 v48, v52;
	v59 =	vmul.f32 v50, v52;
	s31 =	spop (v2sf)  }
0xd6: {  	v15 =	vmul.f32 v20, v52;
	v3 =	vadd.f32 v42, v3;
	v2 =	vadd.f32 v44, v2;
	v53 =	vld [tilespmem:s31+$0x0]  }
0xd7: {  	v7 =	vadd.f32 v11, v7;
	v0 =	vadd.f32 v10, v0;
	v8 =	vmax.f32 v8, v49;
	v55 =	vld [tilespmem:s31+$0x10]  }
0xd8: {  	v6 =	vmax.f32 v6, v51;
	v4 =	vmax.f32 v4, v56;
	v8 =	vmax.f32 v8, v54;
	v57 =	vld [tilespmem:s31+$0x20]  }
0xd9: {  	v6 =	vmax.f32 v6, v9;
	v3 =	vadd.f32 v49, v3;
	v2 =	vadd.f32 v51, v2;
	v60 =	vld [tilespmem:s31+$0x30]  }
0xda: {  	v4 =	vmax.f32 v4, v59;
	v7 =	vadd.f32 v56, v7;
	v0 =	vadd.f32 v14, v0  }
0xdb: {  	v3 =	vadd.f32 v54, v3;
	v2 =	vadd.f32 v9, v2;
	v58 =	vmul.f32 v53, v1  }
0xdc: {  	v7 =	vadd.f32 v59, v7;
	v0 =	vadd.f32 v15, v0;
	v12 =	vmul.f32 v55, v1  }
0xdd: {  	v61 =	vmul.f32 v57, v1;
	v3 =	vadd.f32 v58, v3;
	v8 =	vmax.f32 v8, v58  }
0xde: {  	v1 =	vmul.f32 v60, v1;
	v2 =	vadd.f32 v12, v2;
	v6 =	vmax.f32 v6, v12;
	[tilespmem:s13+$0xFFFFFFC0] =	vst v8  }
0xdf: {  	v7 =	vadd.f32 v61, v7;
	v4 =	vmax.f32 v4, v61;
	[tilespmem:s13+$0xFFFFFFD0] =	vst v6;
	v3 =	vmul.f32 $2.500000040e-02, v3  }
0xe0: {  	p0 =	sne.s32 s14, $0x5F40;
	v5 =	vmax.f32 v5, v40;
	v0 =	vadd.f32 v1, v0;
	[tilespmem:s13+$0xFFFFFFE0] =	vst v4;
	v2 =	vmul.f32 $2.500000040e-02, v2  }
.Ltmp0:
0xe1: {  	v5 =	vmax.f32 v5, v10;
	v63 =	vmul.f32 $2.500000040e-02, v7;
	[tilespmem:s13+$0x0] =	vst v3;
	(pc) =	sbr.rel @p0 .LBB2_2-.Ltmp0, $4  }
0xe2: {  	v62 =	vmax.f32 v5, v14;
	v0 =	vmul.f32 $2.500000040e-02, v0;
	[tilespmem:s13+$0x10] =	vst v2  }
0xe3: {  	v3 =	vmax.f32 v62, v15;
	[tilespmem:s13+$0x20] =	vst v63  }
0xe4: {  	[tilespmem:s13+$0x30] =	vst v0;
	v1 =	vmax.f32 v3, v1  }
0xe5: {  	s14 =	sadd.s32 $0xC0, s14;
	[tilespmem:s13+$0xFFFFFFF0] =	vst v1;
	s13 =	sadd.s32 $0x80, s13  }
0xe6: {  	s12 =	sadd.s32 $0x1, s12  }
0xe7: {  	p0 =	sne.s32 s12, s7  }
.Ltmp1:
0xe8: {  	_ = 	snop;
	(pc) =	sbr.rel @p0 .LBB2_1-.Ltmp1, $4  }
0xe9: {  	[hbm4b:s6+s2] =	stream.linear.scatter [tilespmem:s11], [sflag:$0x1], $0x4000, $0x38;
	[tilespmem:$0x17000] =	vst v63  }
0xea: {  	_ =	swait.ge [sflag:s8], $0x4000  }
0xeb: {  	[sflag:s8] =	ssyncset.done $0x0  }
0xec: {  	[sflag:s8] =	ssyncadd.s32 $0xFFFFC000  }
0xed: {  	_ =	sfence.sel $0x180000  }
0xee: {  	[bflag:$0x0] =	sbarrier.arrive $0xFFFF  }
0xef: {  	p0 =	sne.s32 s0, $0x0;
	_ =	strace $0x90000047  }
0xf0: {  	s0 =	sadd.s32 @!p0 $0x100000, s1;
	[bflag:$0x2] =	sbarrier.arrive $0xFFFF  }
0xf1: {  	[sflag:s0] =	ssyncadd.tile.s32 @!p0 $0x1;
	_ =	shalt  }
.Lfunc_end2:
_tile_overlayer_lowered:
.L_overlay_start_2:
0xf2: {  	(tag) =	ssettag $0x2  }
0xf3: {  	s0 =	rddreg [dreg:$0x0];
	s2 =	stileid.u32  }
0xf4: {  	s1 =	rddreg [dreg:$0x1];
	p0 =	sne.s32 s2, $0x0  }
0xf5: {  	s3 =	rddreg [dreg:$0x2];
	[bflag:$0x3] =	sbarrier.arrive $0xFFFF;
	s2 =	simm.s32 @!p0 $0x1C01  }
0xf6: {  	[timem:s3], [sflag:s2] =	dma.local @!p0 [hbm:s0], s1  }
0xf7: {  	s0 =	simm.s32 @!p0 $0x1  }
0xf8: {  	_ =	swait.ge @!p0 [sflag:s0], s1  }
0xf9: {  	s1 =	ssub.s32 @!p0 $0x0, s1;
	[sflag:s0] =	ssyncset.done @!p0 $0x0  }
0xfa: {  	[sflag:s0] =	ssyncadd.s32 @!p0 s1  }
0xfb: {  	[bflag:$0x3] =	sbarrier.arrive $0xFFFF  }
0xfc: {  	_ =	shalt  }

</sc_bundles>
